<compile_context>
chip_gen: v7x
topology: tpu7x:2x2x1
jax: 0.10.2.dev20260603
libtpu: 0.0.44.dev20260713+nightly
codegen_flags: <defaults>
</compile_context>

<pallas_src>
import math

import jax
import jax.numpy as jnp
from jax import lax
from jax.experimental import pallas as pl
from jax.experimental.pallas import tpu as pltpu
from jax.experimental.pallas import tpu_sc as plsc

_NC = 2
_NS = 16
_NW = _NC * _NS
_L = 16

_CHUNK = 2048
_UNROLL = 4

_E = math.exp(-0.5)
_K0 = _E / (1.0 + 2.0 * _E)
_K1 = 1.0 / (1.0 + 2.0 * _E)


def _bf16_round(v):
    u = lax.bitcast_convert_type(v, jnp.int32)
    lsb = (u >> 16) & 1
    r = (u + (32767 + lsb)) & jnp.int32(-65536)
    return lax.bitcast_convert_type(r, jnp.float32)


def _splat_body(shared, flowc, pb, wv, out, acc, stage, rowtmp, ptmp, wvv,
                dsem):
    X = 256
    NPIX = X * X
    N = shared.shape[0] // 4
    i32 = jnp.int32
    fzero = jnp.zeros((_L,), jnp.float32)

    wid = lax.axis_index("s") * _NC + lax.axis_index("c")
    b = wid

    pltpu.sync_copy(pb.at[pl.ds(b * 32, 32)], ptmp)
    pltpu.sync_copy(wv, wvv)

    p0 = ptmp[pl.ds(0, _L)]
    p1 = ptmp[pl.ds(_L, _L)]

    def bcast(v, lane):
        return v.at[jnp.full((_L,), lane, i32)].get(mode="promise_in_bounds")

    r00 = _bf16_round(bcast(p0, 0))
    r01 = _bf16_round(bcast(p0, 1))
    r02 = _bf16_round(bcast(p0, 2))
    r10 = _bf16_round(bcast(p0, 3))
    r11 = _bf16_round(bcast(p0, 4))
    r12 = _bf16_round(bcast(p0, 5))
    s0 = bcast(p0, 9)
    s1 = bcast(p0, 10)
    col_bias = 128.0 - s0
    row_bias = 128.0 - s1

    def zero_body(i, carry):
        acc[pl.ds(i * _L, _L)] = fzero
        return carry

    lax.fori_loop(0, NPIX // _L, zero_body, 0)

    n_chunks = N // _CHUNK
    C7 = 7 * _CHUNK

    def dma_descs(ch, sb):
        d1 = pltpu.make_async_copy(
            shared.at[pl.ds(ch * 4 * _CHUNK, 4 * _CHUNK)],
            stage.at[pl.ds(sb, 4 * _CHUNK)], dsem)
        d2 = pltpu.make_async_copy(
            flowc.at[pl.ds((b * n_chunks + ch) * 3 * _CHUNK, 3 * _CHUNK)],
            stage.at[pl.ds(sb + 4 * _CHUNK, 3 * _CHUNK)], dsem)
        return d1, d2

    for d in dma_descs(0, 0):
        d.start()

    def chunk_body(ch, carry):
        sb = (ch % 2) * C7
        for d in dma_descs(ch, sb):
            d.wait()

        @pl.when(ch + 1 < n_chunks)
        def _():
            for d in dma_descs(ch + 1, C7 - sb):
                d.start()

        def group_body(g, carry2):
            for u in range(_UNROLL):
                s = sb + (g * _UNROLL + u) * _L
                vx = stage[pl.ds(s, _L)] + stage[pl.ds(4 * _CHUNK + s, _L)]
                vy = (stage[pl.ds(_CHUNK + s, _L)]
                      + stage[pl.ds(5 * _CHUNK + s, _L)])
                vz = (stage[pl.ds(2 * _CHUNK + s, _L)]
                      + stage[pl.ds(6 * _CHUNK + s, _L)])
                vv = stage[pl.ds(3 * _CHUNK + s, _L)]

                vx = _bf16_round(vx - 128.0)
                vy = _bf16_round(vy - 128.0)
                vz = _bf16_round(vz - 128.0)
                colf = vx * r00 + vy * r01 + vz * r02 + col_bias
                rowf = vx * r10 + vy * r11 + vz * r12 + row_bias

                ci_t = colf.astype(jnp.int32)
                cf = ci_t.astype(jnp.float32)
                ci = jnp.where(cf > colf, ci_t - 1, ci_t)
                cf = jnp.where(cf > colf, cf - 1.0, cf)
                ri_t = rowf.astype(jnp.int32)
                rf = ri_t.astype(jnp.float32)
                ri = jnp.where(rf > rowf, ri_t - 1, ri_t)
                rf = jnp.where(rf > rowf, rf - 1.0, rf)
                fc = colf - cf
                fr = rowf - rf

                vg = vv * (1.0 - fr)
                vf = vv * fr
                a00 = vg * (1.0 - fc)
                a01 = vg * fc
                a10 = vf * (1.0 - fc)
                a11 = vf * fc

                qr0 = ri + X
                qr1 = qr0 + 1
                qc0 = ci + X
                qc1 = qc0 + 1
                u2x = jnp.uint32(2 * X)
                vr0 = qr0.astype(jnp.uint32) < u2x
                vr1 = qr1.astype(jnp.uint32) < u2x
                vc0 = qc0.astype(jnp.uint32) < u2x
                vc1 = qc1.astype(jnp.uint32) < u2x
                r0s = (qr0 & (X - 1)) * X
                r1s = (qr1 & (X - 1)) * X
                c0w = qc0 & (X - 1)
                c1w = qc1 & (X - 1)

                m00 = vr0 & vc0
                m10 = vr1 & vc0
                m11 = vr1 & vc1
                m01 = vr0 & vc1

                plsc.addupdate_scatter(acc, [r0s + c0w], a00, mask=m00)
                plsc.addupdate_scatter(acc, [r1s + c0w], a10, mask=m10)
                plsc.addupdate_scatter(acc, [r1s + c1w], a11, mask=m11)
                plsc.addupdate_scatter(acc, [r0s + c1w], a01, mask=m01)
            return carry2

        lax.fori_loop(0, _CHUNK // (_UNROLL * _L), group_body, 0)
        return carry

    lax.fori_loop(0, n_chunks, chunk_body, 0)

    nstripe = X // _L

    def vblur_body(r, carry):
        new_carry = []
        for i in range(nstripe):
            prev, cur = carry[2 * i], carry[2 * i + 1]
            nxt = acc[pl.ds((r + 1) * X + i * _L, _L)]
            acc[pl.ds(r * X + i * _L, _L)] = _K0 * prev + _K1 * cur + _K0 * nxt
            new_carry.extend((cur, nxt))
        return tuple(new_carry)

    init = []
    for i in range(nstripe):
        init.extend((fzero, acc[pl.ds(i * _L, _L)]))
    carry = lax.fori_loop(0, X - 1, vblur_body, tuple(init))
    for i in range(nstripe):
        prev, cur = carry[2 * i], carry[2 * i + 1]
        acc[pl.ds((X - 1) * X + i * _L, _L)] = _K0 * prev + _K1 * cur

    p0b = ptmp[pl.ds(0, _L)]
    p1b = ptmp[pl.ds(_L, _L)]
    xb = [bcast(p0b, 11 + k) for k in range(5)] + \
         [bcast(p1b, k) for k in range(5)]
    a_vec = fzero
    b_vec = fzero
    for jc in range(4):
        h = wvv[pl.ds(640 + jc * _L, _L)]
        for k in range(10):
            h = h + xb[k] * wvv[pl.ds(k * 64 + jc * _L, _L)]
        h = jnp.maximum(h, 0.0)
        a_vec = a_vec + h * wvv[pl.ds(704 + jc * _L, _L)]
        b_vec = b_vec + h * wvv[pl.ds(768 + jc * _L, _L)]
    lanes = jnp.arange(_L, dtype=i32)
    for k in (8, 4, 2, 1):
        perm = lanes ^ k
        a_vec = a_vec + a_vec.at[perm].get(mode="promise_in_bounds")
        b_vec = b_vec + b_vec.at[perm].get(mode="promise_in_bounds")
    a_s = a_vec + bcast(p1b, 5)
    b_s = b_vec + bcast(p1b, 6)

    ak0 = a_s * _K0
    ak1 = a_s * _K1
    rowtmp[pl.ds(0, _L)] = fzero
    rowtmp[pl.ds(16 + X, _L)] = fzero

    def hblur_body(r, carry):
        rb = r * X
        ctrs = []
        for i in range(nstripe):
            ctr = acc[pl.ds(rb + i * _L, _L)]
            rowtmp[pl.ds(16 + i * _L, _L)] = ctr
            ctrs.append(ctr)
        for i in range(nstripe):
            lft = rowtmp[pl.ds(15 + i * _L, _L)]
            rgt = rowtmp[pl.ds(17 + i * _L, _L)]
            acc[pl.ds(rb + i * _L, _L)] = (ak0 * lft + ak1 * ctrs[i]
                                           + ak0 * rgt) + b_s
        return carry

    lax.fori_loop(0, X, hblur_body, 0)

    pltpu.sync_copy(acc, out.at[pl.ds(b * NPIX, NPIX)])


def kernel(flow, x, inds, values, xsize, rotations, shifts, ctf, ctf_type,
           W1, b1, W2, b2):
    del xsize, ctf_type
    B, N, _ = flow.shape
    X = ctf.shape[-1]
    LAT = x.shape[-1]
    HID = W1.shape[-1]
    assert B == _NW and X == 256 and LAT == 10 and HID == 64

    f32 = jnp.float32
    NCH = N // _CHUNK
    baseT = inds[:, ::-1].T.astype(f32)
    shared = jnp.concatenate(
        [baseT.reshape(3, NCH, _CHUNK).transpose(1, 0, 2),
         values.reshape(NCH, 1, _CHUNK)], axis=1).reshape(-1)
    flowc = (flow.transpose(0, 2, 1)
             .reshape(B, 3, NCH, _CHUNK)
             .transpose(0, 2, 1, 3).reshape(-1))
    x2 = jnp.squeeze(x).reshape(B, LAT)
    pb = jnp.concatenate(
        [rotations.reshape(B, 9), shifts, x2,
         jnp.broadcast_to(b2, (B, 2)),
         jnp.zeros((B, 9), f32)], axis=1).reshape(-1)
    wv = jnp.concatenate(
        [W1.reshape(-1), b1, W2.T.reshape(-1)])

    mesh = plsc.VectorSubcoreMesh(core_axis_name="c", subcore_axis_name="s")
    run = pl.kernel(
        _splat_body,
        out_type=jax.ShapeDtypeStruct((B * X * X,), f32),
        mesh=mesh,
        compiler_params=pltpu.CompilerParams(needs_layout_passes=False),
        scratch_types=[
            pltpu.VMEM((X * X,), f32),
            pltpu.VMEM((2 * 7 * _CHUNK,), f32),
            pltpu.VMEM((288,), f32),
            pltpu.VMEM((32,), f32),
            pltpu.VMEM((832,), f32),
            pltpu.SemaphoreType.DMA,
        ],
    )
    out = run(shared, flowc, pb, wv)
    return out.reshape(B, X, X)

# --- scband reference (transcript-rebuilt; emitter-appended) ---
"""Pipeline reference for scband-phys-decoder-74612171866499 (READ-ONLY COPY).

The authoritative reference and input builder live on the scoring server;
editing this copy changes nothing except your own understanding.
"""

import jax, jax.numpy as jnp
import numpy as np

B = 32
N = 65536
XS = 256
LAT = 10
HID = 64


def setup_inputs(seed: int = 0) -> dict:
    key = jax.random.key(seed)
    ks = jax.random.split(key, 10)
    flow = jax.random.normal(ks[0], (B, N, 3), dtype=jnp.float32)
    x = jax.random.normal(ks[1], (B, LAT), dtype=jnp.float32)
    inds = jax.random.randint(ks[2], (N, 3), 0, XS)
    values = jax.random.normal(ks[3], (N,), dtype=jnp.float32)
    rotations = jax.random.normal(ks[4], (B, 3, 3), dtype=jnp.float32)
    shifts = jax.random.normal(ks[5], (B, 2), dtype=jnp.float32)
    ctf = jax.random.normal(ks[6], (B, XS, XS), dtype=jnp.float32)
    W1 = jax.random.normal(ks[7], (LAT, HID), dtype=jnp.float32) * 0.1
    b1 = jnp.zeros((HID,), dtype=jnp.float32)
    W2 = jax.random.normal(ks[8], (HID, 2), dtype=jnp.float32) * 0.1
    b2 = jnp.zeros((2,), dtype=jnp.float32)
    return {"flow": flow, "x": x, "inds": inds, "values": values, "xsize": XS,
            "rotations": rotations, "shifts": shifts, "ctf": ctf, "ctf_type": 0,
            "W1": W1, "b1": b1, "W2": W2, "b2": b2}


def _gaussian_blur3(img):
    # dm_pix.gaussian_blur with sigma=1.0, kernel_size=3, separable, zero ('SAME') padding
    k = jnp.array([np.exp(-0.5), 1.0, np.exp(-0.5)], dtype=img.dtype)
    k = k / k.sum()
    p = jnp.pad(img, ((0, 0), (1, 1), (0, 0)))
    img = k[0] * p[:, :-2, :] + k[1] * p[:, 1:-1, :] + k[2] * p[:, 2:, :]
    p = jnp.pad(img, ((0, 0), (0, 0), (1, 1)))
    img = k[0] * p[:, :, :-2] + k[1] * p[:, :, 1:-1] + k[2] * p[:, :, 2:]
    return img


def _image_adjustment(x_nc, W1, b1, W2, b2):
    # ImageAdjustment(lat_dim, xsize, predict_value=False): small MLP -> per-image scale a and offset b
    h = jax.nn.relu(x_nc @ W1 + b1)
    out = h @ W2 + b2
    a = out[..., 0].reshape(-1)
    b = out[..., 1].reshape(-1)
    return a, b


def reference(flow, x, inds, values, xsize, rotations, shifts, ctf, ctf_type, W1, b1, W2, b2):
    factor = 0.5 * xsize
    coords = jnp.stack([inds[:, 2], inds[:, 1], inds[:, 0]], axis=1)[None, ...].astype(flow.dtype)
    coords = coords - factor
    coords = coords + flow
    # rotations provided as [B, 3, 3] matrices (ndim == 3) so euler conversion is skipped
    coords = jnp.matmul(coords, jnp.swapaxes(rotations, 1, 2))
    coords = coords[..., :-1] - shifts[:, None, :] + factor
    Bdim = flow.shape[0]
    xsize_static = ctf.shape[-1]
    c_sampling = jnp.stack([coords[..., 1], coords[..., 0]], axis=2)
    images = jnp.zeros((Bdim, xsize_static, xsize_static), dtype=flow.dtype)
    bamp = values[None, ...]
    bposf = jnp.floor(c_sampling)
    bposi = bposf.astype(jnp.int32)
    bposf = c_sampling - bposf
    bamp0 = bamp * (1.0 - bposf[:, :, 0]) * (1.0 - bposf[:, :, 1])
    bamp1 = bamp * bposf[:, :, 0] * (1.0 - bposf[:, :, 1])
    bamp2 = bamp * bposf[:, :, 0] * bposf[:, :, 1]
    bamp3 = bamp * (1.0 - bposf[:, :, 0]) * bposf[:, :, 1]
    bamp = jnp.concatenate([bamp0, bamp1, bamp2, bamp3], axis=1)
    bposi = jnp.concatenate([bposi, bposi + jnp.array((1, 0)), bposi + jnp.array((1, 1)), bposi + jnp.array((0, 1))], axis=1)

    def scatter_img(image, bpos_i, bamp_i):
        return image.at[bpos_i[..., 0], bpos_i[..., 1]].add(bamp_i)

    images = jax.vmap(scatter_img)(images, bposi, bamp)
    images = _gaussian_blur3(images)
    x_nc = jnp.squeeze(x)
    if x_nc.ndim == 2:
        x_nc = x_nc[None, ...]
    a, b = _image_adjustment(x_nc, W1, b1, W2, b2)
    if a.ndim == 1:
        images = a[:, None, None] * images + b[:, None, None]
    else:
        images = a * images + b
    # ctf_type == 0 (not in ['apply', 'wiener', 'squared']) -> ctfFilter skipped
    return images


if False:  # reference __main__ guard neutralized (emitter)
    out = reference(**setup_inputs())
    print(out.shape, out.dtype)

if __name__ == "__main__":
    import jax
    _d = setup_inputs()
    print(jax.jit(kernel)(*tuple(_d.values())))

</pallas_src>

<mosaic_0001>
#map = affine_map<(d0, d1) -> (0)>
module attributes {stable_mosaic.version = 14 : i64} {
  func.func @_splat_body(%arg0: i32, %arg1: i32, %arg2: memref<262144xf32, #tpu.memory_space<hbm>>, %arg3: memref<6291456xf32, #tpu.memory_space<hbm>>, %arg4: memref<1024xf32, #tpu.memory_space<hbm>>, %arg5: memref<832xf32, #tpu.memory_space<hbm>>, %arg6: memref<2097152xf32, #tpu.memory_space<hbm>>, %arg7: memref<65536xf32, #tpu.memory_space<vmem>>, %arg8: memref<28672xf32, #tpu.memory_space<vmem>>, %arg9: memref<288xf32, #tpu.memory_space<vmem>>, %arg10: memref<32xf32, #tpu.memory_space<vmem>>, %arg11: memref<832xf32, #tpu.memory_space<vmem>>, %arg12: memref<!tpu.dma_semaphore, #tpu.memory_space<semaphore_mem>>) attributes {dimension_semantics = [#tpu.dimension_semantics<core_parallel>, #tpu.dimension_semantics<subcore_parallel>], iteration_bounds = array<i64: 2, 16>, scalar_prefetch = 0 : i64, scratch_operands = 6 : i64, tpu.core_type = #tpu.core_type<sc_vector_subcore>, window_params = [{transform_indices = #map}, {transform_indices = #map}, {transform_indices = #map}, {transform_indices = #map}, {transform_indices = #map}]} {
    %broadcast_in_dim3A = arith.constant 0.000000e+00 : f32
    %broadcast_in_dim3A_0 = vector.broadcast %broadcast_in_dim3A : f32 to vector<16xf32>
    %mul3A = arith.constant 2 : i32
    %mul3A_1 = arith.muli %arg1, %mul3A : i32
    %add3A = arith.addi %mul3A_1, %arg0 : i32
    %mul3A_2 = arith.constant 32 : i32
    %mul3A_3 = arith.muli %add3A, %mul3A_2 : i32
    "tpu.region"() ({
      %run_scoped3A = tpu.sem_alloc : memref<!tpu.dma_semaphore, #tpu.memory_space<semaphore_mem>>
      %dma_start3A_883 = tpu.memref_slice %arg4[%mul3A_3] : memref<1024xf32, #tpu.memory_space<hbm>> -> memref<32xf32, #tpu.memory_space<hbm>>
      %dma_start3A_884 = tpu.memref_slice %arg4[%mul3A_3] : memref<1024xf32, #tpu.memory_space<hbm>> -> memref<32xf32, #tpu.memory_space<hbm>>
      tpu.enqueue_dma source(%dma_start3A_884 : memref<32xf32, #tpu.memory_space<hbm>>) target(%arg10 : memref<32xf32, #tpu.memory_space<vmem>>) target_semaphore(%run_scoped3A : memref<!tpu.dma_semaphore, #tpu.memory_space<semaphore_mem>>)
      %dma_wait3A = tpu.memref_slice %arg4[%mul3A_3] : memref<1024xf32, #tpu.memory_space<hbm>> -> memref<32xf32, #tpu.memory_space<hbm>>
      %dma_wait3A_885 = tpu.memref_slice %arg4[%mul3A_3] : memref<1024xf32, #tpu.memory_space<hbm>> -> memref<32xf32, #tpu.memory_space<hbm>>
      tpu.wait_dma2 semaphore(%run_scoped3A : memref<!tpu.dma_semaphore, #tpu.memory_space<semaphore_mem>>) src(%dma_wait3A_885 : memref<32xf32, #tpu.memory_space<hbm>>) dst(%arg10 : memref<32xf32, #tpu.memory_space<vmem>>)
      tpu.yield
    }) : () -> ()
    "tpu.region"() ({
      %run_scoped3A = tpu.sem_alloc : memref<!tpu.dma_semaphore, #tpu.memory_space<semaphore_mem>>
      tpu.enqueue_dma source(%arg5 : memref<832xf32, #tpu.memory_space<hbm>>) target(%arg11 : memref<832xf32, #tpu.memory_space<vmem>>) target_semaphore(%run_scoped3A : memref<!tpu.dma_semaphore, #tpu.memory_space<semaphore_mem>>)
      tpu.wait_dma2 semaphore(%run_scoped3A : memref<!tpu.dma_semaphore, #tpu.memory_space<semaphore_mem>>) src(%arg5 : memref<832xf32, #tpu.memory_space<hbm>>) dst(%arg11 : memref<832xf32, #tpu.memory_space<vmem>>)
      tpu.yield
    }) : () -> ()
    %get3A = arith.constant 0 : index
    %get3A_4 = tpu.vector_load %arg10[%get3A] {strides = array<i32>} : memref<32xf32, #tpu.memory_space<vmem>>, vector<16xf32>,
    %get3A_5 = arith.constant 16 : index
    %get3A_6 = tpu.vector_load %arg10[%get3A_5] {strides = array<i32>} : memref<32xf32, #tpu.memory_space<vmem>>, vector<16xf32>,
    %broadcast_in_dim3A_7 = arith.constant 0 : i32
    %broadcast_in_dim3A_8 = vector.broadcast %broadcast_in_dim3A_7 : i32 to vector<16xi32>
    %lt3A = arith.constant 0 : i32
    %lt3A_9 = vector.broadcast %lt3A : i32 to vector<16xi32>
    %lt3A_10 = arith.cmpi slt, %broadcast_in_dim3A_8, %lt3A_9 : vector<16xi32>
    %add3A_11 = arith.constant 16 : i32
    %add3A_12 = vector.broadcast %add3A_11 : i32 to vector<16xi32>
    %add3A_13 = arith.addi %broadcast_in_dim3A_8, %add3A_12 : vector<16xi32>
    %select_n3A = arith.select %lt3A_10, %add3A_13, %broadcast_in_dim3A_8 : vector<16xi1>, vector<16xi32>
    %broadcast_in_dim3A_14 = vector.shape_cast %select_n3A : vector<16xi32> to vector<16x1xi32>
    %gather3A = vector.shape_cast %broadcast_in_dim3A_14 : vector<16x1xi32> to vector<16xi32>
    %gather3A_15 = tpu.dynamic_gather %get3A_4[%gather3A] in [0] : vector<16xf32>, vector<16xi32> -> vector<16xf32>
    %bitcast_convert_type3A = tpu.bitcast %gather3A_15 : vector<16xf32> -> vector<16xi32>
    %shift_right_arithmetic3A = arith.constant 16 : i32
    %shift_right_arithmetic3A_16 = vector.broadcast %shift_right_arithmetic3A : i32 to vector<16xi32>
    %shift_right_arithmetic3A_17 = arith.shrsi %bitcast_convert_type3A, %shift_right_arithmetic3A_16 : vector<16xi32>
    %and3A = arith.constant 1 : i32
    %and3A_18 = vector.broadcast %and3A : i32 to vector<16xi32>
    %and3A_19 = arith.andi %shift_right_arithmetic3A_17, %and3A_18 : vector<16xi32>
    %add3A_20 = arith.constant 32767 : i32
    %add3A_21 = vector.broadcast %add3A_20 : i32 to vector<16xi32>
    %add3A_22 = arith.addi %add3A_21, %and3A_19 : vector<16xi32>
    %add3A_23 = arith.addi %bitcast_convert_type3A, %add3A_22 : vector<16xi32>
    %and3A_24 = arith.constant -65536 : i32
    %and3A_25 = vector.broadcast %and3A_24 : i32 to vector<16xi32>
    %and3A_26 = arith.andi %add3A_23, %and3A_25 : vector<16xi32>
    %bitcast_convert_type3A_27 = tpu.bitcast %and3A_26 : vector<16xi32> -> vector<16xf32>
    %broadcast_in_dim3A_28 = arith.constant 1 : i32
    %broadcast_in_dim3A_29 = vector.broadcast %broadcast_in_dim3A_28 : i32 to vector<16xi32>
    %lt3A_30 = arith.constant 0 : i32
    %lt3A_31 = vector.broadcast %lt3A_30 : i32 to vector<16xi32>
    %lt3A_32 = arith.cmpi slt, %broadcast_in_dim3A_29, %lt3A_31 : vector<16xi32>
    %add3A_33 = arith.constant 16 : i32
    %add3A_34 = vector.broadcast %add3A_33 : i32 to vector<16xi32>
    %add3A_35 = arith.addi %broadcast_in_dim3A_29, %add3A_34 : vector<16xi32>
    %select_n3A_36 = arith.select %lt3A_32, %add3A_35, %broadcast_in_dim3A_29 : vector<16xi1>, vector<16xi32>
    %broadcast_in_dim3A_37 = vector.shape_cast %select_n3A_36 : vector<16xi32> to vector<16x1xi32>
    %gather3A_38 = vector.shape_cast %broadcast_in_dim3A_37 : vector<16x1xi32> to vector<16xi32>
    %gather3A_39 = tpu.dynamic_gather %get3A_4[%gather3A_38] in [0] : vector<16xf32>, vector<16xi32> -> vector<16xf32>
    %bitcast_convert_type3A_40 = tpu.bitcast %gather3A_39 : vector<16xf32> -> vector<16xi32>
    %shift_right_arithmetic3A_41 = arith.constant 16 : i32
    %shift_right_arithmetic3A_42 = vector.broadcast %shift_right_arithmetic3A_41 : i32 to vector<16xi32>
    %shift_right_arithmetic3A_43 = arith.shrsi %bitcast_convert_type3A_40, %shift_right_arithmetic3A_42 : vector<16xi32>
    %and3A_44 = arith.constant 1 : i32
    %and3A_45 = vector.broadcast %and3A_44 : i32 to vector<16xi32>
    %and3A_46 = arith.andi %shift_right_arithmetic3A_43, %and3A_45 : vector<16xi32>
    %add3A_47 = arith.constant 32767 : i32
    %add3A_48 = vector.broadcast %add3A_47 : i32 to vector<16xi32>
    %add3A_49 = arith.addi %add3A_48, %and3A_46 : vector<16xi32>
    %add3A_50 = arith.addi %bitcast_convert_type3A_40, %add3A_49 : vector<16xi32>
    %and3A_51 = arith.constant -65536 : i32
    %and3A_52 = vector.broadcast %and3A_51 : i32 to vector<16xi32>
    %and3A_53 = arith.andi %add3A_50, %and3A_52 : vector<16xi32>
    %bitcast_convert_type3A_54 = tpu.bitcast %and3A_53 : vector<16xi32> -> vector<16xf32>
    %broadcast_in_dim3A_55 = arith.constant 2 : i32
    %broadcast_in_dim3A_56 = vector.broadcast %broadcast_in_dim3A_55 : i32 to vector<16xi32>
    %lt3A_57 = arith.constant 0 : i32
    %lt3A_58 = vector.broadcast %lt3A_57 : i32 to vector<16xi32>
    %lt3A_59 = arith.cmpi slt, %broadcast_in_dim3A_56, %lt3A_58 : vector<16xi32>
    %add3A_60 = arith.constant 16 : i32
    %add3A_61 = vector.broadcast %add3A_60 : i32 to vector<16xi32>
    %add3A_62 = arith.addi %broadcast_in_dim3A_56, %add3A_61 : vector<16xi32>
    %select_n3A_63 = arith.select %lt3A_59, %add3A_62, %broadcast_in_dim3A_56 : vector<16xi1>, vector<16xi32>
    %broadcast_in_dim3A_64 = vector.shape_cast %select_n3A_63 : vector<16xi32> to vector<16x1xi32>
    %gather3A_65 = vector.shape_cast %broadcast_in_dim3A_64 : vector<16x1xi32> to vector<16xi32>
    %gather3A_66 = tpu.dynamic_gather %get3A_4[%gather3A_65] in [0] : vector<16xf32>, vector<16xi32> -> vector<16xf32>
    %bitcast_convert_type3A_67 = tpu.bitcast %gather3A_66 : vector<16xf32> -> vector<16xi32>
    %shift_right_arithmetic3A_68 = arith.constant 16 : i32
    %shift_right_arithmetic3A_69 = vector.broadcast %shift_right_arithmetic3A_68 : i32 to vector<16xi32>
    %shift_right_arithmetic3A_70 = arith.shrsi %bitcast_convert_type3A_67, %shift_right_arithmetic3A_69 : vector<16xi32>
    %and3A_71 = arith.constant 1 : i32
    %and3A_72 = vector.broadcast %and3A_71 : i32 to vector<16xi32>
    %and3A_73 = arith.andi %shift_right_arithmetic3A_70, %and3A_72 : vector<16xi32>
    %add3A_74 = arith.constant 32767 : i32
    %add3A_75 = vector.broadcast %add3A_74 : i32 to vector<16xi32>
    %add3A_76 = arith.addi %add3A_75, %and3A_73 : vector<16xi32>
    %add3A_77 = arith.addi %bitcast_convert_type3A_67, %add3A_76 : vector<16xi32>
    %and3A_78 = arith.constant -65536 : i32
    %and3A_79 = vector.broadcast %and3A_78 : i32 to vector<16xi32>
    %and3A_80 = arith.andi %add3A_77, %and3A_79 : vector<16xi32>
    %bitcast_convert_type3A_81 = tpu.bitcast %and3A_80 : vector<16xi32> -> vector<16xf32>
    %broadcast_in_dim3A_82 = arith.constant 3 : i32
    %broadcast_in_dim3A_83 = vector.broadcast %broadcast_in_dim3A_82 : i32 to vector<16xi32>
    %lt3A_84 = arith.constant 0 : i32
    %lt3A_85 = vector.broadcast %lt3A_84 : i32 to vector<16xi32>
    %lt3A_86 = arith.cmpi slt, %broadcast_in_dim3A_83, %lt3A_85 : vector<16xi32>
    %add3A_87 = arith.constant 16 : i32
    %add3A_88 = vector.broadcast %add3A_87 : i32 to vector<16xi32>
    %add3A_89 = arith.addi %broadcast_in_dim3A_83, %add3A_88 : vector<16xi32>
    %select_n3A_90 = arith.select %lt3A_86, %add3A_89, %broadcast_in_dim3A_83 : vector<16xi1>, vector<16xi32>
    %broadcast_in_dim3A_91 = vector.shape_cast %select_n3A_90 : vector<16xi32> to vector<16x1xi32>
    %gather3A_92 = vector.shape_cast %broadcast_in_dim3A_91 : vector<16x1xi32> to vector<16xi32>
    %gather3A_93 = tpu.dynamic_gather %get3A_4[%gather3A_92] in [0] : vector<16xf32>, vector<16xi32> -> vector<16xf32>
    %bitcast_convert_type3A_94 = tpu.bitcast %gather3A_93 : vector<16xf32> -> vector<16xi32>
    %shift_right_arithmetic3A_95 = arith.constant 16 : i32
    %shift_right_arithmetic3A_96 = vector.broadcast %shift_right_arithmetic3A_95 : i32 to vector<16xi32>
    %shift_right_arithmetic3A_97 = arith.shrsi %bitcast_convert_type3A_94, %shift_right_arithmetic3A_96 : vector<16xi32>
    %and3A_98 = arith.constant 1 : i32
    %and3A_99 = vector.broadcast %and3A_98 : i32 to vector<16xi32>
    %and3A_100 = arith.andi %shift_right_arithmetic3A_97, %and3A_99 : vector<16xi32>
    %add3A_101 = arith.constant 32767 : i32
    %add3A_102 = vector.broadcast %add3A_101 : i32 to vector<16xi32>
    %add3A_103 = arith.addi %add3A_102, %and3A_100 : vector<16xi32>
    %add3A_104 = arith.addi %bitcast_convert_type3A_94, %add3A_103 : vector<16xi32>
    %and3A_105 = arith.constant -65536 : i32
    %and3A_106 = vector.broadcast %and3A_105 : i32 to vector<16xi32>
    %and3A_107 = arith.andi %add3A_104, %and3A_106 : vector<16xi32>
    %bitcast_convert_type3A_108 = tpu.bitcast %and3A_107 : vector<16xi32> -> vector<16xf32>
    %broadcast_in_dim3A_109 = arith.constant 4 : i32
    %broadcast_in_dim3A_110 = vector.broadcast %broadcast_in_dim3A_109 : i32 to vector<16xi32>
    %lt3A_111 = arith.constant 0 : i32
    %lt3A_112 = vector.broadcast %lt3A_111 : i32 to vector<16xi32>
    %lt3A_113 = arith.cmpi slt, %broadcast_in_dim3A_110, %lt3A_112 : vector<16xi32>
    %add3A_114 = arith.constant 16 : i32
    %add3A_115 = vector.broadcast %add3A_114 : i32 to vector<16xi32>
    %add3A_116 = arith.addi %broadcast_in_dim3A_110, %add3A_115 : vector<16xi32>
    %select_n3A_117 = arith.select %lt3A_113, %add3A_116, %broadcast_in_dim3A_110 : vector<16xi1>, vector<16xi32>
    %broadcast_in_dim3A_118 = vector.shape_cast %select_n3A_117 : vector<16xi32> to vector<16x1xi32>
    %gather3A_119 = vector.shape_cast %broadcast_in_dim3A_118 : vector<16x1xi32> to vector<16xi32>
    %gather3A_120 = tpu.dynamic_gather %get3A_4[%gather3A_119] in [0] : vector<16xf32>, vector<16xi32> -> vector<16xf32>
    %bitcast_convert_type3A_121 = tpu.bitcast %gather3A_120 : vector<16xf32> -> vector<16xi32>
    %shift_right_arithmetic3A_122 = arith.constant 16 : i32
    %shift_right_arithmetic3A_123 = vector.broadcast %shift_right_arithmetic3A_122 : i32 to vector<16xi32>
    %shift_right_arithmetic3A_124 = arith.shrsi %bitcast_convert_type3A_121, %shift_right_arithmetic3A_123 : vector<16xi32>
    %and3A_125 = arith.constant 1 : i32
    %and3A_126 = vector.broadcast %and3A_125 : i32 to vector<16xi32>
    %and3A_127 = arith.andi %shift_right_arithmetic3A_124, %and3A_126 : vector<16xi32>
    %add3A_128 = arith.constant 32767 : i32
    %add3A_129 = vector.broadcast %add3A_128 : i32 to vector<16xi32>
    %add3A_130 = arith.addi %add3A_129, %and3A_127 : vector<16xi32>
    %add3A_131 = arith.addi %bitcast_convert_type3A_121, %add3A_130 : vector<16xi32>
    %and3A_132 = arith.constant -65536 : i32
    %and3A_133 = vector.broadcast %and3A_132 : i32 to vector<16xi32>
    %and3A_134 = arith.andi %add3A_131, %and3A_133 : vector<16xi32>
    %bitcast_convert_type3A_135 = tpu.bitcast %and3A_134 : vector<16xi32> -> vector<16xf32>
    %broadcast_in_dim3A_136 = arith.constant 5 : i32
    %broadcast_in_dim3A_137 = vector.broadcast %broadcast_in_dim3A_136 : i32 to vector<16xi32>
    %lt3A_138 = arith.constant 0 : i32
    %lt3A_139 = vector.broadcast %lt3A_138 : i32 to vector<16xi32>
    %lt3A_140 = arith.cmpi slt, %broadcast_in_dim3A_137, %lt3A_139 : vector<16xi32>
    %add3A_141 = arith.constant 16 : i32
    %add3A_142 = vector.broadcast %add3A_141 : i32 to vector<16xi32>
    %add3A_143 = arith.addi %broadcast_in_dim3A_137, %add3A_142 : vector<16xi32>
    %select_n3A_144 = arith.select %lt3A_140, %add3A_143, %broadcast_in_dim3A_137 : vector<16xi1>, vector<16xi32>
    %broadcast_in_dim3A_145 = vector.shape_cast %select_n3A_144 : vector<16xi32> to vector<16x1xi32>
    %gather3A_146 = vector.shape_cast %broadcast_in_dim3A_145 : vector<16x1xi32> to vector<16xi32>
    %gather3A_147 = tpu.dynamic_gather %get3A_4[%gather3A_146] in [0] : vector<16xf32>, vector<16xi32> -> vector<16xf32>
    %bitcast_convert_type3A_148 = tpu.bitcast %gather3A_147 : vector<16xf32> -> vector<16xi32>
    %shift_right_arithmetic3A_149 = arith.constant 16 : i32
    %shift_right_arithmetic3A_150 = vector.broadcast %shift_right_arithmetic3A_149 : i32 to vector<16xi32>
    %shift_right_arithmetic3A_151 = arith.shrsi %bitcast_convert_type3A_148, %shift_right_arithmetic3A_150 : vector<16xi32>
    %and3A_152 = arith.constant 1 : i32
    %and3A_153 = vector.broadcast %and3A_152 : i32 to vector<16xi32>
    %and3A_154 = arith.andi %shift_right_arithmetic3A_151, %and3A_153 : vector<16xi32>
    %add3A_155 = arith.constant 32767 : i32
    %add3A_156 = vector.broadcast %add3A_155 : i32 to vector<16xi32>
    %add3A_157 = arith.addi %add3A_156, %and3A_154 : vector<16xi32>
    %add3A_158 = arith.addi %bitcast_convert_type3A_148, %add3A_157 : vector<16xi32>
    %and3A_159 = arith.constant -65536 : i32
    %and3A_160 = vector.broadcast %and3A_159 : i32 to vector<16xi32>
    %and3A_161 = arith.andi %add3A_158, %and3A_160 : vector<16xi32>
    %bitcast_convert_type3A_162 = tpu.bitcast %and3A_161 : vector<16xi32> -> vector<16xf32>
    %broadcast_in_dim3A_163 = arith.constant 9 : i32
    %broadcast_in_dim3A_164 = vector.broadcast %broadcast_in_dim3A_163 : i32 to vector<16xi32>
    %lt3A_165 = arith.constant 0 : i32
    %lt3A_166 = vector.broadcast %lt3A_165 : i32 to vector<16xi32>
    %lt3A_167 = arith.cmpi slt, %broadcast_in_dim3A_164, %lt3A_166 : vector<16xi32>
    %add3A_168 = arith.constant 16 : i32
    %add3A_169 = vector.broadcast %add3A_168 : i32 to vector<16xi32>
    %add3A_170 = arith.addi %broadcast_in_dim3A_164, %add3A_169 : vector<16xi32>
    %select_n3A_171 = arith.select %lt3A_167, %add3A_170, %broadcast_in_dim3A_164 : vector<16xi1>, vector<16xi32>
    %broadcast_in_dim3A_172 = vector.shape_cast %select_n3A_171 : vector<16xi32> to vector<16x1xi32>
    %gather3A_173 = vector.shape_cast %broadcast_in_dim3A_172 : vector<16x1xi32> to vector<16xi32>
    %gather3A_174 = tpu.dynamic_gather %get3A_4[%gather3A_173] in [0] : vector<16xf32>, vector<16xi32> -> vector<16xf32>
    %broadcast_in_dim3A_175 = arith.constant 10 : i32
    %broadcast_in_dim3A_176 = vector.broadcast %broadcast_in_dim3A_175 : i32 to vector<16xi32>
    %lt3A_177 = arith.constant 0 : i32
    %lt3A_178 = vector.broadcast %lt3A_177 : i32 to vector<16xi32>
    %lt3A_179 = arith.cmpi slt, %broadcast_in_dim3A_176, %lt3A_178 : vector<16xi32>
    %add3A_180 = arith.constant 16 : i32
    %add3A_181 = vector.broadcast %add3A_180 : i32 to vector<16xi32>
    %add3A_182 = arith.addi %broadcast_in_dim3A_176, %add3A_181 : vector<16xi32>
    %select_n3A_183 = arith.select %lt3A_179, %add3A_182, %broadcast_in_dim3A_176 : vector<16xi1>, vector<16xi32>
    %broadcast_in_dim3A_184 = vector.shape_cast %select_n3A_183 : vector<16xi32> to vector<16x1xi32>
    %gather3A_185 = vector.shape_cast %broadcast_in_dim3A_184 : vector<16x1xi32> to vector<16xi32>
    %gather3A_186 = tpu.dynamic_gather %get3A_4[%gather3A_185] in [0] : vector<16xf32>, vector<16xi32> -> vector<16xf32>
    %sub3A = arith.constant 1.280000e+02 : f32
    %sub3A_187 = vector.broadcast %sub3A : f32 to vector<16xf32>
    %sub3A_188 = arith.subf %sub3A_187, %gather3A_174 : vector<16xf32>
    %sub3A_189 = arith.constant 1.280000e+02 : f32
    %sub3A_190 = vector.broadcast %sub3A_189 : f32 to vector<16xf32>
    %sub3A_191 = arith.subf %sub3A_190, %gather3A_186 : vector<16xf32>
    %scan3A = arith.constant 0 : i32
    %scan3A_192 = arith.constant 0 : i32
    %scan3A_193 = arith.constant 4096 : i32
    %scan3A_194 = arith.addi %scan3A_192, %scan3A_193 : i32
    %scan3A_195 = arith.constant 1 : i32
    scf.for %scan3A_883 = %scan3A_192 to %scan3A_194 step %scan3A_195  : i32 {
      %mul3A_884 = arith.constant 16 : i32
      %mul3A_885 = arith.muli %scan3A_883, %mul3A_884 : i32
      %swap3A_886 = arith.index_cast %mul3A_885 : i32 to index
      %swap3A_887 = tpu.vector_load %arg7[%swap3A_886] {strides = array<i32>} : memref<65536xf32, #tpu.memory_space<vmem>>, vector<16xf32>,
      tpu.vector_store %arg7[%swap3A_886], %broadcast_in_dim3A_0 {strides = array<i32>} : memref<65536xf32, #tpu.memory_space<vmem>>, vector<16xf32>,
    }
    %scan3A_196 = arith.constant 4096 : i32
    %mul3A_197 = arith.constant 32 : i32
    %mul3A_198 = arith.muli %add3A, %mul3A_197 : i32
    %add3A_199 = arith.constant 0 : i32
    %add3A_200 = arith.addi %mul3A_198, %add3A_199 : i32
    %mul3A_201 = arith.constant 3 : i32
    %mul3A_202 = arith.muli %add3A_200, %mul3A_201 : i32
    %mul3A_203 = arith.constant 2048 : i32
    %mul3A_204 = arith.muli %mul3A_202, %mul3A_203 : i32
    %dma_start3A = arith.constant 0 : i32
    %dma_start3A_205 = tpu.memref_slice %arg8[%dma_start3A] : memref<28672xf32, #tpu.memory_space<vmem>> -> memref<8192xf32, #tpu.memory_space<vmem>>
    %dma_start3A_206 = arith.constant 0 : i32
    %dma_start3A_207 = tpu.memref_slice %arg2[%dma_start3A_206] : memref<262144xf32, #tpu.memory_space<hbm>> -> memref<8192xf32, #tpu.memory_space<hbm>>
    %dma_start3A_208 = arith.constant 0 : i32
    %dma_start3A_209 = tpu.memref_slice %arg8[%dma_start3A_208] : memref<28672xf32, #tpu.memory_space<vmem>> -> memref<8192xf32, #tpu.memory_space<vmem>>
    %dma_start3A_210 = arith.constant 0 : i32
    %dma_start3A_211 = tpu.memref_slice %arg2[%dma_start3A_210] : memref<262144xf32, #tpu.memory_space<hbm>> -> memref<8192xf32, #tpu.memory_space<hbm>>
    tpu.enqueue_dma source(%dma_start3A_211 : memref<8192xf32, #tpu.memory_space<hbm>>) target(%dma_start3A_209 : memref<8192xf32, #tpu.memory_space<vmem>>) target_semaphore(%arg12 : memref<!tpu.dma_semaphore, #tpu.memory_space<semaphore_mem>>)
    %dma_start3A_212 = arith.constant 8192 : i32
    %dma_start3A_213 = tpu.memref_slice %arg8[%dma_start3A_212] : memref<28672xf32, #tpu.memory_space<vmem>> -> memref<6144xf32, #tpu.memory_space<vmem>>
    %dma_start3A_214 = tpu.memref_slice %arg3[%mul3A_204] : memref<6291456xf32, #tpu.memory_space<hbm>> -> memref<6144xf32, #tpu.memory_space<hbm>>
    %dma_start3A_215 = arith.constant 8192 : i32
    %dma_start3A_216 = tpu.memref_slice %arg8[%dma_start3A_215] : memref<28672xf32, #tpu.memory_space<vmem>> -> memref<6144xf32, #tpu.memory_space<vmem>>
    %dma_start3A_217 = tpu.memref_slice %arg3[%mul3A_204] : memref<6291456xf32, #tpu.memory_space<hbm>> -> memref<6144xf32, #tpu.memory_space<hbm>>
    tpu.enqueue_dma source(%dma_start3A_217 : memref<6144xf32, #tpu.memory_space<hbm>>) target(%dma_start3A_216 : memref<6144xf32, #tpu.memory_space<vmem>>) target_semaphore(%arg12 : memref<!tpu.dma_semaphore, #tpu.memory_space<semaphore_mem>>)
    %scan3A_218 = arith.constant 0 : i32
    %scan3A_219 = arith.constant 0 : i32
    %scan3A_220 = arith.constant 32 : i32
    %scan3A_221 = arith.addi %scan3A_219, %scan3A_220 : i32
    %scan3A_222 = arith.constant 1 : i32
    scf.for %scan3A_883 = %scan3A_219 to %scan3A_221 step %scan3A_222  : i32 {
      %jit3A = arith.constant 2 : i32
      %eq3A = arith.constant 0 : i32
      %eq3A_884 = arith.cmpi eq, %jit3A, %eq3A : i32
      %jit3A_885 = arith.constant 1 : i32
      %select_n3A_886 = arith.select %eq3A_884, %jit3A_885, %jit3A : i32
      %rem3A = arith.remsi %scan3A_883, %select_n3A_886 : i32
      %ne3A = arith.constant 0 : i32
      %ne3A_887 = arith.cmpi ne, %rem3A, %ne3A : i32
      %lt3A_888 = arith.constant 0 : i32
      %lt3A_889 = arith.cmpi slt, %rem3A, %lt3A_888 : i32
      %lt3A_890 = arith.constant 0 : i32
      %lt3A_891 = arith.cmpi slt, %select_n3A_886, %lt3A_890 : i32
      %ne3A_892 = arith.xori %lt3A_889, %lt3A_891 : i1
      %and3A_893 = arith.andi %ne3A_892, %ne3A_887 : i1
      %add3A_894 = arith.addi %rem3A, %select_n3A_886 : i32
      %select_n3A_895 = arith.select %and3A_893, %add3A_894, %rem3A : i32
      %mul3A_896 = arith.constant 14336 : i32
      %mul3A_897 = arith.muli %select_n3A_895, %mul3A_896 : i32
      %mul3A_898 = arith.constant 4 : i32
      %mul3A_899 = arith.muli %scan3A_883, %mul3A_898 : i32
      %mul3A_900 = arith.constant 2048 : i32
      %mul3A_901 = arith.muli %mul3A_899, %mul3A_900 : i32
      %mul3A_902 = arith.constant 32 : i32
      %mul3A_903 = arith.muli %add3A, %mul3A_902 : i32
      %add3A_904 = arith.addi %mul3A_903, %scan3A_883 : i32
      %mul3A_905 = arith.constant 3 : i32
      %mul3A_906 = arith.muli %add3A_904, %mul3A_905 : i32
      %mul3A_907 = arith.constant 2048 : i32
      %mul3A_908 = arith.muli %mul3A_906, %mul3A_907 : i32
      %add3A_909 = arith.constant 8192 : i32
      %add3A_910 = arith.addi %mul3A_897, %add3A_909 : i32
      %dma_wait3A = tpu.memref_slice %arg8[%mul3A_897] : memref<28672xf32, #tpu.memory_space<vmem>> -> memref<8192xf32, #tpu.memory_space<vmem>>
      %dma_wait3A_911 = tpu.memref_slice %arg2[%mul3A_901] : memref<262144xf32, #tpu.memory_space<hbm>> -> memref<8192xf32, #tpu.memory_space<hbm>>
      %dma_wait3A_912 = tpu.memref_slice %arg8[%mul3A_897] : memref<28672xf32, #tpu.memory_space<vmem>> -> memref<8192xf32, #tpu.memory_space<vmem>>
      %dma_wait3A_913 = tpu.memref_slice %arg2[%mul3A_901] : memref<262144xf32, #tpu.memory_space<hbm>> -> memref<8192xf32, #tpu.memory_space<hbm>>
      tpu.wait_dma2 semaphore(%arg12 : memref<!tpu.dma_semaphore, #tpu.memory_space<semaphore_mem>>) src(%dma_wait3A_913 : memref<8192xf32, #tpu.memory_space<hbm>>) dst(%dma_wait3A_912 : memref<8192xf32, #tpu.memory_space<vmem>>)
      %dma_wait3A_914 = tpu.memref_slice %arg8[%add3A_910] : memref<28672xf32, #tpu.memory_space<vmem>> -> memref<6144xf32, #tpu.memory_space<vmem>>
      %dma_wait3A_915 = tpu.memref_slice %arg3[%mul3A_908] : memref<6291456xf32, #tpu.memory_space<hbm>> -> memref<6144xf32, #tpu.memory_space<hbm>>
      %dma_wait3A_916 = tpu.memref_slice %arg8[%add3A_910] : memref<28672xf32, #tpu.memory_space<vmem>> -> memref<6144xf32, #tpu.memory_space<vmem>>
      %dma_wait3A_917 = tpu.memref_slice %arg3[%mul3A_908] : memref<6291456xf32, #tpu.memory_space<hbm>> -> memref<6144xf32, #tpu.memory_space<hbm>>
      tpu.wait_dma2 semaphore(%arg12 : memref<!tpu.dma_semaphore, #tpu.memory_space<semaphore_mem>>) src(%dma_wait3A_917 : memref<6144xf32, #tpu.memory_space<hbm>>) dst(%dma_wait3A_916 : memref<6144xf32, #tpu.memory_space<vmem>>)
      %add3A_918 = arith.constant 1 : i32
      %add3A_919 = arith.addi %scan3A_883, %add3A_918 : i32
      %lt3A_920 = arith.constant 32 : i32
      %lt3A_921 = arith.cmpi slt, %add3A_919, %lt3A_920 : i32
      %convert_element_type3A = arith.extui %lt3A_921 : i1 to i32
      %cond3A = arith.constant 0 : i32
      %cond3A_922 = arith.cmpi ne, %convert_element_type3A, %cond3A : i32
      scf.if %cond3A_922 {
        %add3A_929 = arith.constant 1 : i32
        %add3A_930 = arith.addi %scan3A_883, %add3A_929 : i32
        %sub3A_931 = arith.constant 14336 : i32
        %sub3A_932 = arith.subi %sub3A_931, %mul3A_897 : i32
        %mul3A_933 = arith.constant 4 : i32
        %mul3A_934 = arith.muli %add3A_930, %mul3A_933 : i32
        %mul3A_935 = arith.constant 2048 : i32
        %mul3A_936 = arith.muli %mul3A_934, %mul3A_935 : i32
        %mul3A_937 = arith.constant 32 : i32
        %mul3A_938 = arith.muli %add3A, %mul3A_937 : i32
        %add3A_939 = arith.addi %mul3A_938, %add3A_930 : i32
        %mul3A_940 = arith.constant 3 : i32
        %mul3A_941 = arith.muli %add3A_939, %mul3A_940 : i32
        %mul3A_942 = arith.constant 2048 : i32
        %mul3A_943 = arith.muli %mul3A_941, %mul3A_942 : i32
        %add3A_944 = arith.constant 8192 : i32
        %add3A_945 = arith.addi %sub3A_932, %add3A_944 : i32
        %dma_start3A_946 = tpu.memref_slice %arg8[%sub3A_932] : memref<28672xf32, #tpu.memory_space<vmem>> -> memref<8192xf32, #tpu.memory_space<vmem>>
        %dma_start3A_947 = tpu.memref_slice %arg2[%mul3A_936] : memref<262144xf32, #tpu.memory_space<hbm>> -> memref<8192xf32, #tpu.memory_space<hbm>>
        %dma_start3A_948 = tpu.memref_slice %arg8[%sub3A_932] : memref<28672xf32, #tpu.memory_space<vmem>> -> memref<8192xf32, #tpu.memory_space<vmem>>
        %dma_start3A_949 = tpu.memref_slice %arg2[%mul3A_936] : memref<262144xf32, #tpu.memory_space<hbm>> -> memref<8192xf32, #tpu.memory_space<hbm>>
        tpu.enqueue_dma source(%dma_start3A_949 : memref<8192xf32, #tpu.memory_space<hbm>>) target(%dma_start3A_948 : memref<8192xf32, #tpu.memory_space<vmem>>) target_semaphore(%arg12 : memref<!tpu.dma_semaphore, #tpu.memory_space<semaphore_mem>>)
        %dma_start3A_950 = tpu.memref_slice %arg8[%add3A_945] : memref<28672xf32, #tpu.memory_space<vmem>> -> memref<6144xf32, #tpu.memory_space<vmem>>
        %dma_start3A_951 = tpu.memref_slice %arg3[%mul3A_943] : memref<6291456xf32, #tpu.memory_space<hbm>> -> memref<6144xf32, #tpu.memory_space<hbm>>
        %dma_start3A_952 = tpu.memref_slice %arg8[%add3A_945] : memref<28672xf32, #tpu.memory_space<vmem>> -> memref<6144xf32, #tpu.memory_space<vmem>>
        %dma_start3A_953 = tpu.memref_slice %arg3[%mul3A_943] : memref<6291456xf32, #tpu.memory_space<hbm>> -> memref<6144xf32, #tpu.memory_space<hbm>>
        tpu.enqueue_dma source(%dma_start3A_953 : memref<6144xf32, #tpu.memory_space<hbm>>) target(%dma_start3A_952 : memref<6144xf32, #tpu.memory_space<vmem>>) target_semaphore(%arg12 : memref<!tpu.dma_semaphore, #tpu.memory_space<semaphore_mem>>)
      } else {
      }
      %scan3A_923 = arith.constant 0 : i32
      %scan3A_924 = arith.constant 0 : i32
      %scan3A_925 = arith.constant 32 : i32
      %scan3A_926 = arith.addi %scan3A_924, %scan3A_925 : i32
      %scan3A_927 = arith.constant 1 : i32
      scf.for %scan3A_929 = %scan3A_924 to %scan3A_926 step %scan3A_927  : i32 {
        %mul3A_930 = arith.constant 4 : i32
        %mul3A_931 = arith.muli %scan3A_929, %mul3A_930 : i32
        %add3A_932 = arith.constant 0 : i32
        %add3A_933 = arith.addi %mul3A_931, %add3A_932 : i32
        %mul3A_934 = arith.constant 16 : i32
        %mul3A_935 = arith.muli %add3A_933, %mul3A_934 : i32
        %add3A_936 = arith.addi %mul3A_897, %mul3A_935 : i32
        %get3A_937 = arith.index_cast %add3A_936 : i32 to index
        %get3A_938 = tpu.vector_load %arg8[%get3A_937] {strides = array<i32>} : memref<28672xf32, #tpu.memory_space<vmem>>, vector<16xf32>,
        %add3A_939 = arith.constant 8192 : i32
        %add3A_940 = arith.addi %add3A_939, %add3A_936 : i32
        %get3A_941 = arith.index_cast %add3A_940 : i32 to index
        %get3A_942 = tpu.vector_load %arg8[%get3A_941] {strides = array<i32>} : memref<28672xf32, #tpu.memory_space<vmem>>, vector<16xf32>,
        %add3A_943 = arith.addf %get3A_938, %get3A_942 : vector<16xf32>
        %add3A_944 = arith.constant 2048 : i32
        %add3A_945 = arith.addi %add3A_944, %add3A_936 : i32
        %get3A_946 = arith.index_cast %add3A_945 : i32 to index
        %get3A_947 = tpu.vector_load %arg8[%get3A_946] {strides = array<i32>} : memref<28672xf32, #tpu.memory_space<vmem>>, vector<16xf32>,
        %add3A_948 = arith.constant 10240 : i32
        %add3A_949 = arith.addi %add3A_948, %add3A_936 : i32
        %get3A_950 = arith.index_cast %add3A_949 : i32 to index
        %get3A_951 = tpu.vector_load %arg8[%get3A_950] {strides = array<i32>} : memref<28672xf32, #tpu.memory_space<vmem>>, vector<16xf32>,
        %add3A_952 = arith.addf %get3A_947, %get3A_951 : vector<16xf32>
        %add3A_953 = arith.constant 4096 : i32
        %add3A_954 = arith.addi %add3A_953, %add3A_936 : i32
        %get3A_955 = arith.index_cast %add3A_954 : i32 to index
        %get3A_956 = tpu.vector_load %arg8[%get3A_955] {strides = array<i32>} : memref<28672xf32, #tpu.memory_space<vmem>>, vector<16xf32>,
        %add3A_957 = arith.constant 12288 : i32
        %add3A_958 = arith.addi %add3A_957, %add3A_936 : i32
        %get3A_959 = arith.index_cast %add3A_958 : i32 to index
        %get3A_960 = tpu.vector_load %arg8[%get3A_959] {strides = array<i32>} : memref<28672xf32, #tpu.memory_space<vmem>>, vector<16xf32>,
        %add3A_961 = arith.addf %get3A_956, %get3A_960 : vector<16xf32>
        %add3A_962 = arith.constant 6144 : i32
        %add3A_963 = arith.addi %add3A_962, %add3A_936 : i32
        %get3A_964 = arith.index_cast %add3A_963 : i32 to index
        %get3A_965 = tpu.vector_load %arg8[%get3A_964] {strides = array<i32>} : memref<28672xf32, #tpu.memory_space<vmem>>, vector<16xf32>,
        %sub3A_966 = arith.constant 1.280000e+02 : f32
        %sub3A_967 = vector.broadcast %sub3A_966 : f32 to vector<16xf32>
        %sub3A_968 = arith.subf %add3A_943, %sub3A_967 : vector<16xf32>
        %bitcast_convert_type3A_969 = tpu.bitcast %sub3A_968 : vector<16xf32> -> vector<16xi32>
        %shift_right_arithmetic3A_970 = arith.constant 16 : i32
        %shift_right_arithmetic3A_971 = vector.broadcast %shift_right_arithmetic3A_970 : i32 to vector<16xi32>
        %shift_right_arithmetic3A_972 = arith.shrsi %bitcast_convert_type3A_969, %shift_right_arithmetic3A_971 : vector<16xi32>
        %and3A_973 = arith.constant 1 : i32
        %and3A_974 = vector.broadcast %and3A_973 : i32 to vector<16xi32>
        %and3A_975 = arith.andi %shift_right_arithmetic3A_972, %and3A_974 : vector<16xi32>
        %add3A_976 = arith.constant 32767 : i32
        %add3A_977 = vector.broadcast %add3A_976 : i32 to vector<16xi32>
        %add3A_978 = arith.addi %add3A_977, %and3A_975 : vector<16xi32>
        %add3A_979 = arith.addi %bitcast_convert_type3A_969, %add3A_978 : vector<16xi32>
        %and3A_980 = arith.constant -65536 : i32
        %and3A_981 = vector.broadcast %and3A_980 : i32 to vector<16xi32>
        %and3A_982 = arith.andi %add3A_979, %and3A_981 : vector<16xi32>
        %bitcast_convert_type3A_983 = tpu.bitcast %and3A_982 : vector<16xi32> -> vector<16xf32>
        %sub3A_984 = arith.constant 1.280000e+02 : f32
        %sub3A_985 = vector.broadcast %sub3A_984 : f32 to vector<16xf32>
        %sub3A_986 = arith.subf %add3A_952, %sub3A_985 : vector<16xf32>
        %bitcast_convert_type3A_987 = tpu.bitcast %sub3A_986 : vector<16xf32> -> vector<16xi32>
        %shift_right_arithmetic3A_988 = arith.constant 16 : i32
        %shift_right_arithmetic3A_989 = vector.broadcast %shift_right_arithmetic3A_988 : i32 to vector<16xi32>
        %shift_right_arithmetic3A_990 = arith.shrsi %bitcast_convert_type3A_987, %shift_right_arithmetic3A_989 : vector<16xi32>
        %and3A_991 = arith.constant 1 : i32
        %and3A_992 = vector.broadcast %and3A_991 : i32 to vector<16xi32>
        %and3A_993 = arith.andi %shift_right_arithmetic3A_990, %and3A_992 : vector<16xi32>
        %add3A_994 = arith.constant 32767 : i32
        %add3A_995 = vector.broadcast %add3A_994 : i32 to vector<16xi32>
        %add3A_996 = arith.addi %add3A_995, %and3A_993 : vector<16xi32>
        %add3A_997 = arith.addi %bitcast_convert_type3A_987, %add3A_996 : vector<16xi32>
        %and3A_998 = arith.constant -65536 : i32
        %and3A_999 = vector.broadcast %and3A_998 : i32 to vector<16xi32>
        %and3A_1000 = arith.andi %add3A_997, %and3A_999 : vector<16xi32>
        %bitcast_convert_type3A_1001 = tpu.bitcast %and3A_1000 : vector<16xi32> -> vector<16xf32>
        %sub3A_1002 = arith.constant 1.280000e+02 : f32
        %sub3A_1003 = vector.broadcast %sub3A_1002 : f32 to vector<16xf32>
        %sub3A_1004 = arith.subf %add3A_961, %sub3A_1003 : vector<16xf32>
        %bitcast_convert_type3A_1005 = tpu.bitcast %sub3A_1004 : vector<16xf32> -> vector<16xi32>
        %shift_right_arithmetic3A_1006 = arith.constant 16 : i32
        %shift_right_arithmetic3A_1007 = vector.broadcast %shift_right_arithmetic3A_1006 : i32 to vector<16xi32>
        %shift_right_arithmetic3A_1008 = arith.shrsi %bitcast_convert_type3A_1005, %shift_right_arithmetic3A_1007 : vector<16xi32>
        %and3A_1009 = arith.constant 1 : i32
        %and3A_1010 = vector.broadcast %and3A_1009 : i32 to vector<16xi32>
        %and3A_1011 = arith.andi %shift_right_arithmetic3A_1008, %and3A_1010 : vector<16xi32>
        %add3A_1012 = arith.constant 32767 : i32
        %add3A_1013 = vector.broadcast %add3A_1012 : i32 to vector<16xi32>
        %add3A_1014 = arith.addi %add3A_1013, %and3A_1011 : vector<16xi32>
        %add3A_1015 = arith.addi %bitcast_convert_type3A_1005, %add3A_1014 : vector<16xi32>
        %and3A_1016 = arith.constant -65536 : i32
        %and3A_1017 = vector.broadcast %and3A_1016 : i32 to vector<16xi32>
        %and3A_1018 = arith.andi %add3A_1015, %and3A_1017 : vector<16xi32>
        %bitcast_convert_type3A_1019 = tpu.bitcast %and3A_1018 : vector<16xi32> -> vector<16xf32>
        %mul3A_1020 = arith.mulf %bitcast_convert_type3A_983, %bitcast_convert_type3A_27 : vector<16xf32>
        %mul3A_1021 = arith.mulf %bitcast_convert_type3A_1001, %bitcast_convert_type3A_54 : vector<16xf32>
        %add3A_1022 = arith.addf %mul3A_1020, %mul3A_1021 : vector<16xf32>
        %mul3A_1023 = arith.mulf %bitcast_convert_type3A_1019, %bitcast_convert_type3A_81 : vector<16xf32>
        %add3A_1024 = arith.addf %add3A_1022, %mul3A_1023 : vector<16xf32>
        %add3A_1025 = arith.addf %add3A_1024, %sub3A_188 : vector<16xf32>
        %mul3A_1026 = arith.mulf %bitcast_convert_type3A_983, %bitcast_convert_type3A_108 : vector<16xf32>
        %mul3A_1027 = arith.mulf %bitcast_convert_type3A_1001, %bitcast_convert_type3A_135 : vector<16xf32>
        %add3A_1028 = arith.addf %mul3A_1026, %mul3A_1027 : vector<16xf32>
        %mul3A_1029 = arith.mulf %bitcast_convert_type3A_1019, %bitcast_convert_type3A_162 : vector<16xf32>
        %add3A_1030 = arith.addf %add3A_1028, %mul3A_1029 : vector<16xf32>
        %add3A_1031 = arith.addf %add3A_1030, %sub3A_191 : vector<16xf32>
        %convert_element_type3A_1032 = arith.fptosi %add3A_1025 : vector<16xf32> to vector<16xi32>
        %convert_element_type3A_1033 = arith.sitofp %convert_element_type3A_1032 : vector<16xi32> to vector<16xf32>
        %gt3A = arith.cmpf ogt, %convert_element_type3A_1033, %add3A_1025 : vector<16xf32>
        %sub3A_1034 = arith.constant 1 : i32
        %sub3A_1035 = vector.broadcast %sub3A_1034 : i32 to vector<16xi32>
        %sub3A_1036 = arith.subi %convert_element_type3A_1032, %sub3A_1035 : vector<16xi32>
        %select_n3A_1037 = arith.select %gt3A, %sub3A_1036, %convert_element_type3A_1032 : vector<16xi1>, vector<16xi32>
        %gt3A_1038 = arith.cmpf ogt, %convert_element_type3A_1033, %add3A_1025 : vector<16xf32>
        %sub3A_1039 = arith.constant 1.000000e+00 : f32
        %sub3A_1040 = vector.broadcast %sub3A_1039 : f32 to vector<16xf32>
        %sub3A_1041 = arith.subf %convert_element_type3A_1033, %sub3A_1040 : vector<16xf32>
        %select_n3A_1042 = arith.select %gt3A_1038, %sub3A_1041, %convert_element_type3A_1033 : vector<16xi1>, vector<16xf32>
        %convert_element_type3A_1043 = arith.fptosi %add3A_1031 : vector<16xf32> to vector<16xi32>
        %convert_element_type3A_1044 = arith.sitofp %convert_element_type3A_1043 : vector<16xi32> to vector<16xf32>
        %gt3A_1045 = arith.cmpf ogt, %convert_element_type3A_1044, %add3A_1031 : vector<16xf32>
        %sub3A_1046 = arith.constant 1 : i32
        %sub3A_1047 = vector.broadcast %sub3A_1046 : i32 to vector<16xi32>
        %sub3A_1048 = arith.subi %convert_element_type3A_1043, %sub3A_1047 : vector<16xi32>
        %select_n3A_1049 = arith.select %gt3A_1045, %sub3A_1048, %convert_element_type3A_1043 : vector<16xi1>, vector<16xi32>
        %gt3A_1050 = arith.cmpf ogt, %convert_element_type3A_1044, %add3A_1031 : vector<16xf32>
        %sub3A_1051 = arith.constant 1.000000e+00 : f32
        %sub3A_1052 = vector.broadcast %sub3A_1051 : f32 to vector<16xf32>
        %sub3A_1053 = arith.subf %convert_element_type3A_1044, %sub3A_1052 : vector<16xf32>
        %select_n3A_1054 = arith.select %gt3A_1050, %sub3A_1053, %convert_element_type3A_1044 : vector<16xi1>, vector<16xf32>
        %sub3A_1055 = arith.subf %add3A_1025, %select_n3A_1042 : vector<16xf32>
        %sub3A_1056 = arith.subf %add3A_1031, %select_n3A_1054 : vector<16xf32>
        %sub3A_1057 = arith.constant 1.000000e+00 : f32
        %sub3A_1058 = vector.broadcast %sub3A_1057 : f32 to vector<16xf32>
        %sub3A_1059 = arith.subf %sub3A_1058, %sub3A_1056 : vector<16xf32>
        %mul3A_1060 = arith.mulf %get3A_965, %sub3A_1059 : vector<16xf32>
        %mul3A_1061 = arith.mulf %get3A_965, %sub3A_1056 : vector<16xf32>
        %sub3A_1062 = arith.constant 1.000000e+00 : f32
        %sub3A_1063 = vector.broadcast %sub3A_1062 : f32 to vector<16xf32>
        %sub3A_1064 = arith.subf %sub3A_1063, %sub3A_1055 : vector<16xf32>
        %mul3A_1065 = arith.mulf %mul3A_1060, %sub3A_1064 : vector<16xf32>
        %mul3A_1066 = arith.mulf %mul3A_1060, %sub3A_1055 : vector<16xf32>
        %sub3A_1067 = arith.constant 1.000000e+00 : f32
        %sub3A_1068 = vector.broadcast %sub3A_1067 : f32 to vector<16xf32>
        %sub3A_1069 = arith.subf %sub3A_1068, %sub3A_1055 : vector<16xf32>
        %mul3A_1070 = arith.mulf %mul3A_1061, %sub3A_1069 : vector<16xf32>
        %mul3A_1071 = arith.mulf %mul3A_1061, %sub3A_1055 : vector<16xf32>
        %add3A_1072 = arith.constant 256 : i32
        %add3A_1073 = vector.broadcast %add3A_1072 : i32 to vector<16xi32>
        %add3A_1074 = arith.addi %select_n3A_1049, %add3A_1073 : vector<16xi32>
        %add3A_1075 = arith.constant 1 : i32
        %add3A_1076 = vector.broadcast %add3A_1075 : i32 to vector<16xi32>
        %add3A_1077 = arith.addi %add3A_1074, %add3A_1076 : vector<16xi32>
        %add3A_1078 = arith.constant 256 : i32
        %add3A_1079 = vector.broadcast %add3A_1078 : i32 to vector<16xi32>
        %add3A_1080 = arith.addi %select_n3A_1037, %add3A_1079 : vector<16xi32>
        %add3A_1081 = arith.constant 1 : i32
        %add3A_1082 = vector.broadcast %add3A_1081 : i32 to vector<16xi32>
        %add3A_1083 = arith.addi %add3A_1080, %add3A_1082 : vector<16xi32>
        %lt3A_1084 = arith.constant 512 : i32
        %lt3A_1085 = vector.broadcast %lt3A_1084 : i32 to vector<16xi32>
        %lt3A_1086 = arith.cmpi ult, %add3A_1074, %lt3A_1085 : vector<16xi32>
        %lt3A_1087 = arith.constant 512 : i32
        %lt3A_1088 = vector.broadcast %lt3A_1087 : i32 to vector<16xi32>
        %lt3A_1089 = arith.cmpi ult, %add3A_1077, %lt3A_1088 : vector<16xi32>
        %lt3A_1090 = arith.constant 512 : i32
        %lt3A_1091 = vector.broadcast %lt3A_1090 : i32 to vector<16xi32>
        %lt3A_1092 = arith.cmpi ult, %add3A_1080, %lt3A_1091 : vector<16xi32>
        %lt3A_1093 = arith.constant 512 : i32
        %lt3A_1094 = vector.broadcast %lt3A_1093 : i32 to vector<16xi32>
        %lt3A_1095 = arith.cmpi ult, %add3A_1083, %lt3A_1094 : vector<16xi32>
        %and3A_1096 = arith.constant 255 : i32
        %and3A_1097 = vector.broadcast %and3A_1096 : i32 to vector<16xi32>
        %and3A_1098 = arith.andi %add3A_1074, %and3A_1097 : vector<16xi32>
        %mul3A_1099 = arith.constant 256 : i32
        %mul3A_1100 = vector.broadcast %mul3A_1099 : i32 to vector<16xi32>
        %mul3A_1101 = arith.muli %and3A_1098, %mul3A_1100 : vector<16xi32>
        %and3A_1102 = arith.constant 255 : i32
        %and3A_1103 = vector.broadcast %and3A_1102 : i32 to vector<16xi32>
        %and3A_1104 = arith.andi %add3A_1077, %and3A_1103 : vector<16xi32>
        %mul3A_1105 = arith.constant 256 : i32
        %mul3A_1106 = vector.broadcast %mul3A_1105 : i32 to vector<16xi32>
        %mul3A_1107 = arith.muli %and3A_1104, %mul3A_1106 : vector<16xi32>
        %and3A_1108 = arith.constant 255 : i32
        %and3A_1109 = vector.broadcast %and3A_1108 : i32 to vector<16xi32>
        %and3A_1110 = arith.andi %add3A_1080, %and3A_1109 : vector<16xi32>
        %and3A_1111 = arith.constant 255 : i32
        %and3A_1112 = vector.broadcast %and3A_1111 : i32 to vector<16xi32>
        %and3A_1113 = arith.andi %add3A_1083, %and3A_1112 : vector<16xi32>
        %and3A_1114 = arith.andi %lt3A_1086, %lt3A_1092 : vector<16xi1>
        %and3A_1115 = arith.andi %lt3A_1089, %lt3A_1092 : vector<16xi1>
        %and3A_1116 = arith.andi %lt3A_1089, %lt3A_1095 : vector<16xi1>
        %and3A_1117 = arith.andi %lt3A_1086, %lt3A_1095 : vector<16xi1>
        %add3A_1118 = arith.addi %mul3A_1101, %and3A_1110 : vector<16xi32>
        tpu.vector_store_idx %arg7[%add3A_1118], %mul3A_1065 masked %and3A_1114 {add = true} : memref<65536xf32, #tpu.memory_space<vmem>>[vector<16xi32>], vector<16xf32>, vector<16xi1>
        %add3A_1119 = arith.addi %mul3A_1107, %and3A_1110 : vector<16xi32>
        tpu.vector_store_idx %arg7[%add3A_1119], %mul3A_1070 masked %and3A_1115 {add = true} : memref<65536xf32, #tpu.memory_space<vmem>>[vector<16xi32>], vector<16xf32>, vector<16xi1>
        %add3A_1120 = arith.addi %mul3A_1107, %and3A_1113 : vector<16xi32>
        tpu.vector_store_idx %arg7[%add3A_1120], %mul3A_1071 masked %and3A_1116 {add = true} : memref<65536xf32, #tpu.memory_space<vmem>>[vector<16xi32>], vector<16xf32>, vector<16xi1>
        %add3A_1121 = arith.addi %mul3A_1101, %and3A_1113 : vector<16xi32>
        tpu.vector_store_idx %arg7[%add3A_1121], %mul3A_1066 masked %and3A_1117 {add = true} : memref<65536xf32, #tpu.memory_space<vmem>>[vector<16xi32>], vector<16xf32>, vector<16xi1>
        %mul3A_1122 = arith.constant 4 : i32
        %mul3A_1123 = arith.muli %scan3A_929, %mul3A_1122 : i32
        %add3A_1124 = arith.constant 1 : i32
        %add3A_1125 = arith.addi %mul3A_1123, %add3A_1124 : i32
        %mul3A_1126 = arith.constant 16 : i32
        %mul3A_1127 = arith.muli %add3A_1125, %mul3A_1126 : i32
        %add3A_1128 = arith.addi %mul3A_897, %mul3A_1127 : i32
        %get3A_1129 = arith.index_cast %add3A_1128 : i32 to index
        %get3A_1130 = tpu.vector_load %arg8[%get3A_1129] {strides = array<i32>} : memref<28672xf32, #tpu.memory_space<vmem>>, vector<16xf32>,
        %add3A_1131 = arith.constant 8192 : i32
        %add3A_1132 = arith.addi %add3A_1131, %add3A_1128 : i32
        %get3A_1133 = arith.index_cast %add3A_1132 : i32 to index
        %get3A_1134 = tpu.vector_load %arg8[%get3A_1133] {strides = array<i32>} : memref<28672xf32, #tpu.memory_space<vmem>>, vector<16xf32>,
        %add3A_1135 = arith.addf %get3A_1130, %get3A_1134 : vector<16xf32>
        %add3A_1136 = arith.constant 2048 : i32
        %add3A_1137 = arith.addi %add3A_1136, %add3A_1128 : i32
        %get3A_1138 = arith.index_cast %add3A_1137 : i32 to index
        %get3A_1139 = tpu.vector_load %arg8[%get3A_1138] {strides = array<i32>} : memref<28672xf32, #tpu.memory_space<vmem>>, vector<16xf32>,
        %add3A_1140 = arith.constant 10240 : i32
        %add3A_1141 = arith.addi %add3A_1140, %add3A_1128 : i32
        %get3A_1142 = arith.index_cast %add3A_1141 : i32 to index
        %get3A_1143 = tpu.vector_load %arg8[%get3A_1142] {strides = array<i32>} : memref<28672xf32, #tpu.memory_space<vmem>>, vector<16xf32>,
        %add3A_1144 = arith.addf %get3A_1139, %get3A_1143 : vector<16xf32>
        %add3A_1145 = arith.constant 4096 : i32
        %add3A_1146 = arith.addi %add3A_1145, %add3A_1128 : i32
        %get3A_1147 = arith.index_cast %add3A_1146 : i32 to index
        %get3A_1148 = tpu.vector_load %arg8[%get3A_1147] {strides = array<i32>} : memref<28672xf32, #tpu.memory_space<vmem>>, vector<16xf32>,
        %add3A_1149 = arith.constant 12288 : i32
        %add3A_1150 = arith.addi %add3A_1149, %add3A_1128 : i32
        %get3A_1151 = arith.index_cast %add3A_1150 : i32 to index
        %get3A_1152 = tpu.vector_load %arg8[%get3A_1151] {strides = array<i32>} : memref<28672xf32, #tpu.memory_space<vmem>>, vector<16xf32>,
        %add3A_1153 = arith.addf %get3A_1148, %get3A_1152 : vector<16xf32>
        %add3A_1154 = arith.constant 6144 : i32
        %add3A_1155 = arith.addi %add3A_1154, %add3A_1128 : i32
        %get3A_1156 = arith.index_cast %add3A_1155 : i32 to index
        %get3A_1157 = tpu.vector_load %arg8[%get3A_1156] {strides = array<i32>} : memref<28672xf32, #tpu.memory_space<vmem>>, vector<16xf32>,
        %sub3A_1158 = arith.constant 1.280000e+02 : f32
        %sub3A_1159 = vector.broadcast %sub3A_1158 : f32 to vector<16xf32>
        %sub3A_1160 = arith.subf %add3A_1135, %sub3A_1159 : vector<16xf32>
        %bitcast_convert_type3A_1161 = tpu.bitcast %sub3A_1160 : vector<16xf32> -> vector<16xi32>
        %shift_right_arithmetic3A_1162 = arith.constant 16 : i32
        %shift_right_arithmetic3A_1163 = vector.broadcast %shift_right_arithmetic3A_1162 : i32 to vector<16xi32>
        %shift_right_arithmetic3A_1164 = arith.shrsi %bitcast_convert_type3A_1161, %shift_right_arithmetic3A_1163 : vector<16xi32>
        %and3A_1165 = arith.constant 1 : i32
        %and3A_1166 = vector.broadcast %and3A_1165 : i32 to vector<16xi32>
        %and3A_1167 = arith.andi %shift_right_arithmetic3A_1164, %and3A_1166 : vector<16xi32>
        %add3A_1168 = arith.constant 32767 : i32
        %add3A_1169 = vector.broadcast %add3A_1168 : i32 to vector<16xi32>
        %add3A_1170 = arith.addi %add3A_1169, %and3A_1167 : vector<16xi32>
        %add3A_1171 = arith.addi %bitcast_convert_type3A_1161, %add3A_1170 : vector<16xi32>
        %and3A_1172 = arith.constant -65536 : i32
        %and3A_1173 = vector.broadcast %and3A_1172 : i32 to vector<16xi32>
        %and3A_1174 = arith.andi %add3A_1171, %and3A_1173 : vector<16xi32>
        %bitcast_convert_type3A_1175 = tpu.bitcast %and3A_1174 : vector<16xi32> -> vector<16xf32>
        %sub3A_1176 = arith.constant 1.280000e+02 : f32
        %sub3A_1177 = vector.broadcast %sub3A_1176 : f32 to vector<16xf32>
        %sub3A_1178 = arith.subf %add3A_1144, %sub3A_1177 : vector<16xf32>
        %bitcast_convert_type3A_1179 = tpu.bitcast %sub3A_1178 : vector<16xf32> -> vector<16xi32>
        %shift_right_arithmetic3A_1180 = arith.constant 16 : i32
        %shift_right_arithmetic3A_1181 = vector.broadcast %shift_right_arithmetic3A_1180 : i32 to vector<16xi32>
        %shift_right_arithmetic3A_1182 = arith.shrsi %bitcast_convert_type3A_1179, %shift_right_arithmetic3A_1181 : vector<16xi32>
        %and3A_1183 = arith.constant 1 : i32
        %and3A_1184 = vector.broadcast %and3A_1183 : i32 to vector<16xi32>
        %and3A_1185 = arith.andi %shift_right_arithmetic3A_1182, %and3A_1184 : vector<16xi32>
        %add3A_1186 = arith.constant 32767 : i32
        %add3A_1187 = vector.broadcast %add3A_1186 : i32 to vector<16xi32>
        %add3A_1188 = arith.addi %add3A_1187, %and3A_1185 : vector<16xi32>
        %add3A_1189 = arith.addi %bitcast_convert_type3A_1179, %add3A_1188 : vector<16xi32>
        %and3A_1190 = arith.constant -65536 : i32
        %and3A_1191 = vector.broadcast %and3A_1190 : i32 to vector<16xi32>
        %and3A_1192 = arith.andi %add3A_1189, %and3A_1191 : vector<16xi32>
        %bitcast_convert_type3A_1193 = tpu.bitcast %and3A_1192 : vector<16xi32> -> vector<16xf32>
        %sub3A_1194 = arith.constant 1.280000e+02 : f32
        %sub3A_1195 = vector.broadcast %sub3A_1194 : f32 to vector<16xf32>
        %sub3A_1196 = arith.subf %add3A_1153, %sub3A_1195 : vector<16xf32>
        %bitcast_convert_type3A_1197 = tpu.bitcast %sub3A_1196 : vector<16xf32> -> vector<16xi32>
        %shift_right_arithmetic3A_1198 = arith.constant 16 : i32
        %shift_right_arithmetic3A_1199 = vector.broadcast %shift_right_arithmetic3A_1198 : i32 to vector<16xi32>
        %shift_right_arithmetic3A_1200 = arith.shrsi %bitcast_convert_type3A_1197, %shift_right_arithmetic3A_1199 : vector<16xi32>
        %and3A_1201 = arith.constant 1 : i32
        %and3A_1202 = vector.broadcast %and3A_1201 : i32 to vector<16xi32>
        %and3A_1203 = arith.andi %shift_right_arithmetic3A_1200, %and3A_1202 : vector<16xi32>
        %add3A_1204 = arith.constant 32767 : i32
        %add3A_1205 = vector.broadcast %add3A_1204 : i32 to vector<16xi32>
        %add3A_1206 = arith.addi %add3A_1205, %and3A_1203 : vector<16xi32>
        %add3A_1207 = arith.addi %bitcast_convert_type3A_1197, %add3A_1206 : vector<16xi32>
        %and3A_1208 = arith.constant -65536 : i32
        %and3A_1209 = vector.broadcast %and3A_1208 : i32 to vector<16xi32>
        %and3A_1210 = arith.andi %add3A_1207, %and3A_1209 : vector<16xi32>
        %bitcast_convert_type3A_1211 = tpu.bitcast %and3A_1210 : vector<16xi32> -> vector<16xf32>
        %mul3A_1212 = arith.mulf %bitcast_convert_type3A_1175, %bitcast_convert_type3A_27 : vector<16xf32>
        %mul3A_1213 = arith.mulf %bitcast_convert_type3A_1193, %bitcast_convert_type3A_54 : vector<16xf32>
        %add3A_1214 = arith.addf %mul3A_1212, %mul3A_1213 : vector<16xf32>
        %mul3A_1215 = arith.mulf %bitcast_convert_type3A_1211, %bitcast_convert_type3A_81 : vector<16xf32>
        %add3A_1216 = arith.addf %add3A_1214, %mul3A_1215 : vector<16xf32>
        %add3A_1217 = arith.addf %add3A_1216, %sub3A_188 : vector<16xf32>
        %mul3A_1218 = arith.mulf %bitcast_convert_type3A_1175, %bitcast_convert_type3A_108 : vector<16xf32>
        %mul3A_1219 = arith.mulf %bitcast_convert_type3A_1193, %bitcast_convert_type3A_135 : vector<16xf32>
        %add3A_1220 = arith.addf %mul3A_1218, %mul3A_1219 : vector<16xf32>
        %mul3A_1221 = arith.mulf %bitcast_convert_type3A_1211, %bitcast_convert_type3A_162 : vector<16xf32>
        %add3A_1222 = arith.addf %add3A_1220, %mul3A_1221 : vector<16xf32>
        %add3A_1223 = arith.addf %add3A_1222, %sub3A_191 : vector<16xf32>
        %convert_element_type3A_1224 = arith.fptosi %add3A_1217 : vector<16xf32> to vector<16xi32>
        %convert_element_type3A_1225 = arith.sitofp %convert_element_type3A_1224 : vector<16xi32> to vector<16xf32>
        %gt3A_1226 = arith.cmpf ogt, %convert_element_type3A_1225, %add3A_1217 : vector<16xf32>
        %sub3A_1227 = arith.constant 1 : i32
        %sub3A_1228 = vector.broadcast %sub3A_1227 : i32 to vector<16xi32>
        %sub3A_1229 = arith.subi %convert_element_type3A_1224, %sub3A_1228 : vector<16xi32>
        %select_n3A_1230 = arith.select %gt3A_1226, %sub3A_1229, %convert_element_type3A_1224 : vector<16xi1>, vector<16xi32>
        %gt3A_1231 = arith.cmpf ogt, %convert_element_type3A_1225, %add3A_1217 : vector<16xf32>
        %sub3A_1232 = arith.constant 1.000000e+00 : f32
        %sub3A_1233 = vector.broadcast %sub3A_1232 : f32 to vector<16xf32>
        %sub3A_1234 = arith.subf %convert_element_type3A_1225, %sub3A_1233 : vector<16xf32>
        %select_n3A_1235 = arith.select %gt3A_1231, %sub3A_1234, %convert_element_type3A_1225 : vector<16xi1>, vector<16xf32>
        %convert_element_type3A_1236 = arith.fptosi %add3A_1223 : vector<16xf32> to vector<16xi32>
        %convert_element_type3A_1237 = arith.sitofp %convert_element_type3A_1236 : vector<16xi32> to vector<16xf32>
        %gt3A_1238 = arith.cmpf ogt, %convert_element_type3A_1237, %add3A_1223 : vector<16xf32>
        %sub3A_1239 = arith.constant 1 : i32
        %sub3A_1240 = vector.broadcast %sub3A_1239 : i32 to vector<16xi32>
        %sub3A_1241 = arith.subi %convert_element_type3A_1236, %sub3A_1240 : vector<16xi32>
        %select_n3A_1242 = arith.select %gt3A_1238, %sub3A_1241, %convert_element_type3A_1236 : vector<16xi1>, vector<16xi32>
        %gt3A_1243 = arith.cmpf ogt, %convert_element_type3A_1237, %add3A_1223 : vector<16xf32>
        %sub3A_1244 = arith.constant 1.000000e+00 : f32
        %sub3A_1245 = vector.broadcast %sub3A_1244 : f32 to vector<16xf32>
        %sub3A_1246 = arith.subf %convert_element_type3A_1237, %sub3A_1245 : vector<16xf32>
        %select_n3A_1247 = arith.select %gt3A_1243, %sub3A_1246, %convert_element_type3A_1237 : vector<16xi1>, vector<16xf32>
        %sub3A_1248 = arith.subf %add3A_1217, %select_n3A_1235 : vector<16xf32>
        %sub3A_1249 = arith.subf %add3A_1223, %select_n3A_1247 : vector<16xf32>
        %sub3A_1250 = arith.constant 1.000000e+00 : f32
        %sub3A_1251 = vector.broadcast %sub3A_1250 : f32 to vector<16xf32>
        %sub3A_1252 = arith.subf %sub3A_1251, %sub3A_1249 : vector<16xf32>
        %mul3A_1253 = arith.mulf %get3A_1157, %sub3A_1252 : vector<16xf32>
        %mul3A_1254 = arith.mulf %get3A_1157, %sub3A_1249 : vector<16xf32>
        %sub3A_1255 = arith.constant 1.000000e+00 : f32
        %sub3A_1256 = vector.broadcast %sub3A_1255 : f32 to vector<16xf32>
        %sub3A_1257 = arith.subf %sub3A_1256, %sub3A_1248 : vector<16xf32>
        %mul3A_1258 = arith.mulf %mul3A_1253, %sub3A_1257 : vector<16xf32>
        %mul3A_1259 = arith.mulf %mul3A_1253, %sub3A_1248 : vector<16xf32>
        %sub3A_1260 = arith.constant 1.000000e+00 : f32
        %sub3A_1261 = vector.broadcast %sub3A_1260 : f32 to vector<16xf32>
        %sub3A_1262 = arith.subf %sub3A_1261, %sub3A_1248 : vector<16xf32>
        %mul3A_1263 = arith.mulf %mul3A_1254, %sub3A_1262 : vector<16xf32>
        %mul3A_1264 = arith.mulf %mul3A_1254, %sub3A_1248 : vector<16xf32>
        %add3A_1265 = arith.constant 256 : i32
        %add3A_1266 = vector.broadcast %add3A_1265 : i32 to vector<16xi32>
        %add3A_1267 = arith.addi %select_n3A_1242, %add3A_1266 : vector<16xi32>
        %add3A_1268 = arith.constant 1 : i32
        %add3A_1269 = vector.broadcast %add3A_1268 : i32 to vector<16xi32>
        %add3A_1270 = arith.addi %add3A_1267, %add3A_1269 : vector<16xi32>
        %add3A_1271 = arith.constant 256 : i32
        %add3A_1272 = vector.broadcast %add3A_1271 : i32 to vector<16xi32>
        %add3A_1273 = arith.addi %select_n3A_1230, %add3A_1272 : vector<16xi32>
        %add3A_1274 = arith.constant 1 : i32
        %add3A_1275 = vector.broadcast %add3A_1274 : i32 to vector<16xi32>
        %add3A_1276 = arith.addi %add3A_1273, %add3A_1275 : vector<16xi32>
        %lt3A_1277 = arith.constant 512 : i32
        %lt3A_1278 = vector.broadcast %lt3A_1277 : i32 to vector<16xi32>
        %lt3A_1279 = arith.cmpi ult, %add3A_1267, %lt3A_1278 : vector<16xi32>
        %lt3A_1280 = arith.constant 512 : i32
        %lt3A_1281 = vector.broadcast %lt3A_1280 : i32 to vector<16xi32>
        %lt3A_1282 = arith.cmpi ult, %add3A_1270, %lt3A_1281 : vector<16xi32>
        %lt3A_1283 = arith.constant 512 : i32
        %lt3A_1284 = vector.broadcast %lt3A_1283 : i32 to vector<16xi32>
        %lt3A_1285 = arith.cmpi ult, %add3A_1273, %lt3A_1284 : vector<16xi32>
        %lt3A_1286 = arith.constant 512 : i32
        %lt3A_1287 = vector.broadcast %lt3A_1286 : i32 to vector<16xi32>
        %lt3A_1288 = arith.cmpi ult, %add3A_1276, %lt3A_1287 : vector<16xi32>
        %and3A_1289 = arith.constant 255 : i32
        %and3A_1290 = vector.broadcast %and3A_1289 : i32 to vector<16xi32>
        %and3A_1291 = arith.andi %add3A_1267, %and3A_1290 : vector<16xi32>
        %mul3A_1292 = arith.constant 256 : i32
        %mul3A_1293 = vector.broadcast %mul3A_1292 : i32 to vector<16xi32>
        %mul3A_1294 = arith.muli %and3A_1291, %mul3A_1293 : vector<16xi32>
        %and3A_1295 = arith.constant 255 : i32
        %and3A_1296 = vector.broadcast %and3A_1295 : i32 to vector<16xi32>
        %and3A_1297 = arith.andi %add3A_1270, %and3A_1296 : vector<16xi32>
        %mul3A_1298 = arith.constant 256 : i32
        %mul3A_1299 = vector.broadcast %mul3A_1298 : i32 to vector<16xi32>
        %mul3A_1300 = arith.muli %and3A_1297, %mul3A_1299 : vector<16xi32>
        %and3A_1301 = arith.constant 255 : i32
        %and3A_1302 = vector.broadcast %and3A_1301 : i32 to vector<16xi32>
        %and3A_1303 = arith.andi %add3A_1273, %and3A_1302 : vector<16xi32>
        %and3A_1304 = arith.constant 255 : i32
        %and3A_1305 = vector.broadcast %and3A_1304 : i32 to vector<16xi32>
        %and3A_1306 = arith.andi %add3A_1276, %and3A_1305 : vector<16xi32>
        %and3A_1307 = arith.andi %lt3A_1279, %lt3A_1285 : vector<16xi1>
        %and3A_1308 = arith.andi %lt3A_1282, %lt3A_1285 : vector<16xi1>
        %and3A_1309 = arith.andi %lt3A_1282, %lt3A_1288 : vector<16xi1>
        %and3A_1310 = arith.andi %lt3A_1279, %lt3A_1288 : vector<16xi1>
        %add3A_1311 = arith.addi %mul3A_1294, %and3A_1303 : vector<16xi32>
        tpu.vector_store_idx %arg7[%add3A_1311], %mul3A_1258 masked %and3A_1307 {add = true} : memref<65536xf32, #tpu.memory_space<vmem>>[vector<16xi32>], vector<16xf32>, vector<16xi1>
        %add3A_1312 = arith.addi %mul3A_1300, %and3A_1303 : vector<16xi32>
        tpu.vector_store_idx %arg7[%add3A_1312], %mul3A_1263 masked %and3A_1308 {add = true} : memref<65536xf32, #tpu.memory_space<vmem>>[vector<16xi32>], vector<16xf32>, vector<16xi1>
        %add3A_1313 = arith.addi %mul3A_1300, %and3A_1306 : vector<16xi32>
        tpu.vector_store_idx %arg7[%add3A_1313], %mul3A_1264 masked %and3A_1309 {add = true} : memref<65536xf32, #tpu.memory_space<vmem>>[vector<16xi32>], vector<16xf32>, vector<16xi1>
        %add3A_1314 = arith.addi %mul3A_1294, %and3A_1306 : vector<16xi32>
        tpu.vector_store_idx %arg7[%add3A_1314], %mul3A_1259 masked %and3A_1310 {add = true} : memref<65536xf32, #tpu.memory_space<vmem>>[vector<16xi32>], vector<16xf32>, vector<16xi1>
        %mul3A_1315 = arith.constant 4 : i32
        %mul3A_1316 = arith.muli %scan3A_929, %mul3A_1315 : i32
        %add3A_1317 = arith.constant 2 : i32
        %add3A_1318 = arith.addi %mul3A_1316, %add3A_1317 : i32
        %mul3A_1319 = arith.constant 16 : i32
        %mul3A_1320 = arith.muli %add3A_1318, %mul3A_1319 : i32
        %add3A_1321 = arith.addi %mul3A_897, %mul3A_1320 : i32
        %get3A_1322 = arith.index_cast %add3A_1321 : i32 to index
        %get3A_1323 = tpu.vector_load %arg8[%get3A_1322] {strides = array<i32>} : memref<28672xf32, #tpu.memory_space<vmem>>, vector<16xf32>,
        %add3A_1324 = arith.constant 8192 : i32
        %add3A_1325 = arith.addi %add3A_1324, %add3A_1321 : i32
        %get3A_1326 = arith.index_cast %add3A_1325 : i32 to index
        %get3A_1327 = tpu.vector_load %arg8[%get3A_1326] {strides = array<i32>} : memref<28672xf32, #tpu.memory_space<vmem>>, vector<16xf32>,
        %add3A_1328 = arith.addf %get3A_1323, %get3A_1327 : vector<16xf32>
        %add3A_1329 = arith.constant 2048 : i32
        %add3A_1330 = arith.addi %add3A_1329, %add3A_1321 : i32
        %get3A_1331 = arith.index_cast %add3A_1330 : i32 to index
        %get3A_1332 = tpu.vector_load %arg8[%get3A_1331] {strides = array<i32>} : memref<28672xf32, #tpu.memory_space<vmem>>, vector<16xf32>,
        %add3A_1333 = arith.constant 10240 : i32
        %add3A_1334 = arith.addi %add3A_1333, %add3A_1321 : i32
        %get3A_1335 = arith.index_cast %add3A_1334 : i32 to index
        %get3A_1336 = tpu.vector_load %arg8[%get3A_1335] {strides = array<i32>} : memref<28672xf32, #tpu.memory_space<vmem>>, vector<16xf32>,
        %add3A_1337 = arith.addf %get3A_1332, %get3A_1336 : vector<16xf32>
        %add3A_1338 = arith.constant 4096 : i32
        %add3A_1339 = arith.addi %add3A_1338, %add3A_1321 : i32
        %get3A_1340 = arith.index_cast %add3A_1339 : i32 to index
        %get3A_1341 = tpu.vector_load %arg8[%get3A_1340] {strides = array<i32>} : memref<28672xf32, #tpu.memory_space<vmem>>, vector<16xf32>,
        %add3A_1342 = arith.constant 12288 : i32
        %add3A_1343 = arith.addi %add3A_1342, %add3A_1321 : i32
        %get3A_1344 = arith.index_cast %add3A_1343 : i32 to index
        %get3A_1345 = tpu.vector_load %arg8[%get3A_1344] {strides = array<i32>} : memref<28672xf32, #tpu.memory_space<vmem>>, vector<16xf32>,
        %add3A_1346 = arith.addf %get3A_1341, %get3A_1345 : vector<16xf32>
        %add3A_1347 = arith.constant 6144 : i32
        %add3A_1348 = arith.addi %add3A_1347, %add3A_1321 : i32
        %get3A_1349 = arith.index_cast %add3A_1348 : i32 to index
        %get3A_1350 = tpu.vector_load %arg8[%get3A_1349] {strides = array<i32>} : memref<28672xf32, #tpu.memory_space<vmem>>, vector<16xf32>,
        %sub3A_1351 = arith.constant 1.280000e+02 : f32
        %sub3A_1352 = vector.broadcast %sub3A_1351 : f32 to vector<16xf32>
        %sub3A_1353 = arith.subf %add3A_1328, %sub3A_1352 : vector<16xf32>
        %bitcast_convert_type3A_1354 = tpu.bitcast %sub3A_1353 : vector<16xf32> -> vector<16xi32>
        %shift_right_arithmetic3A_1355 = arith.constant 16 : i32
        %shift_right_arithmetic3A_1356 = vector.broadcast %shift_right_arithmetic3A_1355 : i32 to vector<16xi32>
        %shift_right_arithmetic3A_1357 = arith.shrsi %bitcast_convert_type3A_1354, %shift_right_arithmetic3A_1356 : vector<16xi32>
        %and3A_1358 = arith.constant 1 : i32
        %and3A_1359 = vector.broadcast %and3A_1358 : i32 to vector<16xi32>
        %and3A_1360 = arith.andi %shift_right_arithmetic3A_1357, %and3A_1359 : vector<16xi32>
        %add3A_1361 = arith.constant 32767 : i32
        %add3A_1362 = vector.broadcast %add3A_1361 : i32 to vector<16xi32>
        %add3A_1363 = arith.addi %add3A_1362, %and3A_1360 : vector<16xi32>
        %add3A_1364 = arith.addi %bitcast_convert_type3A_1354, %add3A_1363 : vector<16xi32>
        %and3A_1365 = arith.constant -65536 : i32
        %and3A_1366 = vector.broadcast %and3A_1365 : i32 to vector<16xi32>
        %and3A_1367 = arith.andi %add3A_1364, %and3A_1366 : vector<16xi32>
        %bitcast_convert_type3A_1368 = tpu.bitcast %and3A_1367 : vector<16xi32> -> vector<16xf32>
        %sub3A_1369 = arith.constant 1.280000e+02 : f32
        %sub3A_1370 = vector.broadcast %sub3A_1369 : f32 to vector<16xf32>
        %sub3A_1371 = arith.subf %add3A_1337, %sub3A_1370 : vector<16xf32>
        %bitcast_convert_type3A_1372 = tpu.bitcast %sub3A_1371 : vector<16xf32> -> vector<16xi32>
        %shift_right_arithmetic3A_1373 = arith.constant 16 : i32
        %shift_right_arithmetic3A_1374 = vector.broadcast %shift_right_arithmetic3A_1373 : i32 to vector<16xi32>
        %shift_right_arithmetic3A_1375 = arith.shrsi %bitcast_convert_type3A_1372, %shift_right_arithmetic3A_1374 : vector<16xi32>
        %and3A_1376 = arith.constant 1 : i32
        %and3A_1377 = vector.broadcast %and3A_1376 : i32 to vector<16xi32>
        %and3A_1378 = arith.andi %shift_right_arithmetic3A_1375, %and3A_1377 : vector<16xi32>
        %add3A_1379 = arith.constant 32767 : i32
        %add3A_1380 = vector.broadcast %add3A_1379 : i32 to vector<16xi32>
        %add3A_1381 = arith.addi %add3A_1380, %and3A_1378 : vector<16xi32>
        %add3A_1382 = arith.addi %bitcast_convert_type3A_1372, %add3A_1381 : vector<16xi32>
        %and3A_1383 = arith.constant -65536 : i32
        %and3A_1384 = vector.broadcast %and3A_1383 : i32 to vector<16xi32>
        %and3A_1385 = arith.andi %add3A_1382, %and3A_1384 : vector<16xi32>
        %bitcast_convert_type3A_1386 = tpu.bitcast %and3A_1385 : vector<16xi32> -> vector<16xf32>
        %sub3A_1387 = arith.constant 1.280000e+02 : f32
        %sub3A_1388 = vector.broadcast %sub3A_1387 : f32 to vector<16xf32>
        %sub3A_1389 = arith.subf %add3A_1346, %sub3A_1388 : vector<16xf32>
        %bitcast_convert_type3A_1390 = tpu.bitcast %sub3A_1389 : vector<16xf32> -> vector<16xi32>
        %shift_right_arithmetic3A_1391 = arith.constant 16 : i32
        %shift_right_arithmetic3A_1392 = vector.broadcast %shift_right_arithmetic3A_1391 : i32 to vector<16xi32>
        %shift_right_arithmetic3A_1393 = arith.shrsi %bitcast_convert_type3A_1390, %shift_right_arithmetic3A_1392 : vector<16xi32>
        %and3A_1394 = arith.constant 1 : i32
        %and3A_1395 = vector.broadcast %and3A_1394 : i32 to vector<16xi32>
        %and3A_1396 = arith.andi %shift_right_arithmetic3A_1393, %and3A_1395 : vector<16xi32>
        %add3A_1397 = arith.constant 32767 : i32
        %add3A_1398 = vector.broadcast %add3A_1397 : i32 to vector<16xi32>
        %add3A_1399 = arith.addi %add3A_1398, %and3A_1396 : vector<16xi32>
        %add3A_1400 = arith.addi %bitcast_convert_type3A_1390, %add3A_1399 : vector<16xi32>
        %and3A_1401 = arith.constant -65536 : i32
        %and3A_1402 = vector.broadcast %and3A_1401 : i32 to vector<16xi32>
        %and3A_1403 = arith.andi %add3A_1400, %and3A_1402 : vector<16xi32>
        %bitcast_convert_type3A_1404 = tpu.bitcast %and3A_1403 : vector<16xi32> -> vector<16xf32>
        %mul3A_1405 = arith.mulf %bitcast_convert_type3A_1368, %bitcast_convert_type3A_27 : vector<16xf32>
        %mul3A_1406 = arith.mulf %bitcast_convert_type3A_1386, %bitcast_convert_type3A_54 : vector<16xf32>
        %add3A_1407 = arith.addf %mul3A_1405, %mul3A_1406 : vector<16xf32>
        %mul3A_1408 = arith.mulf %bitcast_convert_type3A_1404, %bitcast_convert_type3A_81 : vector<16xf32>
        %add3A_1409 = arith.addf %add3A_1407, %mul3A_1408 : vector<16xf32>
        %add3A_1410 = arith.addf %add3A_1409, %sub3A_188 : vector<16xf32>
        %mul3A_1411 = arith.mulf %bitcast_convert_type3A_1368, %bitcast_convert_type3A_108 : vector<16xf32>
        %mul3A_1412 = arith.mulf %bitcast_convert_type3A_1386, %bitcast_convert_type3A_135 : vector<16xf32>
        %add3A_1413 = arith.addf %mul3A_1411, %mul3A_1412 : vector<16xf32>
        %mul3A_1414 = arith.mulf %bitcast_convert_type3A_1404, %bitcast_convert_type3A_162 : vector<16xf32>
        %add3A_1415 = arith.addf %add3A_1413, %mul3A_1414 : vector<16xf32>
        %add3A_1416 = arith.addf %add3A_1415, %sub3A_191 : vector<16xf32>
        %convert_element_type3A_1417 = arith.fptosi %add3A_1410 : vector<16xf32> to vector<16xi32>
        %convert_element_type3A_1418 = arith.sitofp %convert_element_type3A_1417 : vector<16xi32> to vector<16xf32>
        %gt3A_1419 = arith.cmpf ogt, %convert_element_type3A_1418, %add3A_1410 : vector<16xf32>
        %sub3A_1420 = arith.constant 1 : i32
        %sub3A_1421 = vector.broadcast %sub3A_1420 : i32 to vector<16xi32>
        %sub3A_1422 = arith.subi %convert_element_type3A_1417, %sub3A_1421 : vector<16xi32>
        %select_n3A_1423 = arith.select %gt3A_1419, %sub3A_1422, %convert_element_type3A_1417 : vector<16xi1>, vector<16xi32>
        %gt3A_1424 = arith.cmpf ogt, %convert_element_type3A_1418, %add3A_1410 : vector<16xf32>
        %sub3A_1425 = arith.constant 1.000000e+00 : f32
        %sub3A_1426 = vector.broadcast %sub3A_1425 : f32 to vector<16xf32>
        %sub3A_1427 = arith.subf %convert_element_type3A_1418, %sub3A_1426 : vector<16xf32>
        %select_n3A_1428 = arith.select %gt3A_1424, %sub3A_1427, %convert_element_type3A_1418 : vector<16xi1>, vector<16xf32>
        %convert_element_type3A_1429 = arith.fptosi %add3A_1416 : vector<16xf32> to vector<16xi32>
        %convert_element_type3A_1430 = arith.sitofp %convert_element_type3A_1429 : vector<16xi32> to vector<16xf32>
        %gt3A_1431 = arith.cmpf ogt, %convert_element_type3A_1430, %add3A_1416 : vector<16xf32>
        %sub3A_1432 = arith.constant 1 : i32
        %sub3A_1433 = vector.broadcast %sub3A_1432 : i32 to vector<16xi32>
        %sub3A_1434 = arith.subi %convert_element_type3A_1429, %sub3A_1433 : vector<16xi32>
        %select_n3A_1435 = arith.select %gt3A_1431, %sub3A_1434, %convert_element_type3A_1429 : vector<16xi1>, vector<16xi32>
        %gt3A_1436 = arith.cmpf ogt, %convert_element_type3A_1430, %add3A_1416 : vector<16xf32>
        %sub3A_1437 = arith.constant 1.000000e+00 : f32
        %sub3A_1438 = vector.broadcast %sub3A_1437 : f32 to vector<16xf32>
        %sub3A_1439 = arith.subf %convert_element_type3A_1430, %sub3A_1438 : vector<16xf32>
        %select_n3A_1440 = arith.select %gt3A_1436, %sub3A_1439, %convert_element_type3A_1430 : vector<16xi1>, vector<16xf32>
        %sub3A_1441 = arith.subf %add3A_1410, %select_n3A_1428 : vector<16xf32>
        %sub3A_1442 = arith.subf %add3A_1416, %select_n3A_1440 : vector<16xf32>
        %sub3A_1443 = arith.constant 1.000000e+00 : f32
        %sub3A_1444 = vector.broadcast %sub3A_1443 : f32 to vector<16xf32>
        %sub3A_1445 = arith.subf %sub3A_1444, %sub3A_1442 : vector<16xf32>
        %mul3A_1446 = arith.mulf %get3A_1350, %sub3A_1445 : vector<16xf32>
        %mul3A_1447 = arith.mulf %get3A_1350, %sub3A_1442 : vector<16xf32>
        %sub3A_1448 = arith.constant 1.000000e+00 : f32
        %sub3A_1449 = vector.broadcast %sub3A_1448 : f32 to vector<16xf32>
        %sub3A_1450 = arith.subf %sub3A_1449, %sub3A_1441 : vector<16xf32>
        %mul3A_1451 = arith.mulf %mul3A_1446, %sub3A_1450 : vector<16xf32>
        %mul3A_1452 = arith.mulf %mul3A_1446, %sub3A_1441 : vector<16xf32>
        %sub3A_1453 = arith.constant 1.000000e+00 : f32
        %sub3A_1454 = vector.broadcast %sub3A_1453 : f32 to vector<16xf32>
        %sub3A_1455 = arith.subf %sub3A_1454, %sub3A_1441 : vector<16xf32>
        %mul3A_1456 = arith.mulf %mul3A_1447, %sub3A_1455 : vector<16xf32>
        %mul3A_1457 = arith.mulf %mul3A_1447, %sub3A_1441 : vector<16xf32>
        %add3A_1458 = arith.constant 256 : i32
        %add3A_1459 = vector.broadcast %add3A_1458 : i32 to vector<16xi32>
        %add3A_1460 = arith.addi %select_n3A_1435, %add3A_1459 : vector<16xi32>
        %add3A_1461 = arith.constant 1 : i32
        %add3A_1462 = vector.broadcast %add3A_1461 : i32 to vector<16xi32>
        %add3A_1463 = arith.addi %add3A_1460, %add3A_1462 : vector<16xi32>
        %add3A_1464 = arith.constant 256 : i32
        %add3A_1465 = vector.broadcast %add3A_1464 : i32 to vector<16xi32>
        %add3A_1466 = arith.addi %select_n3A_1423, %add3A_1465 : vector<16xi32>
        %add3A_1467 = arith.constant 1 : i32
        %add3A_1468 = vector.broadcast %add3A_1467 : i32 to vector<16xi32>
        %add3A_1469 = arith.addi %add3A_1466, %add3A_1468 : vector<16xi32>
        %lt3A_1470 = arith.constant 512 : i32
        %lt3A_1471 = vector.broadcast %lt3A_1470 : i32 to vector<16xi32>
        %lt3A_1472 = arith.cmpi ult, %add3A_1460, %lt3A_1471 : vector<16xi32>
        %lt3A_1473 = arith.constant 512 : i32
        %lt3A_1474 = vector.broadcast %lt3A_1473 : i32 to vector<16xi32>
        %lt3A_1475 = arith.cmpi ult, %add3A_1463, %lt3A_1474 : vector<16xi32>
        %lt3A_1476 = arith.constant 512 : i32
        %lt3A_1477 = vector.broadcast %lt3A_1476 : i32 to vector<16xi32>
        %lt3A_1478 = arith.cmpi ult, %add3A_1466, %lt3A_1477 : vector<16xi32>
        %lt3A_1479 = arith.constant 512 : i32
        %lt3A_1480 = vector.broadcast %lt3A_1479 : i32 to vector<16xi32>
        %lt3A_1481 = arith.cmpi ult, %add3A_1469, %lt3A_1480 : vector<16xi32>
        %and3A_1482 = arith.constant 255 : i32
        %and3A_1483 = vector.broadcast %and3A_1482 : i32 to vector<16xi32>
        %and3A_1484 = arith.andi %add3A_1460, %and3A_1483 : vector<16xi32>
        %mul3A_1485 = arith.constant 256 : i32
        %mul3A_1486 = vector.broadcast %mul3A_1485 : i32 to vector<16xi32>
        %mul3A_1487 = arith.muli %and3A_1484, %mul3A_1486 : vector<16xi32>
        %and3A_1488 = arith.constant 255 : i32
        %and3A_1489 = vector.broadcast %and3A_1488 : i32 to vector<16xi32>
        %and3A_1490 = arith.andi %add3A_1463, %and3A_1489 : vector<16xi32>
        %mul3A_1491 = arith.constant 256 : i32
        %mul3A_1492 = vector.broadcast %mul3A_1491 : i32 to vector<16xi32>
        %mul3A_1493 = arith.muli %and3A_1490, %mul3A_1492 : vector<16xi32>
        %and3A_1494 = arith.constant 255 : i32
        %and3A_1495 = vector.broadcast %and3A_1494 : i32 to vector<16xi32>
        %and3A_1496 = arith.andi %add3A_1466, %and3A_1495 : vector<16xi32>
        %and3A_1497 = arith.constant 255 : i32
        %and3A_1498 = vector.broadcast %and3A_1497 : i32 to vector<16xi32>
        %and3A_1499 = arith.andi %add3A_1469, %and3A_1498 : vector<16xi32>
        %and3A_1500 = arith.andi %lt3A_1472, %lt3A_1478 : vector<16xi1>
        %and3A_1501 = arith.andi %lt3A_1475, %lt3A_1478 : vector<16xi1>
        %and3A_1502 = arith.andi %lt3A_1475, %lt3A_1481 : vector<16xi1>
        %and3A_1503 = arith.andi %lt3A_1472, %lt3A_1481 : vector<16xi1>
        %add3A_1504 = arith.addi %mul3A_1487, %and3A_1496 : vector<16xi32>
        tpu.vector_store_idx %arg7[%add3A_1504], %mul3A_1451 masked %and3A_1500 {add = true} : memref<65536xf32, #tpu.memory_space<vmem>>[vector<16xi32>], vector<16xf32>, vector<16xi1>
        %add3A_1505 = arith.addi %mul3A_1493, %and3A_1496 : vector<16xi32>
        tpu.vector_store_idx %arg7[%add3A_1505], %mul3A_1456 masked %and3A_1501 {add = true} : memref<65536xf32, #tpu.memory_space<vmem>>[vector<16xi32>], vector<16xf32>, vector<16xi1>
        %add3A_1506 = arith.addi %mul3A_1493, %and3A_1499 : vector<16xi32>
        tpu.vector_store_idx %arg7[%add3A_1506], %mul3A_1457 masked %and3A_1502 {add = true} : memref<65536xf32, #tpu.memory_space<vmem>>[vector<16xi32>], vector<16xf32>, vector<16xi1>
        %add3A_1507 = arith.addi %mul3A_1487, %and3A_1499 : vector<16xi32>
        tpu.vector_store_idx %arg7[%add3A_1507], %mul3A_1452 masked %and3A_1503 {add = true} : memref<65536xf32, #tpu.memory_space<vmem>>[vector<16xi32>], vector<16xf32>, vector<16xi1>
        %mul3A_1508 = arith.constant 4 : i32
        %mul3A_1509 = arith.muli %scan3A_929, %mul3A_1508 : i32
        %add3A_1510 = arith.constant 3 : i32
        %add3A_1511 = arith.addi %mul3A_1509, %add3A_1510 : i32
        %mul3A_1512 = arith.constant 16 : i32
        %mul3A_1513 = arith.muli %add3A_1511, %mul3A_1512 : i32
        %add3A_1514 = arith.addi %mul3A_897, %mul3A_1513 : i32
        %get3A_1515 = arith.index_cast %add3A_1514 : i32 to index
        %get3A_1516 = tpu.vector_load %arg8[%get3A_1515] {strides = array<i32>} : memref<28672xf32, #tpu.memory_space<vmem>>, vector<16xf32>,
        %add3A_1517 = arith.constant 8192 : i32
        %add3A_1518 = arith.addi %add3A_1517, %add3A_1514 : i32
        %get3A_1519 = arith.index_cast %add3A_1518 : i32 to index
        %get3A_1520 = tpu.vector_load %arg8[%get3A_1519] {strides = array<i32>} : memref<28672xf32, #tpu.memory_space<vmem>>, vector<16xf32>,
        %add3A_1521 = arith.addf %get3A_1516, %get3A_1520 : vector<16xf32>
        %add3A_1522 = arith.constant 2048 : i32
        %add3A_1523 = arith.addi %add3A_1522, %add3A_1514 : i32
        %get3A_1524 = arith.index_cast %add3A_1523 : i32 to index
        %get3A_1525 = tpu.vector_load %arg8[%get3A_1524] {strides = array<i32>} : memref<28672xf32, #tpu.memory_space<vmem>>, vector<16xf32>,
        %add3A_1526 = arith.constant 10240 : i32
        %add3A_1527 = arith.addi %add3A_1526, %add3A_1514 : i32
        %get3A_1528 = arith.index_cast %add3A_1527 : i32 to index
        %get3A_1529 = tpu.vector_load %arg8[%get3A_1528] {strides = array<i32>} : memref<28672xf32, #tpu.memory_space<vmem>>, vector<16xf32>,
        %add3A_1530 = arith.addf %get3A_1525, %get3A_1529 : vector<16xf32>
        %add3A_1531 = arith.constant 4096 : i32
        %add3A_1532 = arith.addi %add3A_1531, %add3A_1514 : i32
        %get3A_1533 = arith.index_cast %add3A_1532 : i32 to index
        %get3A_1534 = tpu.vector_load %arg8[%get3A_1533] {strides = array<i32>} : memref<28672xf32, #tpu.memory_space<vmem>>, vector<16xf32>,
        %add3A_1535 = arith.constant 12288 : i32
        %add3A_1536 = arith.addi %add3A_1535, %add3A_1514 : i32
        %get3A_1537 = arith.index_cast %add3A_1536 : i32 to index
        %get3A_1538 = tpu.vector_load %arg8[%get3A_1537] {strides = array<i32>} : memref<28672xf32, #tpu.memory_space<vmem>>, vector<16xf32>,
        %add3A_1539 = arith.addf %get3A_1534, %get3A_1538 : vector<16xf32>
        %add3A_1540 = arith.constant 6144 : i32
        %add3A_1541 = arith.addi %add3A_1540, %add3A_1514 : i32
        %get3A_1542 = arith.index_cast %add3A_1541 : i32 to index
        %get3A_1543 = tpu.vector_load %arg8[%get3A_1542] {strides = array<i32>} : memref<28672xf32, #tpu.memory_space<vmem>>, vector<16xf32>,
        %sub3A_1544 = arith.constant 1.280000e+02 : f32
        %sub3A_1545 = vector.broadcast %sub3A_1544 : f32 to vector<16xf32>
        %sub3A_1546 = arith.subf %add3A_1521, %sub3A_1545 : vector<16xf32>
        %bitcast_convert_type3A_1547 = tpu.bitcast %sub3A_1546 : vector<16xf32> -> vector<16xi32>
        %shift_right_arithmetic3A_1548 = arith.constant 16 : i32
        %shift_right_arithmetic3A_1549 = vector.broadcast %shift_right_arithmetic3A_1548 : i32 to vector<16xi32>
        %shift_right_arithmetic3A_1550 = arith.shrsi %bitcast_convert_type3A_1547, %shift_right_arithmetic3A_1549 : vector<16xi32>
        %and3A_1551 = arith.constant 1 : i32
        %and3A_1552 = vector.broadcast %and3A_1551 : i32 to vector<16xi32>
        %and3A_1553 = arith.andi %shift_right_arithmetic3A_1550, %and3A_1552 : vector<16xi32>
        %add3A_1554 = arith.constant 32767 : i32
        %add3A_1555 = vector.broadcast %add3A_1554 : i32 to vector<16xi32>
        %add3A_1556 = arith.addi %add3A_1555, %and3A_1553 : vector<16xi32>
        %add3A_1557 = arith.addi %bitcast_convert_type3A_1547, %add3A_1556 : vector<16xi32>
        %and3A_1558 = arith.constant -65536 : i32
        %and3A_1559 = vector.broadcast %and3A_1558 : i32 to vector<16xi32>
        %and3A_1560 = arith.andi %add3A_1557, %and3A_1559 : vector<16xi32>
        %bitcast_convert_type3A_1561 = tpu.bitcast %and3A_1560 : vector<16xi32> -> vector<16xf32>
        %sub3A_1562 = arith.constant 1.280000e+02 : f32
        %sub3A_1563 = vector.broadcast %sub3A_1562 : f32 to vector<16xf32>
        %sub3A_1564 = arith.subf %add3A_1530, %sub3A_1563 : vector<16xf32>
        %bitcast_convert_type3A_1565 = tpu.bitcast %sub3A_1564 : vector<16xf32> -> vector<16xi32>
        %shift_right_arithmetic3A_1566 = arith.constant 16 : i32
        %shift_right_arithmetic3A_1567 = vector.broadcast %shift_right_arithmetic3A_1566 : i32 to vector<16xi32>
        %shift_right_arithmetic3A_1568 = arith.shrsi %bitcast_convert_type3A_1565, %shift_right_arithmetic3A_1567 : vector<16xi32>
        %and3A_1569 = arith.constant 1 : i32
        %and3A_1570 = vector.broadcast %and3A_1569 : i32 to vector<16xi32>
        %and3A_1571 = arith.andi %shift_right_arithmetic3A_1568, %and3A_1570 : vector<16xi32>
        %add3A_1572 = arith.constant 32767 : i32
        %add3A_1573 = vector.broadcast %add3A_1572 : i32 to vector<16xi32>
        %add3A_1574 = arith.addi %add3A_1573, %and3A_1571 : vector<16xi32>
        %add3A_1575 = arith.addi %bitcast_convert_type3A_1565, %add3A_1574 : vector<16xi32>
        %and3A_1576 = arith.constant -65536 : i32
        %and3A_1577 = vector.broadcast %and3A_1576 : i32 to vector<16xi32>
        %and3A_1578 = arith.andi %add3A_1575, %and3A_1577 : vector<16xi32>
        %bitcast_convert_type3A_1579 = tpu.bitcast %and3A_1578 : vector<16xi32> -> vector<16xf32>
        %sub3A_1580 = arith.constant 1.280000e+02 : f32
        %sub3A_1581 = vector.broadcast %sub3A_1580 : f32 to vector<16xf32>
        %sub3A_1582 = arith.subf %add3A_1539, %sub3A_1581 : vector<16xf32>
        %bitcast_convert_type3A_1583 = tpu.bitcast %sub3A_1582 : vector<16xf32> -> vector<16xi32>
        %shift_right_arithmetic3A_1584 = arith.constant 16 : i32
        %shift_right_arithmetic3A_1585 = vector.broadcast %shift_right_arithmetic3A_1584 : i32 to vector<16xi32>
        %shift_right_arithmetic3A_1586 = arith.shrsi %bitcast_convert_type3A_1583, %shift_right_arithmetic3A_1585 : vector<16xi32>
        %and3A_1587 = arith.constant 1 : i32
        %and3A_1588 = vector.broadcast %and3A_1587 : i32 to vector<16xi32>
        %and3A_1589 = arith.andi %shift_right_arithmetic3A_1586, %and3A_1588 : vector<16xi32>
        %add3A_1590 = arith.constant 32767 : i32
        %add3A_1591 = vector.broadcast %add3A_1590 : i32 to vector<16xi32>
        %add3A_1592 = arith.addi %add3A_1591, %and3A_1589 : vector<16xi32>
        %add3A_1593 = arith.addi %bitcast_convert_type3A_1583, %add3A_1592 : vector<16xi32>
        %and3A_1594 = arith.constant -65536 : i32
        %and3A_1595 = vector.broadcast %and3A_1594 : i32 to vector<16xi32>
        %and3A_1596 = arith.andi %add3A_1593, %and3A_1595 : vector<16xi32>
        %bitcast_convert_type3A_1597 = tpu.bitcast %and3A_1596 : vector<16xi32> -> vector<16xf32>
        %mul3A_1598 = arith.mulf %bitcast_convert_type3A_1561, %bitcast_convert_type3A_27 : vector<16xf32>
        %mul3A_1599 = arith.mulf %bitcast_convert_type3A_1579, %bitcast_convert_type3A_54 : vector<16xf32>
        %add3A_1600 = arith.addf %mul3A_1598, %mul3A_1599 : vector<16xf32>
        %mul3A_1601 = arith.mulf %bitcast_convert_type3A_1597, %bitcast_convert_type3A_81 : vector<16xf32>
        %add3A_1602 = arith.addf %add3A_1600, %mul3A_1601 : vector<16xf32>
        %add3A_1603 = arith.addf %add3A_1602, %sub3A_188 : vector<16xf32>
        %mul3A_1604 = arith.mulf %bitcast_convert_type3A_1561, %bitcast_convert_type3A_108 : vector<16xf32>
        %mul3A_1605 = arith.mulf %bitcast_convert_type3A_1579, %bitcast_convert_type3A_135 : vector<16xf32>
        %add3A_1606 = arith.addf %mul3A_1604, %mul3A_1605 : vector<16xf32>
        %mul3A_1607 = arith.mulf %bitcast_convert_type3A_1597, %bitcast_convert_type3A_162 : vector<16xf32>
        %add3A_1608 = arith.addf %add3A_1606, %mul3A_1607 : vector<16xf32>
        %add3A_1609 = arith.addf %add3A_1608, %sub3A_191 : vector<16xf32>
        %convert_element_type3A_1610 = arith.fptosi %add3A_1603 : vector<16xf32> to vector<16xi32>
        %convert_element_type3A_1611 = arith.sitofp %convert_element_type3A_1610 : vector<16xi32> to vector<16xf32>
        %gt3A_1612 = arith.cmpf ogt, %convert_element_type3A_1611, %add3A_1603 : vector<16xf32>
        %sub3A_1613 = arith.constant 1 : i32
        %sub3A_1614 = vector.broadcast %sub3A_1613 : i32 to vector<16xi32>
        %sub3A_1615 = arith.subi %convert_element_type3A_1610, %sub3A_1614 : vector<16xi32>
        %select_n3A_1616 = arith.select %gt3A_1612, %sub3A_1615, %convert_element_type3A_1610 : vector<16xi1>, vector<16xi32>
        %gt3A_1617 = arith.cmpf ogt, %convert_element_type3A_1611, %add3A_1603 : vector<16xf32>
        %sub3A_1618 = arith.constant 1.000000e+00 : f32
        %sub3A_1619 = vector.broadcast %sub3A_1618 : f32 to vector<16xf32>
        %sub3A_1620 = arith.subf %convert_element_type3A_1611, %sub3A_1619 : vector<16xf32>
        %select_n3A_1621 = arith.select %gt3A_1617, %sub3A_1620, %convert_element_type3A_1611 : vector<16xi1>, vector<16xf32>
        %convert_element_type3A_1622 = arith.fptosi %add3A_1609 : vector<16xf32> to vector<16xi32>
        %convert_element_type3A_1623 = arith.sitofp %convert_element_type3A_1622 : vector<16xi32> to vector<16xf32>
        %gt3A_1624 = arith.cmpf ogt, %convert_element_type3A_1623, %add3A_1609 : vector<16xf32>
        %sub3A_1625 = arith.constant 1 : i32
        %sub3A_1626 = vector.broadcast %sub3A_1625 : i32 to vector<16xi32>
        %sub3A_1627 = arith.subi %convert_element_type3A_1622, %sub3A_1626 : vector<16xi32>
        %select_n3A_1628 = arith.select %gt3A_1624, %sub3A_1627, %convert_element_type3A_1622 : vector<16xi1>, vector<16xi32>
        %gt3A_1629 = arith.cmpf ogt, %convert_element_type3A_1623, %add3A_1609 : vector<16xf32>
        %sub3A_1630 = arith.constant 1.000000e+00 : f32
        %sub3A_1631 = vector.broadcast %sub3A_1630 : f32 to vector<16xf32>
        %sub3A_1632 = arith.subf %convert_element_type3A_1623, %sub3A_1631 : vector<16xf32>
        %select_n3A_1633 = arith.select %gt3A_1629, %sub3A_1632, %convert_element_type3A_1623 : vector<16xi1>, vector<16xf32>
        %sub3A_1634 = arith.subf %add3A_1603, %select_n3A_1621 : vector<16xf32>
        %sub3A_1635 = arith.subf %add3A_1609, %select_n3A_1633 : vector<16xf32>
        %sub3A_1636 = arith.constant 1.000000e+00 : f32
        %sub3A_1637 = vector.broadcast %sub3A_1636 : f32 to vector<16xf32>
        %sub3A_1638 = arith.subf %sub3A_1637, %sub3A_1635 : vector<16xf32>
        %mul3A_1639 = arith.mulf %get3A_1543, %sub3A_1638 : vector<16xf32>
        %mul3A_1640 = arith.mulf %get3A_1543, %sub3A_1635 : vector<16xf32>
        %sub3A_1641 = arith.constant 1.000000e+00 : f32
        %sub3A_1642 = vector.broadcast %sub3A_1641 : f32 to vector<16xf32>
        %sub3A_1643 = arith.subf %sub3A_1642, %sub3A_1634 : vector<16xf32>
        %mul3A_1644 = arith.mulf %mul3A_1639, %sub3A_1643 : vector<16xf32>
        %mul3A_1645 = arith.mulf %mul3A_1639, %sub3A_1634 : vector<16xf32>
        %sub3A_1646 = arith.constant 1.000000e+00 : f32
        %sub3A_1647 = vector.broadcast %sub3A_1646 : f32 to vector<16xf32>
        %sub3A_1648 = arith.subf %sub3A_1647, %sub3A_1634 : vector<16xf32>
        %mul3A_1649 = arith.mulf %mul3A_1640, %sub3A_1648 : vector<16xf32>
        %mul3A_1650 = arith.mulf %mul3A_1640, %sub3A_1634 : vector<16xf32>
        %add3A_1651 = arith.constant 256 : i32
        %add3A_1652 = vector.broadcast %add3A_1651 : i32 to vector<16xi32>
        %add3A_1653 = arith.addi %select_n3A_1628, %add3A_1652 : vector<16xi32>
        %add3A_1654 = arith.constant 1 : i32
        %add3A_1655 = vector.broadcast %add3A_1654 : i32 to vector<16xi32>
        %add3A_1656 = arith.addi %add3A_1653, %add3A_1655 : vector<16xi32>
        %add3A_1657 = arith.constant 256 : i32
        %add3A_1658 = vector.broadcast %add3A_1657 : i32 to vector<16xi32>
        %add3A_1659 = arith.addi %select_n3A_1616, %add3A_1658 : vector<16xi32>
        %add3A_1660 = arith.constant 1 : i32
        %add3A_1661 = vector.broadcast %add3A_1660 : i32 to vector<16xi32>
        %add3A_1662 = arith.addi %add3A_1659, %add3A_1661 : vector<16xi32>
        %lt3A_1663 = arith.constant 512 : i32
        %lt3A_1664 = vector.broadcast %lt3A_1663 : i32 to vector<16xi32>
        %lt3A_1665 = arith.cmpi ult, %add3A_1653, %lt3A_1664 : vector<16xi32>
        %lt3A_1666 = arith.constant 512 : i32
        %lt3A_1667 = vector.broadcast %lt3A_1666 : i32 to vector<16xi32>
        %lt3A_1668 = arith.cmpi ult, %add3A_1656, %lt3A_1667 : vector<16xi32>
        %lt3A_1669 = arith.constant 512 : i32
        %lt3A_1670 = vector.broadcast %lt3A_1669 : i32 to vector<16xi32>
        %lt3A_1671 = arith.cmpi ult, %add3A_1659, %lt3A_1670 : vector<16xi32>
        %lt3A_1672 = arith.constant 512 : i32
        %lt3A_1673 = vector.broadcast %lt3A_1672 : i32 to vector<16xi32>
        %lt3A_1674 = arith.cmpi ult, %add3A_1662, %lt3A_1673 : vector<16xi32>
        %and3A_1675 = arith.constant 255 : i32
        %and3A_1676 = vector.broadcast %and3A_1675 : i32 to vector<16xi32>
        %and3A_1677 = arith.andi %add3A_1653, %and3A_1676 : vector<16xi32>
        %mul3A_1678 = arith.constant 256 : i32
        %mul3A_1679 = vector.broadcast %mul3A_1678 : i32 to vector<16xi32>
        %mul3A_1680 = arith.muli %and3A_1677, %mul3A_1679 : vector<16xi32>
        %and3A_1681 = arith.constant 255 : i32
        %and3A_1682 = vector.broadcast %and3A_1681 : i32 to vector<16xi32>
        %and3A_1683 = arith.andi %add3A_1656, %and3A_1682 : vector<16xi32>
        %mul3A_1684 = arith.constant 256 : i32
        %mul3A_1685 = vector.broadcast %mul3A_1684 : i32 to vector<16xi32>
        %mul3A_1686 = arith.muli %and3A_1683, %mul3A_1685 : vector<16xi32>
        %and3A_1687 = arith.constant 255 : i32
        %and3A_1688 = vector.broadcast %and3A_1687 : i32 to vector<16xi32>
        %and3A_1689 = arith.andi %add3A_1659, %and3A_1688 : vector<16xi32>
        %and3A_1690 = arith.constant 255 : i32
        %and3A_1691 = vector.broadcast %and3A_1690 : i32 to vector<16xi32>
        %and3A_1692 = arith.andi %add3A_1662, %and3A_1691 : vector<16xi32>
        %and3A_1693 = arith.andi %lt3A_1665, %lt3A_1671 : vector<16xi1>
        %and3A_1694 = arith.andi %lt3A_1668, %lt3A_1671 : vector<16xi1>
        %and3A_1695 = arith.andi %lt3A_1668, %lt3A_1674 : vector<16xi1>
        %and3A_1696 = arith.andi %lt3A_1665, %lt3A_1674 : vector<16xi1>
        %add3A_1697 = arith.addi %mul3A_1680, %and3A_1689 : vector<16xi32>
        tpu.vector_store_idx %arg7[%add3A_1697], %mul3A_1644 masked %and3A_1693 {add = true} : memref<65536xf32, #tpu.memory_space<vmem>>[vector<16xi32>], vector<16xf32>, vector<16xi1>
        %add3A_1698 = arith.addi %mul3A_1686, %and3A_1689 : vector<16xi32>
        tpu.vector_store_idx %arg7[%add3A_1698], %mul3A_1649 masked %and3A_1694 {add = true} : memref<65536xf32, #tpu.memory_space<vmem>>[vector<16xi32>], vector<16xf32>, vector<16xi1>
        %add3A_1699 = arith.addi %mul3A_1686, %and3A_1692 : vector<16xi32>
        tpu.vector_store_idx %arg7[%add3A_1699], %mul3A_1650 masked %and3A_1695 {add = true} : memref<65536xf32, #tpu.memory_space<vmem>>[vector<16xi32>], vector<16xf32>, vector<16xi1>
        %add3A_1700 = arith.addi %mul3A_1680, %and3A_1692 : vector<16xi32>
        tpu.vector_store_idx %arg7[%add3A_1700], %mul3A_1645 masked %and3A_1696 {add = true} : memref<65536xf32, #tpu.memory_space<vmem>>[vector<16xi32>], vector<16xf32>, vector<16xi1>
      }
      %scan3A_928 = arith.constant 32 : i32
    }
    %scan3A_223 = arith.constant 32 : i32
    %get3A_224 = arith.constant 0 : index
    %get3A_225 = tpu.vector_load %arg7[%get3A_224] {strides = array<i32>} : memref<65536xf32, #tpu.memory_space<vmem>>, vector<16xf32>,
    %get3A_226 = arith.constant 16 : index
    %get3A_227 = tpu.vector_load %arg7[%get3A_226] {strides = array<i32>} : memref<65536xf32, #tpu.memory_space<vmem>>, vector<16xf32>,
    %get3A_228 = arith.constant 32 : index
    %get3A_229 = tpu.vector_load %arg7[%get3A_228] {strides = array<i32>} : memref<65536xf32, #tpu.memory_space<vmem>>, vector<16xf32>,
    %get3A_230 = arith.constant 48 : index
    %get3A_231 = tpu.vector_load %arg7[%get3A_230] {strides = array<i32>} : memref<65536xf32, #tpu.memory_space<vmem>>, vector<16xf32>,
    %get3A_232 = arith.constant 64 : index
    %get3A_233 = tpu.vector_load %arg7[%get3A_232] {strides = array<i32>} : memref<65536xf32, #tpu.memory_space<vmem>>, vector<16xf32>,
    %get3A_234 = arith.constant 80 : index
    %get3A_235 = tpu.vector_load %arg7[%get3A_234] {strides = array<i32>} : memref<65536xf32, #tpu.memory_space<vmem>>, vector<16xf32>,
    %get3A_236 = arith.constant 96 : index
    %get3A_237 = tpu.vector_load %arg7[%get3A_236] {strides = array<i32>} : memref<65536xf32, #tpu.memory_space<vmem>>, vector<16xf32>,
    %get3A_238 = arith.constant 112 : index
    %get3A_239 = tpu.vector_load %arg7[%get3A_238] {strides = array<i32>} : memref<65536xf32, #tpu.memory_space<vmem>>, vector<16xf32>,
    %get3A_240 = arith.constant 128 : index
    %get3A_241 = tpu.vector_load %arg7[%get3A_240] {strides = array<i32>} : memref<65536xf32, #tpu.memory_space<vmem>>, vector<16xf32>,
    %get3A_242 = arith.constant 144 : index
    %get3A_243 = tpu.vector_load %arg7[%get3A_242] {strides = array<i32>} : memref<65536xf32, #tpu.memory_space<vmem>>, vector<16xf32>,
    %get3A_244 = arith.constant 160 : index
    %get3A_245 = tpu.vector_load %arg7[%get3A_244] {strides = array<i32>} : memref<65536xf32, #tpu.memory_space<vmem>>, vector<16xf32>,
    %get3A_246 = arith.constant 176 : index
    %get3A_247 = tpu.vector_load %arg7[%get3A_246] {strides = array<i32>} : memref<65536xf32, #tpu.memory_space<vmem>>, vector<16xf32>,
    %get3A_248 = arith.constant 192 : index
    %get3A_249 = tpu.vector_load %arg7[%get3A_248] {strides = array<i32>} : memref<65536xf32, #tpu.memory_space<vmem>>, vector<16xf32>,
    %get3A_250 = arith.constant 208 : index
    %get3A_251 = tpu.vector_load %arg7[%get3A_250] {strides = array<i32>} : memref<65536xf32, #tpu.memory_space<vmem>>, vector<16xf32>,
    %get3A_252 = arith.constant 224 : index
    %get3A_253 = tpu.vector_load %arg7[%get3A_252] {strides = array<i32>} : memref<65536xf32, #tpu.memory_space<vmem>>, vector<16xf32>,
    %get3A_254 = arith.constant 240 : index
    %get3A_255 = tpu.vector_load %arg7[%get3A_254] {strides = array<i32>} : memref<65536xf32, #tpu.memory_space<vmem>>, vector<16xf32>,
    %scan3A_256 = arith.constant 0 : i32
    %scan3A_257 = arith.constant 255 : i32
    %scan3A_258 = arith.addi %scan3A_256, %scan3A_257 : i32
    %scan3A_259 = arith.constant 1 : i32
    %scan3A_260:32 = scf.for %scan3A_883 = %scan3A_256 to %scan3A_258 step %scan3A_259 iter_args(%scan3A_884 = %broadcast_in_dim3A_0, %scan3A_885 = %get3A_225, %scan3A_886 = %broadcast_in_dim3A_0, %scan3A_887 = %get3A_227, %scan3A_888 = %broadcast_in_dim3A_0, %scan3A_889 = %get3A_229, %scan3A_890 = %broadcast_in_dim3A_0, %scan3A_891 = %get3A_231, %scan3A_892 = %broadcast_in_dim3A_0, %scan3A_893 = %get3A_233, %scan3A_894 = %broadcast_in_dim3A_0, %scan3A_895 = %get3A_235, %scan3A_896 = %broadcast_in_dim3A_0, %scan3A_897 = %get3A_237, %scan3A_898 = %broadcast_in_dim3A_0, %scan3A_899 = %get3A_239, %scan3A_900 = %broadcast_in_dim3A_0, %scan3A_901 = %get3A_241, %scan3A_902 = %broadcast_in_dim3A_0, %scan3A_903 = %get3A_243, %scan3A_904 = %broadcast_in_dim3A_0, %scan3A_905 = %get3A_245, %scan3A_906 = %broadcast_in_dim3A_0, %scan3A_907 = %get3A_247, %scan3A_908 = %broadcast_in_dim3A_0, %scan3A_909 = %get3A_249, %scan3A_910 = %broadcast_in_dim3A_0, %scan3A_911 = %get3A_251, %scan3A_912 = %broadcast_in_dim3A_0, %scan3A_913 = %get3A_253, %scan3A_914 = %broadcast_in_dim3A_0, %scan3A_915 = %get3A_255) -> (vector<16xf32>, vector<16xf32>, vector<16xf32>, vector<16xf32>, vector<16xf32>, vector<16xf32>, vector<16xf32>, vector<16xf32>, vector<16xf32>, vector<16xf32>, vector<16xf32>, vector<16xf32>, vector<16xf32>, vector<16xf32>, vector<16xf32>, vector<16xf32>, vector<16xf32>, vector<16xf32>, vector<16xf32>, vector<16xf32>, vector<16xf32>, vector<16xf32>, vector<16xf32>, vector<16xf32>, vector<16xf32>, vector<16xf32>, vector<16xf32>, vector<16xf32>, vector<16xf32>, vector<16xf32>, vector<16xf32>, vector<16xf32>)  : i32 {
      %add3A_916 = arith.constant 1 : i32
      %add3A_917 = arith.addi %scan3A_883, %add3A_916 : i32
      %mul3A_918 = arith.constant 256 : i32
      %mul3A_919 = arith.muli %add3A_917, %mul3A_918 : i32
      %add3A_920 = arith.constant 0 : i32
      %add3A_921 = arith.addi %mul3A_919, %add3A_920 : i32
      %get3A_922 = arith.index_cast %add3A_921 : i32 to index
      %get3A_923 = tpu.vector_load %arg7[%get3A_922] {strides = array<i32>} : memref<65536xf32, #tpu.memory_space<vmem>>, vector<16xf32>,
      %mul3A_924 = arith.constant 0.274068624 : f32
      %mul3A_925 = vector.broadcast %mul3A_924 : f32 to vector<16xf32>
      %mul3A_926 = arith.mulf %mul3A_925, %scan3A_884 : vector<16xf32>
      %mul3A_927 = arith.constant 0.451862752 : f32
      %mul3A_928 = vector.broadcast %mul3A_927 : f32 to vector<16xf32>
      %mul3A_929 = arith.mulf %mul3A_928, %scan3A_885 : vector<16xf32>
      %add3A_930 = arith.addf %mul3A_926, %mul3A_929 : vector<16xf32>
      %mul3A_931 = arith.constant 0.274068624 : f32
      %mul3A_932 = vector.broadcast %mul3A_931 : f32 to vector<16xf32>
      %mul3A_933 = arith.mulf %mul3A_932, %get3A_923 : vector<16xf32>
      %add3A_934 = arith.addf %add3A_930, %mul3A_933 : vector<16xf32>
      %mul3A_935 = arith.constant 256 : i32
      %mul3A_936 = arith.muli %scan3A_883, %mul3A_935 : i32
      %add3A_937 = arith.constant 0 : i32
      %add3A_938 = arith.addi %mul3A_936, %add3A_937 : i32
      %swap3A_939 = arith.index_cast %add3A_938 : i32 to index
      %swap3A_940 = tpu.vector_load %arg7[%swap3A_939] {strides = array<i32>} : memref<65536xf32, #tpu.memory_space<vmem>>, vector<16xf32>,
      tpu.vector_store %arg7[%swap3A_939], %add3A_934 {strides = array<i32>} : memref<65536xf32, #tpu.memory_space<vmem>>, vector<16xf32>,
      %add3A_941 = arith.constant 1 : i32
      %add3A_942 = arith.addi %scan3A_883, %add3A_941 : i32
      %mul3A_943 = arith.constant 256 : i32
      %mul3A_944 = arith.muli %add3A_942, %mul3A_943 : i32
      %add3A_945 = arith.constant 16 : i32
      %add3A_946 = arith.addi %mul3A_944, %add3A_945 : i32
      %get3A_947 = arith.index_cast %add3A_946 : i32 to index
      %get3A_948 = tpu.vector_load %arg7[%get3A_947] {strides = array<i32>} : memref<65536xf32, #tpu.memory_space<vmem>>, vector<16xf32>,
      %mul3A_949 = arith.constant 0.274068624 : f32
      %mul3A_950 = vector.broadcast %mul3A_949 : f32 to vector<16xf32>
      %mul3A_951 = arith.mulf %mul3A_950, %scan3A_886 : vector<16xf32>
      %mul3A_952 = arith.constant 0.451862752 : f32
      %mul3A_953 = vector.broadcast %mul3A_952 : f32 to vector<16xf32>
      %mul3A_954 = arith.mulf %mul3A_953, %scan3A_887 : vector<16xf32>
      %add3A_955 = arith.addf %mul3A_951, %mul3A_954 : vector<16xf32>
      %mul3A_956 = arith.constant 0.274068624 : f32
      %mul3A_957 = vector.broadcast %mul3A_956 : f32 to vector<16xf32>
      %mul3A_958 = arith.mulf %mul3A_957, %get3A_948 : vector<16xf32>
      %add3A_959 = arith.addf %add3A_955, %mul3A_958 : vector<16xf32>
      %mul3A_960 = arith.constant 256 : i32
      %mul3A_961 = arith.muli %scan3A_883, %mul3A_960 : i32
      %add3A_962 = arith.constant 16 : i32
      %add3A_963 = arith.addi %mul3A_961, %add3A_962 : i32
      %swap3A_964 = arith.index_cast %add3A_963 : i32 to index
      %swap3A_965 = tpu.vector_load %arg7[%swap3A_964] {strides = array<i32>} : memref<65536xf32, #tpu.memory_space<vmem>>, vector<16xf32>,
      tpu.vector_store %arg7[%swap3A_964], %add3A_959 {strides = array<i32>} : memref<65536xf32, #tpu.memory_space<vmem>>, vector<16xf32>,
      %add3A_966 = arith.constant 1 : i32
      %add3A_967 = arith.addi %scan3A_883, %add3A_966 : i32
      %mul3A_968 = arith.constant 256 : i32
      %mul3A_969 = arith.muli %add3A_967, %mul3A_968 : i32
      %add3A_970 = arith.constant 32 : i32
      %add3A_971 = arith.addi %mul3A_969, %add3A_970 : i32
      %get3A_972 = arith.index_cast %add3A_971 : i32 to index
      %get3A_973 = tpu.vector_load %arg7[%get3A_972] {strides = array<i32>} : memref<65536xf32, #tpu.memory_space<vmem>>, vector<16xf32>,
      %mul3A_974 = arith.constant 0.274068624 : f32
      %mul3A_975 = vector.broadcast %mul3A_974 : f32 to vector<16xf32>
      %mul3A_976 = arith.mulf %mul3A_975, %scan3A_888 : vector<16xf32>
      %mul3A_977 = arith.constant 0.451862752 : f32
      %mul3A_978 = vector.broadcast %mul3A_977 : f32 to vector<16xf32>
      %mul3A_979 = arith.mulf %mul3A_978, %scan3A_889 : vector<16xf32>
      %add3A_980 = arith.addf %mul3A_976, %mul3A_979 : vector<16xf32>
      %mul3A_981 = arith.constant 0.274068624 : f32
      %mul3A_982 = vector.broadcast %mul3A_981 : f32 to vector<16xf32>
      %mul3A_983 = arith.mulf %mul3A_982, %get3A_973 : vector<16xf32>
      %add3A_984 = arith.addf %add3A_980, %mul3A_983 : vector<16xf32>
      %mul3A_985 = arith.constant 256 : i32
      %mul3A_986 = arith.muli %scan3A_883, %mul3A_985 : i32
      %add3A_987 = arith.constant 32 : i32
      %add3A_988 = arith.addi %mul3A_986, %add3A_987 : i32
      %swap3A_989 = arith.index_cast %add3A_988 : i32 to index
      %swap3A_990 = tpu.vector_load %arg7[%swap3A_989] {strides = array<i32>} : memref<65536xf32, #tpu.memory_space<vmem>>, vector<16xf32>,
      tpu.vector_store %arg7[%swap3A_989], %add3A_984 {strides = array<i32>} : memref<65536xf32, #tpu.memory_space<vmem>>, vector<16xf32>,
      %add3A_991 = arith.constant 1 : i32
      %add3A_992 = arith.addi %scan3A_883, %add3A_991 : i32
      %mul3A_993 = arith.constant 256 : i32
      %mul3A_994 = arith.muli %add3A_992, %mul3A_993 : i32
      %add3A_995 = arith.constant 48 : i32
      %add3A_996 = arith.addi %mul3A_994, %add3A_995 : i32
      %get3A_997 = arith.index_cast %add3A_996 : i32 to index
      %get3A_998 = tpu.vector_load %arg7[%get3A_997] {strides = array<i32>} : memref<65536xf32, #tpu.memory_space<vmem>>, vector<16xf32>,
      %mul3A_999 = arith.constant 0.274068624 : f32
      %mul3A_1000 = vector.broadcast %mul3A_999 : f32 to vector<16xf32>
      %mul3A_1001 = arith.mulf %mul3A_1000, %scan3A_890 : vector<16xf32>
      %mul3A_1002 = arith.constant 0.451862752 : f32
      %mul3A_1003 = vector.broadcast %mul3A_1002 : f32 to vector<16xf32>
      %mul3A_1004 = arith.mulf %mul3A_1003, %scan3A_891 : vector<16xf32>
      %add3A_1005 = arith.addf %mul3A_1001, %mul3A_1004 : vector<16xf32>
      %mul3A_1006 = arith.constant 0.274068624 : f32
      %mul3A_1007 = vector.broadcast %mul3A_1006 : f32 to vector<16xf32>
      %mul3A_1008 = arith.mulf %mul3A_1007, %get3A_998 : vector<16xf32>
      %add3A_1009 = arith.addf %add3A_1005, %mul3A_1008 : vector<16xf32>
      %mul3A_1010 = arith.constant 256 : i32
      %mul3A_1011 = arith.muli %scan3A_883, %mul3A_1010 : i32
      %add3A_1012 = arith.constant 48 : i32
      %add3A_1013 = arith.addi %mul3A_1011, %add3A_1012 : i32
      %swap3A_1014 = arith.index_cast %add3A_1013 : i32 to index
      %swap3A_1015 = tpu.vector_load %arg7[%swap3A_1014] {strides = array<i32>} : memref<65536xf32, #tpu.memory_space<vmem>>, vector<16xf32>,
      tpu.vector_store %arg7[%swap3A_1014], %add3A_1009 {strides = array<i32>} : memref<65536xf32, #tpu.memory_space<vmem>>, vector<16xf32>,
      %add3A_1016 = arith.constant 1 : i32
      %add3A_1017 = arith.addi %scan3A_883, %add3A_1016 : i32
      %mul3A_1018 = arith.constant 256 : i32
      %mul3A_1019 = arith.muli %add3A_1017, %mul3A_1018 : i32
      %add3A_1020 = arith.constant 64 : i32
      %add3A_1021 = arith.addi %mul3A_1019, %add3A_1020 : i32
      %get3A_1022 = arith.index_cast %add3A_1021 : i32 to index
      %get3A_1023 = tpu.vector_load %arg7[%get3A_1022] {strides = array<i32>} : memref<65536xf32, #tpu.memory_space<vmem>>, vector<16xf32>,
      %mul3A_1024 = arith.constant 0.274068624 : f32
      %mul3A_1025 = vector.broadcast %mul3A_1024 : f32 to vector<16xf32>
      %mul3A_1026 = arith.mulf %mul3A_1025, %scan3A_892 : vector<16xf32>
      %mul3A_1027 = arith.constant 0.451862752 : f32
      %mul3A_1028 = vector.broadcast %mul3A_1027 : f32 to vector<16xf32>
      %mul3A_1029 = arith.mulf %mul3A_1028, %scan3A_893 : vector<16xf32>
      %add3A_1030 = arith.addf %mul3A_1026, %mul3A_1029 : vector<16xf32>
      %mul3A_1031 = arith.constant 0.274068624 : f32
      %mul3A_1032 = vector.broadcast %mul3A_1031 : f32 to vector<16xf32>
      %mul3A_1033 = arith.mulf %mul3A_1032, %get3A_1023 : vector<16xf32>
      %add3A_1034 = arith.addf %add3A_1030, %mul3A_1033 : vector<16xf32>
      %mul3A_1035 = arith.constant 256 : i32
      %mul3A_1036 = arith.muli %scan3A_883, %mul3A_1035 : i32
      %add3A_1037 = arith.constant 64 : i32
      %add3A_1038 = arith.addi %mul3A_1036, %add3A_1037 : i32
      %swap3A_1039 = arith.index_cast %add3A_1038 : i32 to index
      %swap3A_1040 = tpu.vector_load %arg7[%swap3A_1039] {strides = array<i32>} : memref<65536xf32, #tpu.memory_space<vmem>>, vector<16xf32>,
      tpu.vector_store %arg7[%swap3A_1039], %add3A_1034 {strides = array<i32>} : memref<65536xf32, #tpu.memory_space<vmem>>, vector<16xf32>,
      %add3A_1041 = arith.constant 1 : i32
      %add3A_1042 = arith.addi %scan3A_883, %add3A_1041 : i32
      %mul3A_1043 = arith.constant 256 : i32
      %mul3A_1044 = arith.muli %add3A_1042, %mul3A_1043 : i32
      %add3A_1045 = arith.constant 80 : i32
      %add3A_1046 = arith.addi %mul3A_1044, %add3A_1045 : i32
      %get3A_1047 = arith.index_cast %add3A_1046 : i32 to index
      %get3A_1048 = tpu.vector_load %arg7[%get3A_1047] {strides = array<i32>} : memref<65536xf32, #tpu.memory_space<vmem>>, vector<16xf32>,
      %mul3A_1049 = arith.constant 0.274068624 : f32
      %mul3A_1050 = vector.broadcast %mul3A_1049 : f32 to vector<16xf32>
      %mul3A_1051 = arith.mulf %mul3A_1050, %scan3A_894 : vector<16xf32>
      %mul3A_1052 = arith.constant 0.451862752 : f32
      %mul3A_1053 = vector.broadcast %mul3A_1052 : f32 to vector<16xf32>
      %mul3A_1054 = arith.mulf %mul3A_1053, %scan3A_895 : vector<16xf32>
      %add3A_1055 = arith.addf %mul3A_1051, %mul3A_1054 : vector<16xf32>
      %mul3A_1056 = arith.constant 0.274068624 : f32
      %mul3A_1057 = vector.broadcast %mul3A_1056 : f32 to vector<16xf32>
      %mul3A_1058 = arith.mulf %mul3A_1057, %get3A_1048 : vector<16xf32>
      %add3A_1059 = arith.addf %add3A_1055, %mul3A_1058 : vector<16xf32>
      %mul3A_1060 = arith.constant 256 : i32
      %mul3A_1061 = arith.muli %scan3A_883, %mul3A_1060 : i32
      %add3A_1062 = arith.constant 80 : i32
      %add3A_1063 = arith.addi %mul3A_1061, %add3A_1062 : i32
      %swap3A_1064 = arith.index_cast %add3A_1063 : i32 to index
      %swap3A_1065 = tpu.vector_load %arg7[%swap3A_1064] {strides = array<i32>} : memref<65536xf32, #tpu.memory_space<vmem>>, vector<16xf32>,
      tpu.vector_store %arg7[%swap3A_1064], %add3A_1059 {strides = array<i32>} : memref<65536xf32, #tpu.memory_space<vmem>>, vector<16xf32>,
      %add3A_1066 = arith.constant 1 : i32
      %add3A_1067 = arith.addi %scan3A_883, %add3A_1066 : i32
      %mul3A_1068 = arith.constant 256 : i32
      %mul3A_1069 = arith.muli %add3A_1067, %mul3A_1068 : i32
      %add3A_1070 = arith.constant 96 : i32
      %add3A_1071 = arith.addi %mul3A_1069, %add3A_1070 : i32
      %get3A_1072 = arith.index_cast %add3A_1071 : i32 to index
      %get3A_1073 = tpu.vector_load %arg7[%get3A_1072] {strides = array<i32>} : memref<65536xf32, #tpu.memory_space<vmem>>, vector<16xf32>,
      %mul3A_1074 = arith.constant 0.274068624 : f32
      %mul3A_1075 = vector.broadcast %mul3A_1074 : f32 to vector<16xf32>
      %mul3A_1076 = arith.mulf %mul3A_1075, %scan3A_896 : vector<16xf32>
      %mul3A_1077 = arith.constant 0.451862752 : f32
      %mul3A_1078 = vector.broadcast %mul3A_1077 : f32 to vector<16xf32>
      %mul3A_1079 = arith.mulf %mul3A_1078, %scan3A_897 : vector<16xf32>
      %add3A_1080 = arith.addf %mul3A_1076, %mul3A_1079 : vector<16xf32>
      %mul3A_1081 = arith.constant 0.274068624 : f32
      %mul3A_1082 = vector.broadcast %mul3A_1081 : f32 to vector<16xf32>
      %mul3A_1083 = arith.mulf %mul3A_1082, %get3A_1073 : vector<16xf32>
      %add3A_1084 = arith.addf %add3A_1080, %mul3A_1083 : vector<16xf32>
      %mul3A_1085 = arith.constant 256 : i32
      %mul3A_1086 = arith.muli %scan3A_883, %mul3A_1085 : i32
      %add3A_1087 = arith.constant 96 : i32
      %add3A_1088 = arith.addi %mul3A_1086, %add3A_1087 : i32
      %swap3A_1089 = arith.index_cast %add3A_1088 : i32 to index
      %swap3A_1090 = tpu.vector_load %arg7[%swap3A_1089] {strides = array<i32>} : memref<65536xf32, #tpu.memory_space<vmem>>, vector<16xf32>,
      tpu.vector_store %arg7[%swap3A_1089], %add3A_1084 {strides = array<i32>} : memref<65536xf32, #tpu.memory_space<vmem>>, vector<16xf32>,
      %add3A_1091 = arith.constant 1 : i32
      %add3A_1092 = arith.addi %scan3A_883, %add3A_1091 : i32
      %mul3A_1093 = arith.constant 256 : i32
      %mul3A_1094 = arith.muli %add3A_1092, %mul3A_1093 : i32
      %add3A_1095 = arith.constant 112 : i32
      %add3A_1096 = arith.addi %mul3A_1094, %add3A_1095 : i32
      %get3A_1097 = arith.index_cast %add3A_1096 : i32 to index
      %get3A_1098 = tpu.vector_load %arg7[%get3A_1097] {strides = array<i32>} : memref<65536xf32, #tpu.memory_space<vmem>>, vector<16xf32>,
      %mul3A_1099 = arith.constant 0.274068624 : f32
      %mul3A_1100 = vector.broadcast %mul3A_1099 : f32 to vector<16xf32>
      %mul3A_1101 = arith.mulf %mul3A_1100, %scan3A_898 : vector<16xf32>
      %mul3A_1102 = arith.constant 0.451862752 : f32
      %mul3A_1103 = vector.broadcast %mul3A_1102 : f32 to vector<16xf32>
      %mul3A_1104 = arith.mulf %mul3A_1103, %scan3A_899 : vector<16xf32>
      %add3A_1105 = arith.addf %mul3A_1101, %mul3A_1104 : vector<16xf32>
      %mul3A_1106 = arith.constant 0.274068624 : f32
      %mul3A_1107 = vector.broadcast %mul3A_1106 : f32 to vector<16xf32>
      %mul3A_1108 = arith.mulf %mul3A_1107, %get3A_1098 : vector<16xf32>
      %add3A_1109 = arith.addf %add3A_1105, %mul3A_1108 : vector<16xf32>
      %mul3A_1110 = arith.constant 256 : i32
      %mul3A_1111 = arith.muli %scan3A_883, %mul3A_1110 : i32
      %add3A_1112 = arith.constant 112 : i32
      %add3A_1113 = arith.addi %mul3A_1111, %add3A_1112 : i32
      %swap3A_1114 = arith.index_cast %add3A_1113 : i32 to index
      %swap3A_1115 = tpu.vector_load %arg7[%swap3A_1114] {strides = array<i32>} : memref<65536xf32, #tpu.memory_space<vmem>>, vector<16xf32>,
      tpu.vector_store %arg7[%swap3A_1114], %add3A_1109 {strides = array<i32>} : memref<65536xf32, #tpu.memory_space<vmem>>, vector<16xf32>,
      %add3A_1116 = arith.constant 1 : i32
      %add3A_1117 = arith.addi %scan3A_883, %add3A_1116 : i32
      %mul3A_1118 = arith.constant 256 : i32
      %mul3A_1119 = arith.muli %add3A_1117, %mul3A_1118 : i32
      %add3A_1120 = arith.constant 128 : i32
      %add3A_1121 = arith.addi %mul3A_1119, %add3A_1120 : i32
      %get3A_1122 = arith.index_cast %add3A_1121 : i32 to index
      %get3A_1123 = tpu.vector_load %arg7[%get3A_1122] {strides = array<i32>} : memref<65536xf32, #tpu.memory_space<vmem>>, vector<16xf32>,
      %mul3A_1124 = arith.constant 0.274068624 : f32
      %mul3A_1125 = vector.broadcast %mul3A_1124 : f32 to vector<16xf32>
      %mul3A_1126 = arith.mulf %mul3A_1125, %scan3A_900 : vector<16xf32>
      %mul3A_1127 = arith.constant 0.451862752 : f32
      %mul3A_1128 = vector.broadcast %mul3A_1127 : f32 to vector<16xf32>
      %mul3A_1129 = arith.mulf %mul3A_1128, %scan3A_901 : vector<16xf32>
      %add3A_1130 = arith.addf %mul3A_1126, %mul3A_1129 : vector<16xf32>
      %mul3A_1131 = arith.constant 0.274068624 : f32
      %mul3A_1132 = vector.broadcast %mul3A_1131 : f32 to vector<16xf32>
      %mul3A_1133 = arith.mulf %mul3A_1132, %get3A_1123 : vector<16xf32>
      %add3A_1134 = arith.addf %add3A_1130, %mul3A_1133 : vector<16xf32>
      %mul3A_1135 = arith.constant 256 : i32
      %mul3A_1136 = arith.muli %scan3A_883, %mul3A_1135 : i32
      %add3A_1137 = arith.constant 128 : i32
      %add3A_1138 = arith.addi %mul3A_1136, %add3A_1137 : i32
      %swap3A_1139 = arith.index_cast %add3A_1138 : i32 to index
      %swap3A_1140 = tpu.vector_load %arg7[%swap3A_1139] {strides = array<i32>} : memref<65536xf32, #tpu.memory_space<vmem>>, vector<16xf32>,
      tpu.vector_store %arg7[%swap3A_1139], %add3A_1134 {strides = array<i32>} : memref<65536xf32, #tpu.memory_space<vmem>>, vector<16xf32>,
      %add3A_1141 = arith.constant 1 : i32
      %add3A_1142 = arith.addi %scan3A_883, %add3A_1141 : i32
      %mul3A_1143 = arith.constant 256 : i32
      %mul3A_1144 = arith.muli %add3A_1142, %mul3A_1143 : i32
      %add3A_1145 = arith.constant 144 : i32
      %add3A_1146 = arith.addi %mul3A_1144, %add3A_1145 : i32
      %get3A_1147 = arith.index_cast %add3A_1146 : i32 to index
      %get3A_1148 = tpu.vector_load %arg7[%get3A_1147] {strides = array<i32>} : memref<65536xf32, #tpu.memory_space<vmem>>, vector<16xf32>,
      %mul3A_1149 = arith.constant 0.274068624 : f32
      %mul3A_1150 = vector.broadcast %mul3A_1149 : f32 to vector<16xf32>
      %mul3A_1151 = arith.mulf %mul3A_1150, %scan3A_902 : vector<16xf32>
      %mul3A_1152 = arith.constant 0.451862752 : f32
      %mul3A_1153 = vector.broadcast %mul3A_1152 : f32 to vector<16xf32>
      %mul3A_1154 = arith.mulf %mul3A_1153, %scan3A_903 : vector<16xf32>
      %add3A_1155 = arith.addf %mul3A_1151, %mul3A_1154 : vector<16xf32>
      %mul3A_1156 = arith.constant 0.274068624 : f32
      %mul3A_1157 = vector.broadcast %mul3A_1156 : f32 to vector<16xf32>
      %mul3A_1158 = arith.mulf %mul3A_1157, %get3A_1148 : vector<16xf32>
      %add3A_1159 = arith.addf %add3A_1155, %mul3A_1158 : vector<16xf32>
      %mul3A_1160 = arith.constant 256 : i32
      %mul3A_1161 = arith.muli %scan3A_883, %mul3A_1160 : i32
      %add3A_1162 = arith.constant 144 : i32
      %add3A_1163 = arith.addi %mul3A_1161, %add3A_1162 : i32
      %swap3A_1164 = arith.index_cast %add3A_1163 : i32 to index
      %swap3A_1165 = tpu.vector_load %arg7[%swap3A_1164] {strides = array<i32>} : memref<65536xf32, #tpu.memory_space<vmem>>, vector<16xf32>,
      tpu.vector_store %arg7[%swap3A_1164], %add3A_1159 {strides = array<i32>} : memref<65536xf32, #tpu.memory_space<vmem>>, vector<16xf32>,
      %add3A_1166 = arith.constant 1 : i32
      %add3A_1167 = arith.addi %scan3A_883, %add3A_1166 : i32
      %mul3A_1168 = arith.constant 256 : i32
      %mul3A_1169 = arith.muli %add3A_1167, %mul3A_1168 : i32
      %add3A_1170 = arith.constant 160 : i32
      %add3A_1171 = arith.addi %mul3A_1169, %add3A_1170 : i32
      %get3A_1172 = arith.index_cast %add3A_1171 : i32 to index
      %get3A_1173 = tpu.vector_load %arg7[%get3A_1172] {strides = array<i32>} : memref<65536xf32, #tpu.memory_space<vmem>>, vector<16xf32>,
      %mul3A_1174 = arith.constant 0.274068624 : f32
      %mul3A_1175 = vector.broadcast %mul3A_1174 : f32 to vector<16xf32>
      %mul3A_1176 = arith.mulf %mul3A_1175, %scan3A_904 : vector<16xf32>
      %mul3A_1177 = arith.constant 0.451862752 : f32
      %mul3A_1178 = vector.broadcast %mul3A_1177 : f32 to vector<16xf32>
      %mul3A_1179 = arith.mulf %mul3A_1178, %scan3A_905 : vector<16xf32>
      %add3A_1180 = arith.addf %mul3A_1176, %mul3A_1179 : vector<16xf32>
      %mul3A_1181 = arith.constant 0.274068624 : f32
      %mul3A_1182 = vector.broadcast %mul3A_1181 : f32 to vector<16xf32>
      %mul3A_1183 = arith.mulf %mul3A_1182, %get3A_1173 : vector<16xf32>
      %add3A_1184 = arith.addf %add3A_1180, %mul3A_1183 : vector<16xf32>
      %mul3A_1185 = arith.constant 256 : i32
      %mul3A_1186 = arith.muli %scan3A_883, %mul3A_1185 : i32
      %add3A_1187 = arith.constant 160 : i32
      %add3A_1188 = arith.addi %mul3A_1186, %add3A_1187 : i32
      %swap3A_1189 = arith.index_cast %add3A_1188 : i32 to index
      %swap3A_1190 = tpu.vector_load %arg7[%swap3A_1189] {strides = array<i32>} : memref<65536xf32, #tpu.memory_space<vmem>>, vector<16xf32>,
      tpu.vector_store %arg7[%swap3A_1189], %add3A_1184 {strides = array<i32>} : memref<65536xf32, #tpu.memory_space<vmem>>, vector<16xf32>,
      %add3A_1191 = arith.constant 1 : i32
      %add3A_1192 = arith.addi %scan3A_883, %add3A_1191 : i32
      %mul3A_1193 = arith.constant 256 : i32
      %mul3A_1194 = arith.muli %add3A_1192, %mul3A_1193 : i32
      %add3A_1195 = arith.constant 176 : i32
      %add3A_1196 = arith.addi %mul3A_1194, %add3A_1195 : i32
      %get3A_1197 = arith.index_cast %add3A_1196 : i32 to index
      %get3A_1198 = tpu.vector_load %arg7[%get3A_1197] {strides = array<i32>} : memref<65536xf32, #tpu.memory_space<vmem>>, vector<16xf32>,
      %mul3A_1199 = arith.constant 0.274068624 : f32
      %mul3A_1200 = vector.broadcast %mul3A_1199 : f32 to vector<16xf32>
      %mul3A_1201 = arith.mulf %mul3A_1200, %scan3A_906 : vector<16xf32>
      %mul3A_1202 = arith.constant 0.451862752 : f32
      %mul3A_1203 = vector.broadcast %mul3A_1202 : f32 to vector<16xf32>
      %mul3A_1204 = arith.mulf %mul3A_1203, %scan3A_907 : vector<16xf32>
      %add3A_1205 = arith.addf %mul3A_1201, %mul3A_1204 : vector<16xf32>
      %mul3A_1206 = arith.constant 0.274068624 : f32
      %mul3A_1207 = vector.broadcast %mul3A_1206 : f32 to vector<16xf32>
      %mul3A_1208 = arith.mulf %mul3A_1207, %get3A_1198 : vector<16xf32>
      %add3A_1209 = arith.addf %add3A_1205, %mul3A_1208 : vector<16xf32>
      %mul3A_1210 = arith.constant 256 : i32
      %mul3A_1211 = arith.muli %scan3A_883, %mul3A_1210 : i32
      %add3A_1212 = arith.constant 176 : i32
      %add3A_1213 = arith.addi %mul3A_1211, %add3A_1212 : i32
      %swap3A_1214 = arith.index_cast %add3A_1213 : i32 to index
      %swap3A_1215 = tpu.vector_load %arg7[%swap3A_1214] {strides = array<i32>} : memref<65536xf32, #tpu.memory_space<vmem>>, vector<16xf32>,
      tpu.vector_store %arg7[%swap3A_1214], %add3A_1209 {strides = array<i32>} : memref<65536xf32, #tpu.memory_space<vmem>>, vector<16xf32>,
      %add3A_1216 = arith.constant 1 : i32
      %add3A_1217 = arith.addi %scan3A_883, %add3A_1216 : i32
      %mul3A_1218 = arith.constant 256 : i32
      %mul3A_1219 = arith.muli %add3A_1217, %mul3A_1218 : i32
      %add3A_1220 = arith.constant 192 : i32
      %add3A_1221 = arith.addi %mul3A_1219, %add3A_1220 : i32
      %get3A_1222 = arith.index_cast %add3A_1221 : i32 to index
      %get3A_1223 = tpu.vector_load %arg7[%get3A_1222] {strides = array<i32>} : memref<65536xf32, #tpu.memory_space<vmem>>, vector<16xf32>,
      %mul3A_1224 = arith.constant 0.274068624 : f32
      %mul3A_1225 = vector.broadcast %mul3A_1224 : f32 to vector<16xf32>
      %mul3A_1226 = arith.mulf %mul3A_1225, %scan3A_908 : vector<16xf32>
      %mul3A_1227 = arith.constant 0.451862752 : f32
      %mul3A_1228 = vector.broadcast %mul3A_1227 : f32 to vector<16xf32>
      %mul3A_1229 = arith.mulf %mul3A_1228, %scan3A_909 : vector<16xf32>
      %add3A_1230 = arith.addf %mul3A_1226, %mul3A_1229 : vector<16xf32>
      %mul3A_1231 = arith.constant 0.274068624 : f32
      %mul3A_1232 = vector.broadcast %mul3A_1231 : f32 to vector<16xf32>
      %mul3A_1233 = arith.mulf %mul3A_1232, %get3A_1223 : vector<16xf32>
      %add3A_1234 = arith.addf %add3A_1230, %mul3A_1233 : vector<16xf32>
      %mul3A_1235 = arith.constant 256 : i32
      %mul3A_1236 = arith.muli %scan3A_883, %mul3A_1235 : i32
      %add3A_1237 = arith.constant 192 : i32
      %add3A_1238 = arith.addi %mul3A_1236, %add3A_1237 : i32
      %swap3A_1239 = arith.index_cast %add3A_1238 : i32 to index
      %swap3A_1240 = tpu.vector_load %arg7[%swap3A_1239] {strides = array<i32>} : memref<65536xf32, #tpu.memory_space<vmem>>, vector<16xf32>,
      tpu.vector_store %arg7[%swap3A_1239], %add3A_1234 {strides = array<i32>} : memref<65536xf32, #tpu.memory_space<vmem>>, vector<16xf32>,
      %add3A_1241 = arith.constant 1 : i32
      %add3A_1242 = arith.addi %scan3A_883, %add3A_1241 : i32
      %mul3A_1243 = arith.constant 256 : i32
      %mul3A_1244 = arith.muli %add3A_1242, %mul3A_1243 : i32
      %add3A_1245 = arith.constant 208 : i32
      %add3A_1246 = arith.addi %mul3A_1244, %add3A_1245 : i32
      %get3A_1247 = arith.index_cast %add3A_1246 : i32 to index
      %get3A_1248 = tpu.vector_load %arg7[%get3A_1247] {strides = array<i32>} : memref<65536xf32, #tpu.memory_space<vmem>>, vector<16xf32>,
      %mul3A_1249 = arith.constant 0.274068624 : f32
      %mul3A_1250 = vector.broadcast %mul3A_1249 : f32 to vector<16xf32>
      %mul3A_1251 = arith.mulf %mul3A_1250, %scan3A_910 : vector<16xf32>
      %mul3A_1252 = arith.constant 0.451862752 : f32
      %mul3A_1253 = vector.broadcast %mul3A_1252 : f32 to vector<16xf32>
      %mul3A_1254 = arith.mulf %mul3A_1253, %scan3A_911 : vector<16xf32>
      %add3A_1255 = arith.addf %mul3A_1251, %mul3A_1254 : vector<16xf32>
      %mul3A_1256 = arith.constant 0.274068624 : f32
      %mul3A_1257 = vector.broadcast %mul3A_1256 : f32 to vector<16xf32>
      %mul3A_1258 = arith.mulf %mul3A_1257, %get3A_1248 : vector<16xf32>
      %add3A_1259 = arith.addf %add3A_1255, %mul3A_1258 : vector<16xf32>
      %mul3A_1260 = arith.constant 256 : i32
      %mul3A_1261 = arith.muli %scan3A_883, %mul3A_1260 : i32
      %add3A_1262 = arith.constant 208 : i32
      %add3A_1263 = arith.addi %mul3A_1261, %add3A_1262 : i32
      %swap3A_1264 = arith.index_cast %add3A_1263 : i32 to index
      %swap3A_1265 = tpu.vector_load %arg7[%swap3A_1264] {strides = array<i32>} : memref<65536xf32, #tpu.memory_space<vmem>>, vector<16xf32>,
      tpu.vector_store %arg7[%swap3A_1264], %add3A_1259 {strides = array<i32>} : memref<65536xf32, #tpu.memory_space<vmem>>, vector<16xf32>,
      %add3A_1266 = arith.constant 1 : i32
      %add3A_1267 = arith.addi %scan3A_883, %add3A_1266 : i32
      %mul3A_1268 = arith.constant 256 : i32
      %mul3A_1269 = arith.muli %add3A_1267, %mul3A_1268 : i32
      %add3A_1270 = arith.constant 224 : i32
      %add3A_1271 = arith.addi %mul3A_1269, %add3A_1270 : i32
      %get3A_1272 = arith.index_cast %add3A_1271 : i32 to index
      %get3A_1273 = tpu.vector_load %arg7[%get3A_1272] {strides = array<i32>} : memref<65536xf32, #tpu.memory_space<vmem>>, vector<16xf32>,
      %mul3A_1274 = arith.constant 0.274068624 : f32
      %mul3A_1275 = vector.broadcast %mul3A_1274 : f32 to vector<16xf32>
      %mul3A_1276 = arith.mulf %mul3A_1275, %scan3A_912 : vector<16xf32>
      %mul3A_1277 = arith.constant 0.451862752 : f32
      %mul3A_1278 = vector.broadcast %mul3A_1277 : f32 to vector<16xf32>
      %mul3A_1279 = arith.mulf %mul3A_1278, %scan3A_913 : vector<16xf32>
      %add3A_1280 = arith.addf %mul3A_1276, %mul3A_1279 : vector<16xf32>
      %mul3A_1281 = arith.constant 0.274068624 : f32
      %mul3A_1282 = vector.broadcast %mul3A_1281 : f32 to vector<16xf32>
      %mul3A_1283 = arith.mulf %mul3A_1282, %get3A_1273 : vector<16xf32>
      %add3A_1284 = arith.addf %add3A_1280, %mul3A_1283 : vector<16xf32>
      %mul3A_1285 = arith.constant 256 : i32
      %mul3A_1286 = arith.muli %scan3A_883, %mul3A_1285 : i32
      %add3A_1287 = arith.constant 224 : i32
      %add3A_1288 = arith.addi %mul3A_1286, %add3A_1287 : i32
      %swap3A_1289 = arith.index_cast %add3A_1288 : i32 to index
      %swap3A_1290 = tpu.vector_load %arg7[%swap3A_1289] {strides = array<i32>} : memref<65536xf32, #tpu.memory_space<vmem>>, vector<16xf32>,
      tpu.vector_store %arg7[%swap3A_1289], %add3A_1284 {strides = array<i32>} : memref<65536xf32, #tpu.memory_space<vmem>>, vector<16xf32>,
      %add3A_1291 = arith.constant 1 : i32
      %add3A_1292 = arith.addi %scan3A_883, %add3A_1291 : i32
      %mul3A_1293 = arith.constant 256 : i32
      %mul3A_1294 = arith.muli %add3A_1292, %mul3A_1293 : i32
      %add3A_1295 = arith.constant 240 : i32
      %add3A_1296 = arith.addi %mul3A_1294, %add3A_1295 : i32
      %get3A_1297 = arith.index_cast %add3A_1296 : i32 to index
      %get3A_1298 = tpu.vector_load %arg7[%get3A_1297] {strides = array<i32>} : memref<65536xf32, #tpu.memory_space<vmem>>, vector<16xf32>,
      %mul3A_1299 = arith.constant 0.274068624 : f32
      %mul3A_1300 = vector.broadcast %mul3A_1299 : f32 to vector<16xf32>
      %mul3A_1301 = arith.mulf %mul3A_1300, %scan3A_914 : vector<16xf32>
      %mul3A_1302 = arith.constant 0.451862752 : f32
      %mul3A_1303 = vector.broadcast %mul3A_1302 : f32 to vector<16xf32>
      %mul3A_1304 = arith.mulf %mul3A_1303, %scan3A_915 : vector<16xf32>
      %add3A_1305 = arith.addf %mul3A_1301, %mul3A_1304 : vector<16xf32>
      %mul3A_1306 = arith.constant 0.274068624 : f32
      %mul3A_1307 = vector.broadcast %mul3A_1306 : f32 to vector<16xf32>
      %mul3A_1308 = arith.mulf %mul3A_1307, %get3A_1298 : vector<16xf32>
      %add3A_1309 = arith.addf %add3A_1305, %mul3A_1308 : vector<16xf32>
      %mul3A_1310 = arith.constant 256 : i32
      %mul3A_1311 = arith.muli %scan3A_883, %mul3A_1310 : i32
      %add3A_1312 = arith.constant 240 : i32
      %add3A_1313 = arith.addi %mul3A_1311, %add3A_1312 : i32
      %swap3A_1314 = arith.index_cast %add3A_1313 : i32 to index
      %swap3A_1315 = tpu.vector_load %arg7[%swap3A_1314] {strides = array<i32>} : memref<65536xf32, #tpu.memory_space<vmem>>, vector<16xf32>,
      tpu.vector_store %arg7[%swap3A_1314], %add3A_1309 {strides = array<i32>} : memref<65536xf32, #tpu.memory_space<vmem>>, vector<16xf32>,
      scf.yield %scan3A_885, %get3A_923, %scan3A_887, %get3A_948, %scan3A_889, %get3A_973, %scan3A_891, %get3A_998, %scan3A_893, %get3A_1023, %scan3A_895, %get3A_1048, %scan3A_897, %get3A_1073, %scan3A_899, %get3A_1098, %scan3A_901, %get3A_1123, %scan3A_903, %get3A_1148, %scan3A_905, %get3A_1173, %scan3A_907, %get3A_1198, %scan3A_909, %get3A_1223, %scan3A_911, %get3A_1248, %scan3A_913, %get3A_1273, %scan3A_915, %get3A_1298 : vector<16xf32>, vector<16xf32>, vector<16xf32>, vector<16xf32>, vector<16xf32>, vector<16xf32>, vector<16xf32>, vector<16xf32>, vector<16xf32>, vector<16xf32>, vector<16xf32>, vector<16xf32>, vector<16xf32>, vector<16xf32>, vector<16xf32>, vector<16xf32>, vector<16xf32>, vector<16xf32>, vector<16xf32>, vector<16xf32>, vector<16xf32>, vector<16xf32>, vector<16xf32>, vector<16xf32>, vector<16xf32>, vector<16xf32>, vector<16xf32>, vector<16xf32>, vector<16xf32>, vector<16xf32>, vector<16xf32>, vector<16xf32>
    }
    %scan3A_261 = arith.constant 255 : i32
    %mul3A_262 = arith.constant 0.274068624 : f32
    %mul3A_263 = vector.broadcast %mul3A_262 : f32 to vector<16xf32>
    %mul3A_264 = arith.mulf %mul3A_263, %scan3A_260#0 : vector<16xf32>
    %mul3A_265 = arith.constant 0.451862752 : f32
    %mul3A_266 = vector.broadcast %mul3A_265 : f32 to vector<16xf32>
    %mul3A_267 = arith.mulf %mul3A_266, %scan3A_260#1 : vector<16xf32>
    %add3A_268 = arith.addf %mul3A_264, %mul3A_267 : vector<16xf32>
    %swap3A = arith.constant 65280 : index
    %swap3A_269 = tpu.vector_load %arg7[%swap3A] {strides = array<i32>} : memref<65536xf32, #tpu.memory_space<vmem>>, vector<16xf32>,
    tpu.vector_store %arg7[%swap3A], %add3A_268 {strides = array<i32>} : memref<65536xf32, #tpu.memory_space<vmem>>, vector<16xf32>,
    %mul3A_270 = arith.constant 0.274068624 : f32
    %mul3A_271 = vector.broadcast %mul3A_270 : f32 to vector<16xf32>
    %mul3A_272 = arith.mulf %mul3A_271, %scan3A_260#2 : vector<16xf32>
    %mul3A_273 = arith.constant 0.451862752 : f32
    %mul3A_274 = vector.broadcast %mul3A_273 : f32 to vector<16xf32>
    %mul3A_275 = arith.mulf %mul3A_274, %scan3A_260#3 : vector<16xf32>
    %add3A_276 = arith.addf %mul3A_272, %mul3A_275 : vector<16xf32>
    %swap3A_277 = arith.constant 65296 : index
    %swap3A_278 = tpu.vector_load %arg7[%swap3A_277] {strides = array<i32>} : memref<65536xf32, #tpu.memory_space<vmem>>, vector<16xf32>,
    tpu.vector_store %arg7[%swap3A_277], %add3A_276 {strides = array<i32>} : memref<65536xf32, #tpu.memory_space<vmem>>, vector<16xf32>,
    %mul3A_279 = arith.constant 0.274068624 : f32
    %mul3A_280 = vector.broadcast %mul3A_279 : f32 to vector<16xf32>
    %mul3A_281 = arith.mulf %mul3A_280, %scan3A_260#4 : vector<16xf32>
    %mul3A_282 = arith.constant 0.451862752 : f32
    %mul3A_283 = vector.broadcast %mul3A_282 : f32 to vector<16xf32>
    %mul3A_284 = arith.mulf %mul3A_283, %scan3A_260#5 : vector<16xf32>
    %add3A_285 = arith.addf %mul3A_281, %mul3A_284 : vector<16xf32>
    %swap3A_286 = arith.constant 65312 : index
    %swap3A_287 = tpu.vector_load %arg7[%swap3A_286] {strides = array<i32>} : memref<65536xf32, #tpu.memory_space<vmem>>, vector<16xf32>,
    tpu.vector_store %arg7[%swap3A_286], %add3A_285 {strides = array<i32>} : memref<65536xf32, #tpu.memory_space<vmem>>, vector<16xf32>,
    %mul3A_288 = arith.constant 0.274068624 : f32
    %mul3A_289 = vector.broadcast %mul3A_288 : f32 to vector<16xf32>
    %mul3A_290 = arith.mulf %mul3A_289, %scan3A_260#6 : vector<16xf32>
    %mul3A_291 = arith.constant 0.451862752 : f32
    %mul3A_292 = vector.broadcast %mul3A_291 : f32 to vector<16xf32>
    %mul3A_293 = arith.mulf %mul3A_292, %scan3A_260#7 : vector<16xf32>
    %add3A_294 = arith.addf %mul3A_290, %mul3A_293 : vector<16xf32>
    %swap3A_295 = arith.constant 65328 : index
    %swap3A_296 = tpu.vector_load %arg7[%swap3A_295] {strides = array<i32>} : memref<65536xf32, #tpu.memory_space<vmem>>, vector<16xf32>,
    tpu.vector_store %arg7[%swap3A_295], %add3A_294 {strides = array<i32>} : memref<65536xf32, #tpu.memory_space<vmem>>, vector<16xf32>,
    %mul3A_297 = arith.constant 0.274068624 : f32
    %mul3A_298 = vector.broadcast %mul3A_297 : f32 to vector<16xf32>
    %mul3A_299 = arith.mulf %mul3A_298, %scan3A_260#8 : vector<16xf32>
    %mul3A_300 = arith.constant 0.451862752 : f32
    %mul3A_301 = vector.broadcast %mul3A_300 : f32 to vector<16xf32>
    %mul3A_302 = arith.mulf %mul3A_301, %scan3A_260#9 : vector<16xf32>
    %add3A_303 = arith.addf %mul3A_299, %mul3A_302 : vector<16xf32>
    %swap3A_304 = arith.constant 65344 : index
    %swap3A_305 = tpu.vector_load %arg7[%swap3A_304] {strides = array<i32>} : memref<65536xf32, #tpu.memory_space<vmem>>, vector<16xf32>,
    tpu.vector_store %arg7[%swap3A_304], %add3A_303 {strides = array<i32>} : memref<65536xf32, #tpu.memory_space<vmem>>, vector<16xf32>,
    %mul3A_306 = arith.constant 0.274068624 : f32
    %mul3A_307 = vector.broadcast %mul3A_306 : f32 to vector<16xf32>
    %mul3A_308 = arith.mulf %mul3A_307, %scan3A_260#10 : vector<16xf32>
    %mul3A_309 = arith.constant 0.451862752 : f32
    %mul3A_310 = vector.broadcast %mul3A_309 : f32 to vector<16xf32>
    %mul3A_311 = arith.mulf %mul3A_310, %scan3A_260#11 : vector<16xf32>
    %add3A_312 = arith.addf %mul3A_308, %mul3A_311 : vector<16xf32>
    %swap3A_313 = arith.constant 65360 : index
    %swap3A_314 = tpu.vector_load %arg7[%swap3A_313] {strides = array<i32>} : memref<65536xf32, #tpu.memory_space<vmem>>, vector<16xf32>,
    tpu.vector_store %arg7[%swap3A_313], %add3A_312 {strides = array<i32>} : memref<65536xf32, #tpu.memory_space<vmem>>, vector<16xf32>,
    %mul3A_315 = arith.constant 0.274068624 : f32
    %mul3A_316 = vector.broadcast %mul3A_315 : f32 to vector<16xf32>
    %mul3A_317 = arith.mulf %mul3A_316, %scan3A_260#12 : vector<16xf32>
    %mul3A_318 = arith.constant 0.451862752 : f32
    %mul3A_319 = vector.broadcast %mul3A_318 : f32 to vector<16xf32>
    %mul3A_320 = arith.mulf %mul3A_319, %scan3A_260#13 : vector<16xf32>
    %add3A_321 = arith.addf %mul3A_317, %mul3A_320 : vector<16xf32>
    %swap3A_322 = arith.constant 65376 : index
    %swap3A_323 = tpu.vector_load %arg7[%swap3A_322] {strides = array<i32>} : memref<65536xf32, #tpu.memory_space<vmem>>, vector<16xf32>,
    tpu.vector_store %arg7[%swap3A_322], %add3A_321 {strides = array<i32>} : memref<65536xf32, #tpu.memory_space<vmem>>, vector<16xf32>,
    %mul3A_324 = arith.constant 0.274068624 : f32
    %mul3A_325 = vector.broadcast %mul3A_324 : f32 to vector<16xf32>
    %mul3A_326 = arith.mulf %mul3A_325, %scan3A_260#14 : vector<16xf32>
    %mul3A_327 = arith.constant 0.451862752 : f32
    %mul3A_328 = vector.broadcast %mul3A_327 : f32 to vector<16xf32>
    %mul3A_329 = arith.mulf %mul3A_328, %scan3A_260#15 : vector<16xf32>
    %add3A_330 = arith.addf %mul3A_326, %mul3A_329 : vector<16xf32>
    %swap3A_331 = arith.constant 65392 : index
    %swap3A_332 = tpu.vector_load %arg7[%swap3A_331] {strides = array<i32>} : memref<65536xf32, #tpu.memory_space<vmem>>, vector<16xf32>,
    tpu.vector_store %arg7[%swap3A_331], %add3A_330 {strides = array<i32>} : memref<65536xf32, #tpu.memory_space<vmem>>, vector<16xf32>,
    %mul3A_333 = arith.constant 0.274068624 : f32
    %mul3A_334 = vector.broadcast %mul3A_333 : f32 to vector<16xf32>
    %mul3A_335 = arith.mulf %mul3A_334, %scan3A_260#16 : vector<16xf32>
    %mul3A_336 = arith.constant 0.451862752 : f32
    %mul3A_337 = vector.broadcast %mul3A_336 : f32 to vector<16xf32>
    %mul3A_338 = arith.mulf %mul3A_337, %scan3A_260#17 : vector<16xf32>
    %add3A_339 = arith.addf %mul3A_335, %mul3A_338 : vector<16xf32>
    %swap3A_340 = arith.constant 65408 : index
    %swap3A_341 = tpu.vector_load %arg7[%swap3A_340] {strides = array<i32>} : memref<65536xf32, #tpu.memory_space<vmem>>, vector<16xf32>,
    tpu.vector_store %arg7[%swap3A_340], %add3A_339 {strides = array<i32>} : memref<65536xf32, #tpu.memory_space<vmem>>, vector<16xf32>,
    %mul3A_342 = arith.constant 0.274068624 : f32
    %mul3A_343 = vector.broadcast %mul3A_342 : f32 to vector<16xf32>
    %mul3A_344 = arith.mulf %mul3A_343, %scan3A_260#18 : vector<16xf32>
    %mul3A_345 = arith.constant 0.451862752 : f32
    %mul3A_346 = vector.broadcast %mul3A_345 : f32 to vector<16xf32>
    %mul3A_347 = arith.mulf %mul3A_346, %scan3A_260#19 : vector<16xf32>
    %add3A_348 = arith.addf %mul3A_344, %mul3A_347 : vector<16xf32>
    %swap3A_349 = arith.constant 65424 : index
    %swap3A_350 = tpu.vector_load %arg7[%swap3A_349] {strides = array<i32>} : memref<65536xf32, #tpu.memory_space<vmem>>, vector<16xf32>,
    tpu.vector_store %arg7[%swap3A_349], %add3A_348 {strides = array<i32>} : memref<65536xf32, #tpu.memory_space<vmem>>, vector<16xf32>,
    %mul3A_351 = arith.constant 0.274068624 : f32
    %mul3A_352 = vector.broadcast %mul3A_351 : f32 to vector<16xf32>
    %mul3A_353 = arith.mulf %mul3A_352, %scan3A_260#20 : vector<16xf32>
    %mul3A_354 = arith.constant 0.451862752 : f32
    %mul3A_355 = vector.broadcast %mul3A_354 : f32 to vector<16xf32>
    %mul3A_356 = arith.mulf %mul3A_355, %scan3A_260#21 : vector<16xf32>
    %add3A_357 = arith.addf %mul3A_353, %mul3A_356 : vector<16xf32>
    %swap3A_358 = arith.constant 65440 : index
    %swap3A_359 = tpu.vector_load %arg7[%swap3A_358] {strides = array<i32>} : memref<65536xf32, #tpu.memory_space<vmem>>, vector<16xf32>,
    tpu.vector_store %arg7[%swap3A_358], %add3A_357 {strides = array<i32>} : memref<65536xf32, #tpu.memory_space<vmem>>, vector<16xf32>,
    %mul3A_360 = arith.constant 0.274068624 : f32
    %mul3A_361 = vector.broadcast %mul3A_360 : f32 to vector<16xf32>
    %mul3A_362 = arith.mulf %mul3A_361, %scan3A_260#22 : vector<16xf32>
    %mul3A_363 = arith.constant 0.451862752 : f32
    %mul3A_364 = vector.broadcast %mul3A_363 : f32 to vector<16xf32>
    %mul3A_365 = arith.mulf %mul3A_364, %scan3A_260#23 : vector<16xf32>
    %add3A_366 = arith.addf %mul3A_362, %mul3A_365 : vector<16xf32>
    %swap3A_367 = arith.constant 65456 : index
    %swap3A_368 = tpu.vector_load %arg7[%swap3A_367] {strides = array<i32>} : memref<65536xf32, #tpu.memory_space<vmem>>, vector<16xf32>,
    tpu.vector_store %arg7[%swap3A_367], %add3A_366 {strides = array<i32>} : memref<65536xf32, #tpu.memory_space<vmem>>, vector<16xf32>,
    %mul3A_369 = arith.constant 0.274068624 : f32
    %mul3A_370 = vector.broadcast %mul3A_369 : f32 to vector<16xf32>
    %mul3A_371 = arith.mulf %mul3A_370, %scan3A_260#24 : vector<16xf32>
    %mul3A_372 = arith.constant 0.451862752 : f32
    %mul3A_373 = vector.broadcast %mul3A_372 : f32 to vector<16xf32>
    %mul3A_374 = arith.mulf %mul3A_373, %scan3A_260#25 : vector<16xf32>
    %add3A_375 = arith.addf %mul3A_371, %mul3A_374 : vector<16xf32>
    %swap3A_376 = arith.constant 65472 : index
    %swap3A_377 = tpu.vector_load %arg7[%swap3A_376] {strides = array<i32>} : memref<65536xf32, #tpu.memory_space<vmem>>, vector<16xf32>,
    tpu.vector_store %arg7[%swap3A_376], %add3A_375 {strides = array<i32>} : memref<65536xf32, #tpu.memory_space<vmem>>, vector<16xf32>,
    %mul3A_378 = arith.constant 0.274068624 : f32
    %mul3A_379 = vector.broadcast %mul3A_378 : f32 to vector<16xf32>
    %mul3A_380 = arith.mulf %mul3A_379, %scan3A_260#26 : vector<16xf32>
    %mul3A_381 = arith.constant 0.451862752 : f32
    %mul3A_382 = vector.broadcast %mul3A_381 : f32 to vector<16xf32>
    %mul3A_383 = arith.mulf %mul3A_382, %scan3A_260#27 : vector<16xf32>
    %add3A_384 = arith.addf %mul3A_380, %mul3A_383 : vector<16xf32>
    %swap3A_385 = arith.constant 65488 : index
    %swap3A_386 = tpu.vector_load %arg7[%swap3A_385] {strides = array<i32>} : memref<65536xf32, #tpu.memory_space<vmem>>, vector<16xf32>,
    tpu.vector_store %arg7[%swap3A_385], %add3A_384 {strides = array<i32>} : memref<65536xf32, #tpu.memory_space<vmem>>, vector<16xf32>,
    %mul3A_387 = arith.constant 0.274068624 : f32
    %mul3A_388 = vector.broadcast %mul3A_387 : f32 to vector<16xf32>
    %mul3A_389 = arith.mulf %mul3A_388, %scan3A_260#28 : vector<16xf32>
    %mul3A_390 = arith.constant 0.451862752 : f32
    %mul3A_391 = vector.broadcast %mul3A_390 : f32 to vector<16xf32>
    %mul3A_392 = arith.mulf %mul3A_391, %scan3A_260#29 : vector<16xf32>
    %add3A_393 = arith.addf %mul3A_389, %mul3A_392 : vector<16xf32>
    %swap3A_394 = arith.constant 65504 : index
    %swap3A_395 = tpu.vector_load %arg7[%swap3A_394] {strides = array<i32>} : memref<65536xf32, #tpu.memory_space<vmem>>, vector<16xf32>,
    tpu.vector_store %arg7[%swap3A_394], %add3A_393 {strides = array<i32>} : memref<65536xf32, #tpu.memory_space<vmem>>, vector<16xf32>,
    %mul3A_396 = arith.constant 0.274068624 : f32
    %mul3A_397 = vector.broadcast %mul3A_396 : f32 to vector<16xf32>
    %mul3A_398 = arith.mulf %mul3A_397, %scan3A_260#30 : vector<16xf32>
    %mul3A_399 = arith.constant 0.451862752 : f32
    %mul3A_400 = vector.broadcast %mul3A_399 : f32 to vector<16xf32>
    %mul3A_401 = arith.mulf %mul3A_400, %scan3A_260#31 : vector<16xf32>
    %add3A_402 = arith.addf %mul3A_398, %mul3A_401 : vector<16xf32>
    %swap3A_403 = arith.constant 65520 : index
    %swap3A_404 = tpu.vector_load %arg7[%swap3A_403] {strides = array<i32>} : memref<65536xf32, #tpu.memory_space<vmem>>, vector<16xf32>,
    tpu.vector_store %arg7[%swap3A_403], %add3A_402 {strides = array<i32>} : memref<65536xf32, #tpu.memory_space<vmem>>, vector<16xf32>,
    %get3A_405 = arith.constant 0 : index
    %get3A_406 = tpu.vector_load %arg10[%get3A_405] {strides = array<i32>} : memref<32xf32, #tpu.memory_space<vmem>>, vector<16xf32>,
    %get3A_407 = arith.constant 16 : index
    %get3A_408 = tpu.vector_load %arg10[%get3A_407] {strides = array<i32>} : memref<32xf32, #tpu.memory_space<vmem>>, vector<16xf32>,
    %broadcast_in_dim3A_409 = arith.constant 11 : i32
    %broadcast_in_dim3A_410 = vector.broadcast %broadcast_in_dim3A_409 : i32 to vector<16xi32>
    %lt3A_411 = arith.constant 0 : i32
    %lt3A_412 = vector.broadcast %lt3A_411 : i32 to vector<16xi32>
    %lt3A_413 = arith.cmpi slt, %broadcast_in_dim3A_410, %lt3A_412 : vector<16xi32>
    %add3A_414 = arith.constant 16 : i32
    %add3A_415 = vector.broadcast %add3A_414 : i32 to vector<16xi32>
    %add3A_416 = arith.addi %broadcast_in_dim3A_410, %add3A_415 : vector<16xi32>
    %select_n3A_417 = arith.select %lt3A_413, %add3A_416, %broadcast_in_dim3A_410 : vector<16xi1>, vector<16xi32>
    %broadcast_in_dim3A_418 = vector.shape_cast %select_n3A_417 : vector<16xi32> to vector<16x1xi32>
    %gather3A_419 = vector.shape_cast %broadcast_in_dim3A_418 : vector<16x1xi32> to vector<16xi32>
    %gather3A_420 = tpu.dynamic_gather %get3A_406[%gather3A_419] in [0] : vector<16xf32>, vector<16xi32> -> vector<16xf32>
    %broadcast_in_dim3A_421 = arith.constant 12 : i32
    %broadcast_in_dim3A_422 = vector.broadcast %broadcast_in_dim3A_421 : i32 to vector<16xi32>
    %lt3A_423 = arith.constant 0 : i32
    %lt3A_424 = vector.broadcast %lt3A_423 : i32 to vector<16xi32>
    %lt3A_425 = arith.cmpi slt, %broadcast_in_dim3A_422, %lt3A_424 : vector<16xi32>
    %add3A_426 = arith.constant 16 : i32
    %add3A_427 = vector.broadcast %add3A_426 : i32 to vector<16xi32>
    %add3A_428 = arith.addi %broadcast_in_dim3A_422, %add3A_427 : vector<16xi32>
    %select_n3A_429 = arith.select %lt3A_425, %add3A_428, %broadcast_in_dim3A_422 : vector<16xi1>, vector<16xi32>
    %broadcast_in_dim3A_430 = vector.shape_cast %select_n3A_429 : vector<16xi32> to vector<16x1xi32>
    %gather3A_431 = vector.shape_cast %broadcast_in_dim3A_430 : vector<16x1xi32> to vector<16xi32>
    %gather3A_432 = tpu.dynamic_gather %get3A_406[%gather3A_431] in [0] : vector<16xf32>, vector<16xi32> -> vector<16xf32>
    %broadcast_in_dim3A_433 = arith.constant 13 : i32
    %broadcast_in_dim3A_434 = vector.broadcast %broadcast_in_dim3A_433 : i32 to vector<16xi32>
    %lt3A_435 = arith.constant 0 : i32
    %lt3A_436 = vector.broadcast %lt3A_435 : i32 to vector<16xi32>
    %lt3A_437 = arith.cmpi slt, %broadcast_in_dim3A_434, %lt3A_436 : vector<16xi32>
    %add3A_438 = arith.constant 16 : i32
    %add3A_439 = vector.broadcast %add3A_438 : i32 to vector<16xi32>
    %add3A_440 = arith.addi %broadcast_in_dim3A_434, %add3A_439 : vector<16xi32>
    %select_n3A_441 = arith.select %lt3A_437, %add3A_440, %broadcast_in_dim3A_434 : vector<16xi1>, vector<16xi32>
    %broadcast_in_dim3A_442 = vector.shape_cast %select_n3A_441 : vector<16xi32> to vector<16x1xi32>
    %gather3A_443 = vector.shape_cast %broadcast_in_dim3A_442 : vector<16x1xi32> to vector<16xi32>
    %gather3A_444 = tpu.dynamic_gather %get3A_406[%gather3A_443] in [0] : vector<16xf32>, vector<16xi32> -> vector<16xf32>
    %broadcast_in_dim3A_445 = arith.constant 14 : i32
    %broadcast_in_dim3A_446 = vector.broadcast %broadcast_in_dim3A_445 : i32 to vector<16xi32>
    %lt3A_447 = arith.constant 0 : i32
    %lt3A_448 = vector.broadcast %lt3A_447 : i32 to vector<16xi32>
    %lt3A_449 = arith.cmpi slt, %broadcast_in_dim3A_446, %lt3A_448 : vector<16xi32>
    %add3A_450 = arith.constant 16 : i32
    %add3A_451 = vector.broadcast %add3A_450 : i32 to vector<16xi32>
    %add3A_452 = arith.addi %broadcast_in_dim3A_446, %add3A_451 : vector<16xi32>
    %select_n3A_453 = arith.select %lt3A_449, %add3A_452, %broadcast_in_dim3A_446 : vector<16xi1>, vector<16xi32>
    %broadcast_in_dim3A_454 = vector.shape_cast %select_n3A_453 : vector<16xi32> to vector<16x1xi32>
    %gather3A_455 = vector.shape_cast %broadcast_in_dim3A_454 : vector<16x1xi32> to vector<16xi32>
    %gather3A_456 = tpu.dynamic_gather %get3A_406[%gather3A_455] in [0] : vector<16xf32>, vector<16xi32> -> vector<16xf32>
    %broadcast_in_dim3A_457 = arith.constant 15 : i32
    %broadcast_in_dim3A_458 = vector.broadcast %broadcast_in_dim3A_457 : i32 to vector<16xi32>
    %lt3A_459 = arith.constant 0 : i32
    %lt3A_460 = vector.broadcast %lt3A_459 : i32 to vector<16xi32>
    %lt3A_461 = arith.cmpi slt, %broadcast_in_dim3A_458, %lt3A_460 : vector<16xi32>
    %add3A_462 = arith.constant 16 : i32
    %add3A_463 = vector.broadcast %add3A_462 : i32 to vector<16xi32>
    %add3A_464 = arith.addi %broadcast_in_dim3A_458, %add3A_463 : vector<16xi32>
    %select_n3A_465 = arith.select %lt3A_461, %add3A_464, %broadcast_in_dim3A_458 : vector<16xi1>, vector<16xi32>
    %broadcast_in_dim3A_466 = vector.shape_cast %select_n3A_465 : vector<16xi32> to vector<16x1xi32>
    %gather3A_467 = vector.shape_cast %broadcast_in_dim3A_466 : vector<16x1xi32> to vector<16xi32>
    %gather3A_468 = tpu.dynamic_gather %get3A_406[%gather3A_467] in [0] : vector<16xf32>, vector<16xi32> -> vector<16xf32>
    %broadcast_in_dim3A_469 = arith.constant 0 : i32
    %broadcast_in_dim3A_470 = vector.broadcast %broadcast_in_dim3A_469 : i32 to vector<16xi32>
    %lt3A_471 = arith.constant 0 : i32
    %lt3A_472 = vector.broadcast %lt3A_471 : i32 to vector<16xi32>
    %lt3A_473 = arith.cmpi slt, %broadcast_in_dim3A_470, %lt3A_472 : vector<16xi32>
    %add3A_474 = arith.constant 16 : i32
    %add3A_475 = vector.broadcast %add3A_474 : i32 to vector<16xi32>
    %add3A_476 = arith.addi %broadcast_in_dim3A_470, %add3A_475 : vector<16xi32>
    %select_n3A_477 = arith.select %lt3A_473, %add3A_476, %broadcast_in_dim3A_470 : vector<16xi1>, vector<16xi32>
    %broadcast_in_dim3A_478 = vector.shape_cast %select_n3A_477 : vector<16xi32> to vector<16x1xi32>
    %gather3A_479 = vector.shape_cast %broadcast_in_dim3A_478 : vector<16x1xi32> to vector<16xi32>
    %gather3A_480 = tpu.dynamic_gather %get3A_408[%gather3A_479] in [0] : vector<16xf32>, vector<16xi32> -> vector<16xf32>
    %broadcast_in_dim3A_481 = arith.constant 1 : i32
    %broadcast_in_dim3A_482 = vector.broadcast %broadcast_in_dim3A_481 : i32 to vector<16xi32>
    %lt3A_483 = arith.constant 0 : i32
    %lt3A_484 = vector.broadcast %lt3A_483 : i32 to vector<16xi32>
    %lt3A_485 = arith.cmpi slt, %broadcast_in_dim3A_482, %lt3A_484 : vector<16xi32>
    %add3A_486 = arith.constant 16 : i32
    %add3A_487 = vector.broadcast %add3A_486 : i32 to vector<16xi32>
    %add3A_488 = arith.addi %broadcast_in_dim3A_482, %add3A_487 : vector<16xi32>
    %select_n3A_489 = arith.select %lt3A_485, %add3A_488, %broadcast_in_dim3A_482 : vector<16xi1>, vector<16xi32>
    %broadcast_in_dim3A_490 = vector.shape_cast %select_n3A_489 : vector<16xi32> to vector<16x1xi32>
    %gather3A_491 = vector.shape_cast %broadcast_in_dim3A_490 : vector<16x1xi32> to vector<16xi32>
    %gather3A_492 = tpu.dynamic_gather %get3A_408[%gather3A_491] in [0] : vector<16xf32>, vector<16xi32> -> vector<16xf32>
    %broadcast_in_dim3A_493 = arith.constant 2 : i32
    %broadcast_in_dim3A_494 = vector.broadcast %broadcast_in_dim3A_493 : i32 to vector<16xi32>
    %lt3A_495 = arith.constant 0 : i32
    %lt3A_496 = vector.broadcast %lt3A_495 : i32 to vector<16xi32>
    %lt3A_497 = arith.cmpi slt, %broadcast_in_dim3A_494, %lt3A_496 : vector<16xi32>
    %add3A_498 = arith.constant 16 : i32
    %add3A_499 = vector.broadcast %add3A_498 : i32 to vector<16xi32>
    %add3A_500 = arith.addi %broadcast_in_dim3A_494, %add3A_499 : vector<16xi32>
    %select_n3A_501 = arith.select %lt3A_497, %add3A_500, %broadcast_in_dim3A_494 : vector<16xi1>, vector<16xi32>
    %broadcast_in_dim3A_502 = vector.shape_cast %select_n3A_501 : vector<16xi32> to vector<16x1xi32>
    %gather3A_503 = vector.shape_cast %broadcast_in_dim3A_502 : vector<16x1xi32> to vector<16xi32>
    %gather3A_504 = tpu.dynamic_gather %get3A_408[%gather3A_503] in [0] : vector<16xf32>, vector<16xi32> -> vector<16xf32>
    %broadcast_in_dim3A_505 = arith.constant 3 : i32
    %broadcast_in_dim3A_506 = vector.broadcast %broadcast_in_dim3A_505 : i32 to vector<16xi32>
    %lt3A_507 = arith.constant 0 : i32
    %lt3A_508 = vector.broadcast %lt3A_507 : i32 to vector<16xi32>
    %lt3A_509 = arith.cmpi slt, %broadcast_in_dim3A_506, %lt3A_508 : vector<16xi32>
    %add3A_510 = arith.constant 16 : i32
    %add3A_511 = vector.broadcast %add3A_510 : i32 to vector<16xi32>
    %add3A_512 = arith.addi %broadcast_in_dim3A_506, %add3A_511 : vector<16xi32>
    %select_n3A_513 = arith.select %lt3A_509, %add3A_512, %broadcast_in_dim3A_506 : vector<16xi1>, vector<16xi32>
    %broadcast_in_dim3A_514 = vector.shape_cast %select_n3A_513 : vector<16xi32> to vector<16x1xi32>
    %gather3A_515 = vector.shape_cast %broadcast_in_dim3A_514 : vector<16x1xi32> to vector<16xi32>
    %gather3A_516 = tpu.dynamic_gather %get3A_408[%gather3A_515] in [0] : vector<16xf32>, vector<16xi32> -> vector<16xf32>
    %broadcast_in_dim3A_517 = arith.constant 4 : i32
    %broadcast_in_dim3A_518 = vector.broadcast %broadcast_in_dim3A_517 : i32 to vector<16xi32>
    %lt3A_519 = arith.constant 0 : i32
    %lt3A_520 = vector.broadcast %lt3A_519 : i32 to vector<16xi32>
    %lt3A_521 = arith.cmpi slt, %broadcast_in_dim3A_518, %lt3A_520 : vector<16xi32>
    %add3A_522 = arith.constant 16 : i32
    %add3A_523 = vector.broadcast %add3A_522 : i32 to vector<16xi32>
    %add3A_524 = arith.addi %broadcast_in_dim3A_518, %add3A_523 : vector<16xi32>
    %select_n3A_525 = arith.select %lt3A_521, %add3A_524, %broadcast_in_dim3A_518 : vector<16xi1>, vector<16xi32>
    %broadcast_in_dim3A_526 = vector.shape_cast %select_n3A_525 : vector<16xi32> to vector<16x1xi32>
    %gather3A_527 = vector.shape_cast %broadcast_in_dim3A_526 : vector<16x1xi32> to vector<16xi32>
    %gather3A_528 = tpu.dynamic_gather %get3A_408[%gather3A_527] in [0] : vector<16xf32>, vector<16xi32> -> vector<16xf32>
    %get3A_529 = arith.constant 640 : index
    %get3A_530 = tpu.vector_load %arg11[%get3A_529] {strides = array<i32>} : memref<832xf32, #tpu.memory_space<vmem>>, vector<16xf32>,
    %get3A_531 = arith.constant 0 : index
    %get3A_532 = tpu.vector_load %arg11[%get3A_531] {strides = array<i32>} : memref<832xf32, #tpu.memory_space<vmem>>, vector<16xf32>,
    %mul3A_533 = arith.mulf %gather3A_420, %get3A_532 : vector<16xf32>
    %add3A_534 = arith.addf %get3A_530, %mul3A_533 : vector<16xf32>
    %get3A_535 = arith.constant 64 : index
    %get3A_536 = tpu.vector_load %arg11[%get3A_535] {strides = array<i32>} : memref<832xf32, #tpu.memory_space<vmem>>, vector<16xf32>,
    %mul3A_537 = arith.mulf %gather3A_432, %get3A_536 : vector<16xf32>
    %add3A_538 = arith.addf %add3A_534, %mul3A_537 : vector<16xf32>
    %get3A_539 = arith.constant 128 : index
    %get3A_540 = tpu.vector_load %arg11[%get3A_539] {strides = array<i32>} : memref<832xf32, #tpu.memory_space<vmem>>, vector<16xf32>,
    %mul3A_541 = arith.mulf %gather3A_444, %get3A_540 : vector<16xf32>
    %add3A_542 = arith.addf %add3A_538, %mul3A_541 : vector<16xf32>
    %get3A_543 = arith.constant 192 : index
    %get3A_544 = tpu.vector_load %arg11[%get3A_543] {strides = array<i32>} : memref<832xf32, #tpu.memory_space<vmem>>, vector<16xf32>,
    %mul3A_545 = arith.mulf %gather3A_456, %get3A_544 : vector<16xf32>
    %add3A_546 = arith.addf %add3A_542, %mul3A_545 : vector<16xf32>
    %get3A_547 = arith.constant 256 : index
    %get3A_548 = tpu.vector_load %arg11[%get3A_547] {strides = array<i32>} : memref<832xf32, #tpu.memory_space<vmem>>, vector<16xf32>,
    %mul3A_549 = arith.mulf %gather3A_468, %get3A_548 : vector<16xf32>
    %add3A_550 = arith.addf %add3A_546, %mul3A_549 : vector<16xf32>
    %get3A_551 = arith.constant 320 : index
    %get3A_552 = tpu.vector_load %arg11[%get3A_551] {strides = array<i32>} : memref<832xf32, #tpu.memory_space<vmem>>, vector<16xf32>,
    %mul3A_553 = arith.mulf %gather3A_480, %get3A_552 : vector<16xf32>
    %add3A_554 = arith.addf %add3A_550, %mul3A_553 : vector<16xf32>
    %get3A_555 = arith.constant 384 : index
    %get3A_556 = tpu.vector_load %arg11[%get3A_555] {strides = array<i32>} : memref<832xf32, #tpu.memory_space<vmem>>, vector<16xf32>,
    %mul3A_557 = arith.mulf %gather3A_492, %get3A_556 : vector<16xf32>
    %add3A_558 = arith.addf %add3A_554, %mul3A_557 : vector<16xf32>
    %get3A_559 = arith.constant 448 : index
    %get3A_560 = tpu.vector_load %arg11[%get3A_559] {strides = array<i32>} : memref<832xf32, #tpu.memory_space<vmem>>, vector<16xf32>,
    %mul3A_561 = arith.mulf %gather3A_504, %get3A_560 : vector<16xf32>
    %add3A_562 = arith.addf %add3A_558, %mul3A_561 : vector<16xf32>
    %get3A_563 = arith.constant 512 : index
    %get3A_564 = tpu.vector_load %arg11[%get3A_563] {strides = array<i32>} : memref<832xf32, #tpu.memory_space<vmem>>, vector<16xf32>,
    %mul3A_565 = arith.mulf %gather3A_516, %get3A_564 : vector<16xf32>
    %add3A_566 = arith.addf %add3A_562, %mul3A_565 : vector<16xf32>
    %get3A_567 = arith.constant 576 : index
    %get3A_568 = tpu.vector_load %arg11[%get3A_567] {strides = array<i32>} : memref<832xf32, #tpu.memory_space<vmem>>, vector<16xf32>,
    %mul3A_569 = arith.mulf %gather3A_528, %get3A_568 : vector<16xf32>
    %add3A_570 = arith.addf %add3A_566, %mul3A_569 : vector<16xf32>
    %max3A = arith.constant 0.000000e+00 : f32
    %max3A_571 = vector.broadcast %max3A : f32 to vector<16xf32>
    %max3A_572 = arith.maximumf %add3A_570, %max3A_571 : vector<16xf32>
    %get3A_573 = arith.constant 704 : index
    %get3A_574 = tpu.vector_load %arg11[%get3A_573] {strides = array<i32>} : memref<832xf32, #tpu.memory_space<vmem>>, vector<16xf32>,
    %mul3A_575 = arith.mulf %max3A_572, %get3A_574 : vector<16xf32>
    %add3A_576 = arith.addf %broadcast_in_dim3A_0, %mul3A_575 : vector<16xf32>
    %get3A_577 = arith.constant 768 : index
    %get3A_578 = tpu.vector_load %arg11[%get3A_577] {strides = array<i32>} : memref<832xf32, #tpu.memory_space<vmem>>, vector<16xf32>,
    %mul3A_579 = arith.mulf %max3A_572, %get3A_578 : vector<16xf32>
    %add3A_580 = arith.addf %broadcast_in_dim3A_0, %mul3A_579 : vector<16xf32>
    %get3A_581 = arith.constant 656 : index
    %get3A_582 = tpu.vector_load %arg11[%get3A_581] {strides = array<i32>} : memref<832xf32, #tpu.memory_space<vmem>>, vector<16xf32>,
    %get3A_583 = arith.constant 16 : index
    %get3A_584 = tpu.vector_load %arg11[%get3A_583] {strides = array<i32>} : memref<832xf32, #tpu.memory_space<vmem>>, vector<16xf32>,
    %mul3A_585 = arith.mulf %gather3A_420, %get3A_584 : vector<16xf32>
    %add3A_586 = arith.addf %get3A_582, %mul3A_585 : vector<16xf32>
    %get3A_587 = arith.constant 80 : index
    %get3A_588 = tpu.vector_load %arg11[%get3A_587] {strides = array<i32>} : memref<832xf32, #tpu.memory_space<vmem>>, vector<16xf32>,
    %mul3A_589 = arith.mulf %gather3A_432, %get3A_588 : vector<16xf32>
    %add3A_590 = arith.addf %add3A_586, %mul3A_589 : vector<16xf32>
    %get3A_591 = arith.constant 144 : index
    %get3A_592 = tpu.vector_load %arg11[%get3A_591] {strides = array<i32>} : memref<832xf32, #tpu.memory_space<vmem>>, vector<16xf32>,
    %mul3A_593 = arith.mulf %gather3A_444, %get3A_592 : vector<16xf32>
    %add3A_594 = arith.addf %add3A_590, %mul3A_593 : vector<16xf32>
    %get3A_595 = arith.constant 208 : index
    %get3A_596 = tpu.vector_load %arg11[%get3A_595] {strides = array<i32>} : memref<832xf32, #tpu.memory_space<vmem>>, vector<16xf32>,
    %mul3A_597 = arith.mulf %gather3A_456, %get3A_596 : vector<16xf32>
    %add3A_598 = arith.addf %add3A_594, %mul3A_597 : vector<16xf32>
    %get3A_599 = arith.constant 272 : index
    %get3A_600 = tpu.vector_load %arg11[%get3A_599] {strides = array<i32>} : memref<832xf32, #tpu.memory_space<vmem>>, vector<16xf32>,
    %mul3A_601 = arith.mulf %gather3A_468, %get3A_600 : vector<16xf32>
    %add3A_602 = arith.addf %add3A_598, %mul3A_601 : vector<16xf32>
    %get3A_603 = arith.constant 336 : index
    %get3A_604 = tpu.vector_load %arg11[%get3A_603] {strides = array<i32>} : memref<832xf32, #tpu.memory_space<vmem>>, vector<16xf32>,
    %mul3A_605 = arith.mulf %gather3A_480, %get3A_604 : vector<16xf32>
    %add3A_606 = arith.addf %add3A_602, %mul3A_605 : vector<16xf32>
    %get3A_607 = arith.constant 400 : index
    %get3A_608 = tpu.vector_load %arg11[%get3A_607] {strides = array<i32>} : memref<832xf32, #tpu.memory_space<vmem>>, vector<16xf32>,
    %mul3A_609 = arith.mulf %gather3A_492, %get3A_608 : vector<16xf32>
    %add3A_610 = arith.addf %add3A_606, %mul3A_609 : vector<16xf32>
    %get3A_611 = arith.constant 464 : index
    %get3A_612 = tpu.vector_load %arg11[%get3A_611] {strides = array<i32>} : memref<832xf32, #tpu.memory_space<vmem>>, vector<16xf32>,
    %mul3A_613 = arith.mulf %gather3A_504, %get3A_612 : vector<16xf32>
    %add3A_614 = arith.addf %add3A_610, %mul3A_613 : vector<16xf32>
    %get3A_615 = arith.constant 528 : index
    %get3A_616 = tpu.vector_load %arg11[%get3A_615] {strides = array<i32>} : memref<832xf32, #tpu.memory_space<vmem>>, vector<16xf32>,
    %mul3A_617 = arith.mulf %gather3A_516, %get3A_616 : vector<16xf32>
    %add3A_618 = arith.addf %add3A_614, %mul3A_617 : vector<16xf32>
    %get3A_619 = arith.constant 592 : index
    %get3A_620 = tpu.vector_load %arg11[%get3A_619] {strides = array<i32>} : memref<832xf32, #tpu.memory_space<vmem>>, vector<16xf32>,
    %mul3A_621 = arith.mulf %gather3A_528, %get3A_620 : vector<16xf32>
    %add3A_622 = arith.addf %add3A_618, %mul3A_621 : vector<16xf32>
    %max3A_623 = arith.constant 0.000000e+00 : f32
    %max3A_624 = vector.broadcast %max3A_623 : f32 to vector<16xf32>
    %max3A_625 = arith.maximumf %add3A_622, %max3A_624 : vector<16xf32>
    %get3A_626 = arith.constant 720 : index
    %get3A_627 = tpu.vector_load %arg11[%get3A_626] {strides = array<i32>} : memref<832xf32, #tpu.memory_space<vmem>>, vector<16xf32>,
    %mul3A_628 = arith.mulf %max3A_625, %get3A_627 : vector<16xf32>
    %add3A_629 = arith.addf %add3A_576, %mul3A_628 : vector<16xf32>
    %get3A_630 = arith.constant 784 : index
    %get3A_631 = tpu.vector_load %arg11[%get3A_630] {strides = array<i32>} : memref<832xf32, #tpu.memory_space<vmem>>, vector<16xf32>,
    %mul3A_632 = arith.mulf %max3A_625, %get3A_631 : vector<16xf32>
    %add3A_633 = arith.addf %add3A_580, %mul3A_632 : vector<16xf32>
    %get3A_634 = arith.constant 672 : index
    %get3A_635 = tpu.vector_load %arg11[%get3A_634] {strides = array<i32>} : memref<832xf32, #tpu.memory_space<vmem>>, vector<16xf32>,
    %get3A_636 = arith.constant 32 : index
    %get3A_637 = tpu.vector_load %arg11[%get3A_636] {strides = array<i32>} : memref<832xf32, #tpu.memory_space<vmem>>, vector<16xf32>,
    %mul3A_638 = arith.mulf %gather3A_420, %get3A_637 : vector<16xf32>
    %add3A_639 = arith.addf %get3A_635, %mul3A_638 : vector<16xf32>
    %get3A_640 = arith.constant 96 : index
    %get3A_641 = tpu.vector_load %arg11[%get3A_640] {strides = array<i32>} : memref<832xf32, #tpu.memory_space<vmem>>, vector<16xf32>,
    %mul3A_642 = arith.mulf %gather3A_432, %get3A_641 : vector<16xf32>
    %add3A_643 = arith.addf %add3A_639, %mul3A_642 : vector<16xf32>
    %get3A_644 = arith.constant 160 : index
    %get3A_645 = tpu.vector_load %arg11[%get3A_644] {strides = array<i32>} : memref<832xf32, #tpu.memory_space<vmem>>, vector<16xf32>,
    %mul3A_646 = arith.mulf %gather3A_444, %get3A_645 : vector<16xf32>
    %add3A_647 = arith.addf %add3A_643, %mul3A_646 : vector<16xf32>
    %get3A_648 = arith.constant 224 : index
    %get3A_649 = tpu.vector_load %arg11[%get3A_648] {strides = array<i32>} : memref<832xf32, #tpu.memory_space<vmem>>, vector<16xf32>,
    %mul3A_650 = arith.mulf %gather3A_456, %get3A_649 : vector<16xf32>
    %add3A_651 = arith.addf %add3A_647, %mul3A_650 : vector<16xf32>
    %get3A_652 = arith.constant 288 : index
    %get3A_653 = tpu.vector_load %arg11[%get3A_652] {strides = array<i32>} : memref<832xf32, #tpu.memory_space<vmem>>, vector<16xf32>,
    %mul3A_654 = arith.mulf %gather3A_468, %get3A_653 : vector<16xf32>
    %add3A_655 = arith.addf %add3A_651, %mul3A_654 : vector<16xf32>
    %get3A_656 = arith.constant 352 : index
    %get3A_657 = tpu.vector_load %arg11[%get3A_656] {strides = array<i32>} : memref<832xf32, #tpu.memory_space<vmem>>, vector<16xf32>,
    %mul3A_658 = arith.mulf %gather3A_480, %get3A_657 : vector<16xf32>
    %add3A_659 = arith.addf %add3A_655, %mul3A_658 : vector<16xf32>
    %get3A_660 = arith.constant 416 : index
    %get3A_661 = tpu.vector_load %arg11[%get3A_660] {strides = array<i32>} : memref<832xf32, #tpu.memory_space<vmem>>, vector<16xf32>,
    %mul3A_662 = arith.mulf %gather3A_492, %get3A_661 : vector<16xf32>
    %add3A_663 = arith.addf %add3A_659, %mul3A_662 : vector<16xf32>
    %get3A_664 = arith.constant 480 : index
    %get3A_665 = tpu.vector_load %arg11[%get3A_664] {strides = array<i32>} : memref<832xf32, #tpu.memory_space<vmem>>, vector<16xf32>,
    %mul3A_666 = arith.mulf %gather3A_504, %get3A_665 : vector<16xf32>
    %add3A_667 = arith.addf %add3A_663, %mul3A_666 : vector<16xf32>
    %get3A_668 = arith.constant 544 : index
    %get3A_669 = tpu.vector_load %arg11[%get3A_668] {strides = array<i32>} : memref<832xf32, #tpu.memory_space<vmem>>, vector<16xf32>,
    %mul3A_670 = arith.mulf %gather3A_516, %get3A_669 : vector<16xf32>
    %add3A_671 = arith.addf %add3A_667, %mul3A_670 : vector<16xf32>
    %get3A_672 = arith.constant 608 : index
    %get3A_673 = tpu.vector_load %arg11[%get3A_672] {strides = array<i32>} : memref<832xf32, #tpu.memory_space<vmem>>, vector<16xf32>,
    %mul3A_674 = arith.mulf %gather3A_528, %get3A_673 : vector<16xf32>
    %add3A_675 = arith.addf %add3A_671, %mul3A_674 : vector<16xf32>
    %max3A_676 = arith.constant 0.000000e+00 : f32
    %max3A_677 = vector.broadcast %max3A_676 : f32 to vector<16xf32>
    %max3A_678 = arith.maximumf %add3A_675, %max3A_677 : vector<16xf32>
    %get3A_679 = arith.constant 736 : index
    %get3A_680 = tpu.vector_load %arg11[%get3A_679] {strides = array<i32>} : memref<832xf32, #tpu.memory_space<vmem>>, vector<16xf32>,
    %mul3A_681 = arith.mulf %max3A_678, %get3A_680 : vector<16xf32>
    %add3A_682 = arith.addf %add3A_629, %mul3A_681 : vector<16xf32>
    %get3A_683 = arith.constant 800 : index
    %get3A_684 = tpu.vector_load %arg11[%get3A_683] {strides = array<i32>} : memref<832xf32, #tpu.memory_space<vmem>>, vector<16xf32>,
    %mul3A_685 = arith.mulf %max3A_678, %get3A_684 : vector<16xf32>
    %add3A_686 = arith.addf %add3A_633, %mul3A_685 : vector<16xf32>
    %get3A_687 = arith.constant 688 : index
    %get3A_688 = tpu.vector_load %arg11[%get3A_687] {strides = array<i32>} : memref<832xf32, #tpu.memory_space<vmem>>, vector<16xf32>,
    %get3A_689 = arith.constant 48 : index
    %get3A_690 = tpu.vector_load %arg11[%get3A_689] {strides = array<i32>} : memref<832xf32, #tpu.memory_space<vmem>>, vector<16xf32>,
    %mul3A_691 = arith.mulf %gather3A_420, %get3A_690 : vector<16xf32>
    %add3A_692 = arith.addf %get3A_688, %mul3A_691 : vector<16xf32>
    %get3A_693 = arith.constant 112 : index
    %get3A_694 = tpu.vector_load %arg11[%get3A_693] {strides = array<i32>} : memref<832xf32, #tpu.memory_space<vmem>>, vector<16xf32>,
    %mul3A_695 = arith.mulf %gather3A_432, %get3A_694 : vector<16xf32>
    %add3A_696 = arith.addf %add3A_692, %mul3A_695 : vector<16xf32>
    %get3A_697 = arith.constant 176 : index
    %get3A_698 = tpu.vector_load %arg11[%get3A_697] {strides = array<i32>} : memref<832xf32, #tpu.memory_space<vmem>>, vector<16xf32>,
    %mul3A_699 = arith.mulf %gather3A_444, %get3A_698 : vector<16xf32>
    %add3A_700 = arith.addf %add3A_696, %mul3A_699 : vector<16xf32>
    %get3A_701 = arith.constant 240 : index
    %get3A_702 = tpu.vector_load %arg11[%get3A_701] {strides = array<i32>} : memref<832xf32, #tpu.memory_space<vmem>>, vector<16xf32>,
    %mul3A_703 = arith.mulf %gather3A_456, %get3A_702 : vector<16xf32>
    %add3A_704 = arith.addf %add3A_700, %mul3A_703 : vector<16xf32>
    %get3A_705 = arith.constant 304 : index
    %get3A_706 = tpu.vector_load %arg11[%get3A_705] {strides = array<i32>} : memref<832xf32, #tpu.memory_space<vmem>>, vector<16xf32>,
    %mul3A_707 = arith.mulf %gather3A_468, %get3A_706 : vector<16xf32>
    %add3A_708 = arith.addf %add3A_704, %mul3A_707 : vector<16xf32>
    %get3A_709 = arith.constant 368 : index
    %get3A_710 = tpu.vector_load %arg11[%get3A_709] {strides = array<i32>} : memref<832xf32, #tpu.memory_space<vmem>>, vector<16xf32>,
    %mul3A_711 = arith.mulf %gather3A_480, %get3A_710 : vector<16xf32>
    %add3A_712 = arith.addf %add3A_708, %mul3A_711 : vector<16xf32>
    %get3A_713 = arith.constant 432 : index
    %get3A_714 = tpu.vector_load %arg11[%get3A_713] {strides = array<i32>} : memref<832xf32, #tpu.memory_space<vmem>>, vector<16xf32>,
    %mul3A_715 = arith.mulf %gather3A_492, %get3A_714 : vector<16xf32>
    %add3A_716 = arith.addf %add3A_712, %mul3A_715 : vector<16xf32>
    %get3A_717 = arith.constant 496 : index
    %get3A_718 = tpu.vector_load %arg11[%get3A_717] {strides = array<i32>} : memref<832xf32, #tpu.memory_space<vmem>>, vector<16xf32>,
    %mul3A_719 = arith.mulf %gather3A_504, %get3A_718 : vector<16xf32>
    %add3A_720 = arith.addf %add3A_716, %mul3A_719 : vector<16xf32>
    %get3A_721 = arith.constant 560 : index
    %get3A_722 = tpu.vector_load %arg11[%get3A_721] {strides = array<i32>} : memref<832xf32, #tpu.memory_space<vmem>>, vector<16xf32>,
    %mul3A_723 = arith.mulf %gather3A_516, %get3A_722 : vector<16xf32>
    %add3A_724 = arith.addf %add3A_720, %mul3A_723 : vector<16xf32>
    %get3A_725 = arith.constant 624 : index
    %get3A_726 = tpu.vector_load %arg11[%get3A_725] {strides = array<i32>} : memref<832xf32, #tpu.memory_space<vmem>>, vector<16xf32>,
    %mul3A_727 = arith.mulf %gather3A_528, %get3A_726 : vector<16xf32>
    %add3A_728 = arith.addf %add3A_724, %mul3A_727 : vector<16xf32>
    %max3A_729 = arith.constant 0.000000e+00 : f32
    %max3A_730 = vector.broadcast %max3A_729 : f32 to vector<16xf32>
    %max3A_731 = arith.maximumf %add3A_728, %max3A_730 : vector<16xf32>
    %get3A_732 = arith.constant 752 : index
    %get3A_733 = tpu.vector_load %arg11[%get3A_732] {strides = array<i32>} : memref<832xf32, #tpu.memory_space<vmem>>, vector<16xf32>,
    %mul3A_734 = arith.mulf %max3A_731, %get3A_733 : vector<16xf32>
    %add3A_735 = arith.addf %add3A_682, %mul3A_734 : vector<16xf32>
    %get3A_736 = arith.constant 816 : index
    %get3A_737 = tpu.vector_load %arg11[%get3A_736] {strides = array<i32>} : memref<832xf32, #tpu.memory_space<vmem>>, vector<16xf32>,
    %mul3A_738 = arith.mulf %max3A_731, %get3A_737 : vector<16xf32>
    %add3A_739 = arith.addf %add3A_686, %mul3A_738 : vector<16xf32>
    %iota3A = tpu.iota {dimensions = array<i32: 0>} : vector<16xi32>
    %xor3A = arith.constant 8 : i32
    %xor3A_740 = vector.broadcast %xor3A : i32 to vector<16xi32>
    %xor3A_741 = arith.xori %iota3A, %xor3A_740 : vector<16xi32>
    %lt3A_742 = arith.constant 0 : i32
    %lt3A_743 = vector.broadcast %lt3A_742 : i32 to vector<16xi32>
    %lt3A_744 = arith.cmpi slt, %xor3A_741, %lt3A_743 : vector<16xi32>
    %add3A_745 = arith.constant 16 : i32
    %add3A_746 = vector.broadcast %add3A_745 : i32 to vector<16xi32>
    %add3A_747 = arith.addi %xor3A_741, %add3A_746 : vector<16xi32>
    %select_n3A_748 = arith.select %lt3A_744, %add3A_747, %xor3A_741 : vector<16xi1>, vector<16xi32>
    %broadcast_in_dim3A_749 = vector.shape_cast %select_n3A_748 : vector<16xi32> to vector<16x1xi32>
    %gather3A_750 = vector.shape_cast %broadcast_in_dim3A_749 : vector<16x1xi32> to vector<16xi32>
    %gather3A_751 = tpu.dynamic_gather %add3A_735[%gather3A_750] in [0] : vector<16xf32>, vector<16xi32> -> vector<16xf32>
    %add3A_752 = arith.addf %add3A_735, %gather3A_751 : vector<16xf32>
    %lt3A_753 = arith.constant 0 : i32
    %lt3A_754 = vector.broadcast %lt3A_753 : i32 to vector<16xi32>
    %lt3A_755 = arith.cmpi slt, %xor3A_741, %lt3A_754 : vector<16xi32>
    %add3A_756 = arith.constant 16 : i32
    %add3A_757 = vector.broadcast %add3A_756 : i32 to vector<16xi32>
    %add3A_758 = arith.addi %xor3A_741, %add3A_757 : vector<16xi32>
    %select_n3A_759 = arith.select %lt3A_755, %add3A_758, %xor3A_741 : vector<16xi1>, vector<16xi32>
    %broadcast_in_dim3A_760 = vector.shape_cast %select_n3A_759 : vector<16xi32> to vector<16x1xi32>
    %gather3A_761 = vector.shape_cast %broadcast_in_dim3A_760 : vector<16x1xi32> to vector<16xi32>
    %gather3A_762 = tpu.dynamic_gather %add3A_739[%gather3A_761] in [0] : vector<16xf32>, vector<16xi32> -> vector<16xf32>
    %add3A_763 = arith.addf %add3A_739, %gather3A_762 : vector<16xf32>
    %xor3A_764 = arith.constant 4 : i32
    %xor3A_765 = vector.broadcast %xor3A_764 : i32 to vector<16xi32>
    %xor3A_766 = arith.xori %iota3A, %xor3A_765 : vector<16xi32>
    %lt3A_767 = arith.constant 0 : i32
    %lt3A_768 = vector.broadcast %lt3A_767 : i32 to vector<16xi32>
    %lt3A_769 = arith.cmpi slt, %xor3A_766, %lt3A_768 : vector<16xi32>
    %add3A_770 = arith.constant 16 : i32
    %add3A_771 = vector.broadcast %add3A_770 : i32 to vector<16xi32>
    %add3A_772 = arith.addi %xor3A_766, %add3A_771 : vector<16xi32>
    %select_n3A_773 = arith.select %lt3A_769, %add3A_772, %xor3A_766 : vector<16xi1>, vector<16xi32>
    %broadcast_in_dim3A_774 = vector.shape_cast %select_n3A_773 : vector<16xi32> to vector<16x1xi32>
    %gather3A_775 = vector.shape_cast %broadcast_in_dim3A_774 : vector<16x1xi32> to vector<16xi32>
    %gather3A_776 = tpu.dynamic_gather %add3A_752[%gather3A_775] in [0] : vector<16xf32>, vector<16xi32> -> vector<16xf32>
    %add3A_777 = arith.addf %add3A_752, %gather3A_776 : vector<16xf32>
    %lt3A_778 = arith.constant 0 : i32
    %lt3A_779 = vector.broadcast %lt3A_778 : i32 to vector<16xi32>
    %lt3A_780 = arith.cmpi slt, %xor3A_766, %lt3A_779 : vector<16xi32>
    %add3A_781 = arith.constant 16 : i32
    %add3A_782 = vector.broadcast %add3A_781 : i32 to vector<16xi32>
    %add3A_783 = arith.addi %xor3A_766, %add3A_782 : vector<16xi32>
    %select_n3A_784 = arith.select %lt3A_780, %add3A_783, %xor3A_766 : vector<16xi1>, vector<16xi32>
    %broadcast_in_dim3A_785 = vector.shape_cast %select_n3A_784 : vector<16xi32> to vector<16x1xi32>
    %gather3A_786 = vector.shape_cast %broadcast_in_dim3A_785 : vector<16x1xi32> to vector<16xi32>
    %gather3A_787 = tpu.dynamic_gather %add3A_763[%gather3A_786] in [0] : vector<16xf32>, vector<16xi32> -> vector<16xf32>
    %add3A_788 = arith.addf %add3A_763, %gather3A_787 : vector<16xf32>
    %xor3A_789 = arith.constant 2 : i32
    %xor3A_790 = vector.broadcast %xor3A_789 : i32 to vector<16xi32>
    %xor3A_791 = arith.xori %iota3A, %xor3A_790 : vector<16xi32>
    %lt3A_792 = arith.constant 0 : i32
    %lt3A_793 = vector.broadcast %lt3A_792 : i32 to vector<16xi32>
    %lt3A_794 = arith.cmpi slt, %xor3A_791, %lt3A_793 : vector<16xi32>
    %add3A_795 = arith.constant 16 : i32
    %add3A_796 = vector.broadcast %add3A_795 : i32 to vector<16xi32>
    %add3A_797 = arith.addi %xor3A_791, %add3A_796 : vector<16xi32>
    %select_n3A_798 = arith.select %lt3A_794, %add3A_797, %xor3A_791 : vector<16xi1>, vector<16xi32>
    %broadcast_in_dim3A_799 = vector.shape_cast %select_n3A_798 : vector<16xi32> to vector<16x1xi32>
    %gather3A_800 = vector.shape_cast %broadcast_in_dim3A_799 : vector<16x1xi32> to vector<16xi32>
    %gather3A_801 = tpu.dynamic_gather %add3A_777[%gather3A_800] in [0] : vector<16xf32>, vector<16xi32> -> vector<16xf32>
    %add3A_802 = arith.addf %add3A_777, %gather3A_801 : vector<16xf32>
    %lt3A_803 = arith.constant 0 : i32
    %lt3A_804 = vector.broadcast %lt3A_803 : i32 to vector<16xi32>
    %lt3A_805 = arith.cmpi slt, %xor3A_791, %lt3A_804 : vector<16xi32>
    %add3A_806 = arith.constant 16 : i32
    %add3A_807 = vector.broadcast %add3A_806 : i32 to vector<16xi32>
    %add3A_808 = arith.addi %xor3A_791, %add3A_807 : vector<16xi32>
    %select_n3A_809 = arith.select %lt3A_805, %add3A_808, %xor3A_791 : vector<16xi1>, vector<16xi32>
    %broadcast_in_dim3A_810 = vector.shape_cast %select_n3A_809 : vector<16xi32> to vector<16x1xi32>
    %gather3A_811 = vector.shape_cast %broadcast_in_dim3A_810 : vector<16x1xi32> to vector<16xi32>
    %gather3A_812 = tpu.dynamic_gather %add3A_788[%gather3A_811] in [0] : vector<16xf32>, vector<16xi32> -> vector<16xf32>
    %add3A_813 = arith.addf %add3A_788, %gather3A_812 : vector<16xf32>
    %xor3A_814 = arith.constant 1 : i32
    %xor3A_815 = vector.broadcast %xor3A_814 : i32 to vector<16xi32>
    %xor3A_816 = arith.xori %iota3A, %xor3A_815 : vector<16xi32>
    %lt3A_817 = arith.constant 0 : i32
    %lt3A_818 = vector.broadcast %lt3A_817 : i32 to vector<16xi32>
    %lt3A_819 = arith.cmpi slt, %xor3A_816, %lt3A_818 : vector<16xi32>
    %add3A_820 = arith.constant 16 : i32
    %add3A_821 = vector.broadcast %add3A_820 : i32 to vector<16xi32>
    %add3A_822 = arith.addi %xor3A_816, %add3A_821 : vector<16xi32>
    %select_n3A_823 = arith.select %lt3A_819, %add3A_822, %xor3A_816 : vector<16xi1>, vector<16xi32>
    %broadcast_in_dim3A_824 = vector.shape_cast %select_n3A_823 : vector<16xi32> to vector<16x1xi32>
    %gather3A_825 = vector.shape_cast %broadcast_in_dim3A_824 : vector<16x1xi32> to vector<16xi32>
    %gather3A_826 = tpu.dynamic_gather %add3A_802[%gather3A_825] in [0] : vector<16xf32>, vector<16xi32> -> vector<16xf32>
    %add3A_827 = arith.addf %add3A_802, %gather3A_826 : vector<16xf32>
    %lt3A_828 = arith.constant 0 : i32
    %lt3A_829 = vector.broadcast %lt3A_828 : i32 to vector<16xi32>
    %lt3A_830 = arith.cmpi slt, %xor3A_816, %lt3A_829 : vector<16xi32>
    %add3A_831 = arith.constant 16 : i32
    %add3A_832 = vector.broadcast %add3A_831 : i32 to vector<16xi32>
    %add3A_833 = arith.addi %xor3A_816, %add3A_832 : vector<16xi32>
    %select_n3A_834 = arith.select %lt3A_830, %add3A_833, %xor3A_816 : vector<16xi1>, vector<16xi32>
    %broadcast_in_dim3A_835 = vector.shape_cast %select_n3A_834 : vector<16xi32> to vector<16x1xi32>
    %gather3A_836 = vector.shape_cast %broadcast_in_dim3A_835 : vector<16x1xi32> to vector<16xi32>
    %gather3A_837 = tpu.dynamic_gather %add3A_813[%gather3A_836] in [0] : vector<16xf32>, vector<16xi32> -> vector<16xf32>
    %add3A_838 = arith.addf %add3A_813, %gather3A_837 : vector<16xf32>
    %broadcast_in_dim3A_839 = arith.constant 5 : i32
    %broadcast_in_dim3A_840 = vector.broadcast %broadcast_in_dim3A_839 : i32 to vector<16xi32>
    %lt3A_841 = arith.constant 0 : i32
    %lt3A_842 = vector.broadcast %lt3A_841 : i32 to vector<16xi32>
    %lt3A_843 = arith.cmpi slt, %broadcast_in_dim3A_840, %lt3A_842 : vector<16xi32>
    %add3A_844 = arith.constant 16 : i32
    %add3A_845 = vector.broadcast %add3A_844 : i32 to vector<16xi32>
    %add3A_846 = arith.addi %broadcast_in_dim3A_840, %add3A_845 : vector<16xi32>
    %select_n3A_847 = arith.select %lt3A_843, %add3A_846, %broadcast_in_dim3A_840 : vector<16xi1>, vector<16xi32>
    %broadcast_in_dim3A_848 = vector.shape_cast %select_n3A_847 : vector<16xi32> to vector<16x1xi32>
    %gather3A_849 = vector.shape_cast %broadcast_in_dim3A_848 : vector<16x1xi32> to vector<16xi32>
    %gather3A_850 = tpu.dynamic_gather %get3A_408[%gather3A_849] in [0] : vector<16xf32>, vector<16xi32> -> vector<16xf32>
    %add3A_851 = arith.addf %add3A_827, %gather3A_850 : vector<16xf32>
    %broadcast_in_dim3A_852 = arith.constant 6 : i32
    %broadcast_in_dim3A_853 = vector.broadcast %broadcast_in_dim3A_852 : i32 to vector<16xi32>
    %lt3A_854 = arith.constant 0 : i32
    %lt3A_855 = vector.broadcast %lt3A_854 : i32 to vector<16xi32>
    %lt3A_856 = arith.cmpi slt, %broadcast_in_dim3A_853, %lt3A_855 : vector<16xi32>
    %add3A_857 = arith.constant 16 : i32
    %add3A_858 = vector.broadcast %add3A_857 : i32 to vector<16xi32>
    %add3A_859 = arith.addi %broadcast_in_dim3A_853, %add3A_858 : vector<16xi32>
    %select_n3A_860 = arith.select %lt3A_856, %add3A_859, %broadcast_in_dim3A_853 : vector<16xi1>, vector<16xi32>
    %broadcast_in_dim3A_861 = vector.shape_cast %select_n3A_860 : vector<16xi32> to vector<16x1xi32>
    %gather3A_862 = vector.shape_cast %broadcast_in_dim3A_861 : vector<16x1xi32> to vector<16xi32>
    %gather3A_863 = tpu.dynamic_gather %get3A_408[%gather3A_862] in [0] : vector<16xf32>, vector<16xi32> -> vector<16xf32>
    %add3A_864 = arith.addf %add3A_838, %gather3A_863 : vector<16xf32>
    %mul3A_865 = arith.constant 0.274068624 : f32
    %mul3A_866 = vector.broadcast %mul3A_865 : f32 to vector<16xf32>
    %mul3A_867 = arith.mulf %add3A_851, %mul3A_866 : vector<16xf32>
    %mul3A_868 = arith.constant 0.451862752 : f32
    %mul3A_869 = vector.broadcast %mul3A_868 : f32 to vector<16xf32>
    %mul3A_870 = arith.mulf %add3A_851, %mul3A_869 : vector<16xf32>
    %swap3A_871 = arith.constant 0 : index
    %swap3A_872 = tpu.vector_load %arg9[%swap3A_871] {strides = array<i32>} : memref<288xf32, #tpu.memory_space<vmem>>, vector<16xf32>,
    tpu.vector_store %arg9[%swap3A_871], %broadcast_in_dim3A_0 {strides = array<i32>} : memref<288xf32, #tpu.memory_space<vmem>>, vector<16xf32>,
    %swap3A_873 = arith.constant 272 : index
    %swap3A_874 = tpu.vector_load %arg9[%swap3A_873] {strides = array<i32>} : memref<288xf32, #tpu.memory_space<vmem>>, vector<16xf32>,
    tpu.vector_store %arg9[%swap3A_873], %broadcast_in_dim3A_0 {strides = array<i32>} : memref<288xf32, #tpu.memory_space<vmem>>, vector<16xf32>,
    %scan3A_875 = arith.constant 0 : i32
    %scan3A_876 = arith.constant 0 : i32
    %scan3A_877 = arith.constant 256 : i32
    %scan3A_878 = arith.addi %scan3A_876, %scan3A_877 : i32
    %scan3A_879 = arith.constant 1 : i32
    scf.for %scan3A_883 = %scan3A_876 to %scan3A_878 step %scan3A_879  : i32 {
      %mul3A_884 = arith.constant 256 : i32
      %mul3A_885 = arith.muli %scan3A_883, %mul3A_884 : i32
      %add3A_886 = arith.constant 0 : i32
      %add3A_887 = arith.addi %mul3A_885, %add3A_886 : i32
      %get3A_888 = arith.index_cast %add3A_887 : i32 to index
      %get3A_889 = tpu.vector_load %arg7[%get3A_888] {strides = array<i32>} : memref<65536xf32, #tpu.memory_space<vmem>>, vector<16xf32>,
      %swap3A_890 = arith.constant 16 : index
      %swap3A_891 = tpu.vector_load %arg9[%swap3A_890] {strides = array<i32>} : memref<288xf32, #tpu.memory_space<vmem>>, vector<16xf32>,
      tpu.vector_store %arg9[%swap3A_890], %get3A_889 {strides = array<i32>} : memref<288xf32, #tpu.memory_space<vmem>>, vector<16xf32>,
      %add3A_892 = arith.constant 16 : i32
      %add3A_893 = arith.addi %mul3A_885, %add3A_892 : i32
      %get3A_894 = arith.index_cast %add3A_893 : i32 to index
      %get3A_895 = tpu.vector_load %arg7[%get3A_894] {strides = array<i32>} : memref<65536xf32, #tpu.memory_space<vmem>>, vector<16xf32>,
      %swap3A_896 = arith.constant 32 : index
      %swap3A_897 = tpu.vector_load %arg9[%swap3A_896] {strides = array<i32>} : memref<288xf32, #tpu.memory_space<vmem>>, vector<16xf32>,
      tpu.vector_store %arg9[%swap3A_896], %get3A_895 {strides = array<i32>} : memref<288xf32, #tpu.memory_space<vmem>>, vector<16xf32>,
      %add3A_898 = arith.constant 32 : i32
      %add3A_899 = arith.addi %mul3A_885, %add3A_898 : i32
      %get3A_900 = arith.index_cast %add3A_899 : i32 to index
      %get3A_901 = tpu.vector_load %arg7[%get3A_900] {strides = array<i32>} : memref<65536xf32, #tpu.memory_space<vmem>>, vector<16xf32>,
      %swap3A_902 = arith.constant 48 : index
      %swap3A_903 = tpu.vector_load %arg9[%swap3A_902] {strides = array<i32>} : memref<288xf32, #tpu.memory_space<vmem>>, vector<16xf32>,
      tpu.vector_store %arg9[%swap3A_902], %get3A_901 {strides = array<i32>} : memref<288xf32, #tpu.memory_space<vmem>>, vector<16xf32>,
      %add3A_904 = arith.constant 48 : i32
      %add3A_905 = arith.addi %mul3A_885, %add3A_904 : i32
      %get3A_906 = arith.index_cast %add3A_905 : i32 to index
      %get3A_907 = tpu.vector_load %arg7[%get3A_906] {strides = array<i32>} : memref<65536xf32, #tpu.memory_space<vmem>>, vector<16xf32>,
      %swap3A_908 = arith.constant 64 : index
      %swap3A_909 = tpu.vector_load %arg9[%swap3A_908] {strides = array<i32>} : memref<288xf32, #tpu.memory_space<vmem>>, vector<16xf32>,
      tpu.vector_store %arg9[%swap3A_908], %get3A_907 {strides = array<i32>} : memref<288xf32, #tpu.memory_space<vmem>>, vector<16xf32>,
      %add3A_910 = arith.constant 64 : i32
      %add3A_911 = arith.addi %mul3A_885, %add3A_910 : i32
      %get3A_912 = arith.index_cast %add3A_911 : i32 to index
      %get3A_913 = tpu.vector_load %arg7[%get3A_912] {strides = array<i32>} : memref<65536xf32, #tpu.memory_space<vmem>>, vector<16xf32>,
      %swap3A_914 = arith.constant 80 : index
      %swap3A_915 = tpu.vector_load %arg9[%swap3A_914] {strides = array<i32>} : memref<288xf32, #tpu.memory_space<vmem>>, vector<16xf32>,
      tpu.vector_store %arg9[%swap3A_914], %get3A_913 {strides = array<i32>} : memref<288xf32, #tpu.memory_space<vmem>>, vector<16xf32>,
      %add3A_916 = arith.constant 80 : i32
      %add3A_917 = arith.addi %mul3A_885, %add3A_916 : i32
      %get3A_918 = arith.index_cast %add3A_917 : i32 to index
      %get3A_919 = tpu.vector_load %arg7[%get3A_918] {strides = array<i32>} : memref<65536xf32, #tpu.memory_space<vmem>>, vector<16xf32>,
      %swap3A_920 = arith.constant 96 : index
      %swap3A_921 = tpu.vector_load %arg9[%swap3A_920] {strides = array<i32>} : memref<288xf32, #tpu.memory_space<vmem>>, vector<16xf32>,
      tpu.vector_store %arg9[%swap3A_920], %get3A_919 {strides = array<i32>} : memref<288xf32, #tpu.memory_space<vmem>>, vector<16xf32>,
      %add3A_922 = arith.constant 96 : i32
      %add3A_923 = arith.addi %mul3A_885, %add3A_922 : i32
      %get3A_924 = arith.index_cast %add3A_923 : i32 to index
      %get3A_925 = tpu.vector_load %arg7[%get3A_924] {strides = array<i32>} : memref<65536xf32, #tpu.memory_space<vmem>>, vector<16xf32>,
      %swap3A_926 = arith.constant 112 : index
      %swap3A_927 = tpu.vector_load %arg9[%swap3A_926] {strides = array<i32>} : memref<288xf32, #tpu.memory_space<vmem>>, vector<16xf32>,
      tpu.vector_store %arg9[%swap3A_926], %get3A_925 {strides = array<i32>} : memref<288xf32, #tpu.memory_space<vmem>>, vector<16xf32>,
      %add3A_928 = arith.constant 112 : i32
      %add3A_929 = arith.addi %mul3A_885, %add3A_928 : i32
      %get3A_930 = arith.index_cast %add3A_929 : i32 to index
      %get3A_931 = tpu.vector_load %arg7[%get3A_930] {strides = array<i32>} : memref<65536xf32, #tpu.memory_space<vmem>>, vector<16xf32>,
      %swap3A_932 = arith.constant 128 : index
      %swap3A_933 = tpu.vector_load %arg9[%swap3A_932] {strides = array<i32>} : memref<288xf32, #tpu.memory_space<vmem>>, vector<16xf32>,
      tpu.vector_store %arg9[%swap3A_932], %get3A_931 {strides = array<i32>} : memref<288xf32, #tpu.memory_space<vmem>>, vector<16xf32>,
      %add3A_934 = arith.constant 128 : i32
      %add3A_935 = arith.addi %mul3A_885, %add3A_934 : i32
      %get3A_936 = arith.index_cast %add3A_935 : i32 to index
      %get3A_937 = tpu.vector_load %arg7[%get3A_936] {strides = array<i32>} : memref<65536xf32, #tpu.memory_space<vmem>>, vector<16xf32>,
      %swap3A_938 = arith.constant 144 : index
      %swap3A_939 = tpu.vector_load %arg9[%swap3A_938] {strides = array<i32>} : memref<288xf32, #tpu.memory_space<vmem>>, vector<16xf32>,
      tpu.vector_store %arg9[%swap3A_938], %get3A_937 {strides = array<i32>} : memref<288xf32, #tpu.memory_space<vmem>>, vector<16xf32>,
      %add3A_940 = arith.constant 144 : i32
      %add3A_941 = arith.addi %mul3A_885, %add3A_940 : i32
      %get3A_942 = arith.index_cast %add3A_941 : i32 to index
      %get3A_943 = tpu.vector_load %arg7[%get3A_942] {strides = array<i32>} : memref<65536xf32, #tpu.memory_space<vmem>>, vector<16xf32>,
      %swap3A_944 = arith.constant 160 : index
      %swap3A_945 = tpu.vector_load %arg9[%swap3A_944] {strides = array<i32>} : memref<288xf32, #tpu.memory_space<vmem>>, vector<16xf32>,
      tpu.vector_store %arg9[%swap3A_944], %get3A_943 {strides = array<i32>} : memref<288xf32, #tpu.memory_space<vmem>>, vector<16xf32>,
      %add3A_946 = arith.constant 160 : i32
      %add3A_947 = arith.addi %mul3A_885, %add3A_946 : i32
      %get3A_948 = arith.index_cast %add3A_947 : i32 to index
      %get3A_949 = tpu.vector_load %arg7[%get3A_948] {strides = array<i32>} : memref<65536xf32, #tpu.memory_space<vmem>>, vector<16xf32>,
      %swap3A_950 = arith.constant 176 : index
      %swap3A_951 = tpu.vector_load %arg9[%swap3A_950] {strides = array<i32>} : memref<288xf32, #tpu.memory_space<vmem>>, vector<16xf32>,
      tpu.vector_store %arg9[%swap3A_950], %get3A_949 {strides = array<i32>} : memref<288xf32, #tpu.memory_space<vmem>>, vector<16xf32>,
      %add3A_952 = arith.constant 176 : i32
      %add3A_953 = arith.addi %mul3A_885, %add3A_952 : i32
      %get3A_954 = arith.index_cast %add3A_953 : i32 to index
      %get3A_955 = tpu.vector_load %arg7[%get3A_954] {strides = array<i32>} : memref<65536xf32, #tpu.memory_space<vmem>>, vector<16xf32>,
      %swap3A_956 = arith.constant 192 : index
      %swap3A_957 = tpu.vector_load %arg9[%swap3A_956] {strides = array<i32>} : memref<288xf32, #tpu.memory_space<vmem>>, vector<16xf32>,
      tpu.vector_store %arg9[%swap3A_956], %get3A_955 {strides = array<i32>} : memref<288xf32, #tpu.memory_space<vmem>>, vector<16xf32>,
      %add3A_958 = arith.constant 192 : i32
      %add3A_959 = arith.addi %mul3A_885, %add3A_958 : i32
      %get3A_960 = arith.index_cast %add3A_959 : i32 to index
      %get3A_961 = tpu.vector_load %arg7[%get3A_960] {strides = array<i32>} : memref<65536xf32, #tpu.memory_space<vmem>>, vector<16xf32>,
      %swap3A_962 = arith.constant 208 : index
      %swap3A_963 = tpu.vector_load %arg9[%swap3A_962] {strides = array<i32>} : memref<288xf32, #tpu.memory_space<vmem>>, vector<16xf32>,
      tpu.vector_store %arg9[%swap3A_962], %get3A_961 {strides = array<i32>} : memref<288xf32, #tpu.memory_space<vmem>>, vector<16xf32>,
      %add3A_964 = arith.constant 208 : i32
      %add3A_965 = arith.addi %mul3A_885, %add3A_964 : i32
      %get3A_966 = arith.index_cast %add3A_965 : i32 to index
      %get3A_967 = tpu.vector_load %arg7[%get3A_966] {strides = array<i32>} : memref<65536xf32, #tpu.memory_space<vmem>>, vector<16xf32>,
      %swap3A_968 = arith.constant 224 : index
      %swap3A_969 = tpu.vector_load %arg9[%swap3A_968] {strides = array<i32>} : memref<288xf32, #tpu.memory_space<vmem>>, vector<16xf32>,
      tpu.vector_store %arg9[%swap3A_968], %get3A_967 {strides = array<i32>} : memref<288xf32, #tpu.memory_space<vmem>>, vector<16xf32>,
      %add3A_970 = arith.constant 224 : i32
      %add3A_971 = arith.addi %mul3A_885, %add3A_970 : i32
      %get3A_972 = arith.index_cast %add3A_971 : i32 to index
      %get3A_973 = tpu.vector_load %arg7[%get3A_972] {strides = array<i32>} : memref<65536xf32, #tpu.memory_space<vmem>>, vector<16xf32>,
      %swap3A_974 = arith.constant 240 : index
      %swap3A_975 = tpu.vector_load %arg9[%swap3A_974] {strides = array<i32>} : memref<288xf32, #tpu.memory_space<vmem>>, vector<16xf32>,
      tpu.vector_store %arg9[%swap3A_974], %get3A_973 {strides = array<i32>} : memref<288xf32, #tpu.memory_space<vmem>>, vector<16xf32>,
      %add3A_976 = arith.constant 240 : i32
      %add3A_977 = arith.addi %mul3A_885, %add3A_976 : i32
      %get3A_978 = arith.index_cast %add3A_977 : i32 to index
      %get3A_979 = tpu.vector_load %arg7[%get3A_978] {strides = array<i32>} : memref<65536xf32, #tpu.memory_space<vmem>>, vector<16xf32>,
      %swap3A_980 = arith.constant 256 : index
      %swap3A_981 = tpu.vector_load %arg9[%swap3A_980] {strides = array<i32>} : memref<288xf32, #tpu.memory_space<vmem>>, vector<16xf32>,
      tpu.vector_store %arg9[%swap3A_980], %get3A_979 {strides = array<i32>} : memref<288xf32, #tpu.memory_space<vmem>>, vector<16xf32>,
      %get3A_982 = arith.constant 15 : index
      %get3A_983 = tpu.vector_load %arg9[%get3A_982] {strides = array<i32>} : memref<288xf32, #tpu.memory_space<vmem>>, vector<16xf32>,
      %get3A_984 = arith.constant 17 : index
      %get3A_985 = tpu.vector_load %arg9[%get3A_984] {strides = array<i32>} : memref<288xf32, #tpu.memory_space<vmem>>, vector<16xf32>,
      %mul3A_986 = arith.mulf %mul3A_867, %get3A_983 : vector<16xf32>
      %mul3A_987 = arith.mulf %mul3A_870, %get3A_889 : vector<16xf32>
      %add3A_988 = arith.addf %mul3A_986, %mul3A_987 : vector<16xf32>
      %mul3A_989 = arith.mulf %mul3A_867, %get3A_985 : vector<16xf32>
      %add3A_990 = arith.addf %add3A_988, %mul3A_989 : vector<16xf32>
      %add3A_991 = arith.addf %add3A_990, %add3A_864 : vector<16xf32>
      %add3A_992 = arith.constant 0 : i32
      %add3A_993 = arith.addi %mul3A_885, %add3A_992 : i32
      %swap3A_994 = arith.index_cast %add3A_993 : i32 to index
      %swap3A_995 = tpu.vector_load %arg7[%swap3A_994] {strides = array<i32>} : memref<65536xf32, #tpu.memory_space<vmem>>, vector<16xf32>,
      tpu.vector_store %arg7[%swap3A_994], %add3A_991 {strides = array<i32>} : memref<65536xf32, #tpu.memory_space<vmem>>, vector<16xf32>,
      %get3A_996 = arith.constant 31 : index
      %get3A_997 = tpu.vector_load %arg9[%get3A_996] {strides = array<i32>} : memref<288xf32, #tpu.memory_space<vmem>>, vector<16xf32>,
      %get3A_998 = arith.constant 33 : index
      %get3A_999 = tpu.vector_load %arg9[%get3A_998] {strides = array<i32>} : memref<288xf32, #tpu.memory_space<vmem>>, vector<16xf32>,
      %mul3A_1000 = arith.mulf %mul3A_867, %get3A_997 : vector<16xf32>
      %mul3A_1001 = arith.mulf %mul3A_870, %get3A_895 : vector<16xf32>
      %add3A_1002 = arith.addf %mul3A_1000, %mul3A_1001 : vector<16xf32>
      %mul3A_1003 = arith.mulf %mul3A_867, %get3A_999 : vector<16xf32>
      %add3A_1004 = arith.addf %add3A_1002, %mul3A_1003 : vector<16xf32>
      %add3A_1005 = arith.addf %add3A_1004, %add3A_864 : vector<16xf32>
      %add3A_1006 = arith.constant 16 : i32
      %add3A_1007 = arith.addi %mul3A_885, %add3A_1006 : i32
      %swap3A_1008 = arith.index_cast %add3A_1007 : i32 to index
      %swap3A_1009 = tpu.vector_load %arg7[%swap3A_1008] {strides = array<i32>} : memref<65536xf32, #tpu.memory_space<vmem>>, vector<16xf32>,
      tpu.vector_store %arg7[%swap3A_1008], %add3A_1005 {strides = array<i32>} : memref<65536xf32, #tpu.memory_space<vmem>>, vector<16xf32>,
      %get3A_1010 = arith.constant 47 : index
      %get3A_1011 = tpu.vector_load %arg9[%get3A_1010] {strides = array<i32>} : memref<288xf32, #tpu.memory_space<vmem>>, vector<16xf32>,
      %get3A_1012 = arith.constant 49 : index
      %get3A_1013 = tpu.vector_load %arg9[%get3A_1012] {strides = array<i32>} : memref<288xf32, #tpu.memory_space<vmem>>, vector<16xf32>,
      %mul3A_1014 = arith.mulf %mul3A_867, %get3A_1011 : vector<16xf32>
      %mul3A_1015 = arith.mulf %mul3A_870, %get3A_901 : vector<16xf32>
      %add3A_1016 = arith.addf %mul3A_1014, %mul3A_1015 : vector<16xf32>
      %mul3A_1017 = arith.mulf %mul3A_867, %get3A_1013 : vector<16xf32>
      %add3A_1018 = arith.addf %add3A_1016, %mul3A_1017 : vector<16xf32>
      %add3A_1019 = arith.addf %add3A_1018, %add3A_864 : vector<16xf32>
      %add3A_1020 = arith.constant 32 : i32
      %add3A_1021 = arith.addi %mul3A_885, %add3A_1020 : i32
      %swap3A_1022 = arith.index_cast %add3A_1021 : i32 to index
      %swap3A_1023 = tpu.vector_load %arg7[%swap3A_1022] {strides = array<i32>} : memref<65536xf32, #tpu.memory_space<vmem>>, vector<16xf32>,
      tpu.vector_store %arg7[%swap3A_1022], %add3A_1019 {strides = array<i32>} : memref<65536xf32, #tpu.memory_space<vmem>>, vector<16xf32>,
      %get3A_1024 = arith.constant 63 : index
      %get3A_1025 = tpu.vector_load %arg9[%get3A_1024] {strides = array<i32>} : memref<288xf32, #tpu.memory_space<vmem>>, vector<16xf32>,
      %get3A_1026 = arith.constant 65 : index
      %get3A_1027 = tpu.vector_load %arg9[%get3A_1026] {strides = array<i32>} : memref<288xf32, #tpu.memory_space<vmem>>, vector<16xf32>,
      %mul3A_1028 = arith.mulf %mul3A_867, %get3A_1025 : vector<16xf32>
      %mul3A_1029 = arith.mulf %mul3A_870, %get3A_907 : vector<16xf32>
      %add3A_1030 = arith.addf %mul3A_1028, %mul3A_1029 : vector<16xf32>
      %mul3A_1031 = arith.mulf %mul3A_867, %get3A_1027 : vector<16xf32>
      %add3A_1032 = arith.addf %add3A_1030, %mul3A_1031 : vector<16xf32>
      %add3A_1033 = arith.addf %add3A_1032, %add3A_864 : vector<16xf32>
      %add3A_1034 = arith.constant 48 : i32
      %add3A_1035 = arith.addi %mul3A_885, %add3A_1034 : i32
      %swap3A_1036 = arith.index_cast %add3A_1035 : i32 to index
      %swap3A_1037 = tpu.vector_load %arg7[%swap3A_1036] {strides = array<i32>} : memref<65536xf32, #tpu.memory_space<vmem>>, vector<16xf32>,
      tpu.vector_store %arg7[%swap3A_1036], %add3A_1033 {strides = array<i32>} : memref<65536xf32, #tpu.memory_space<vmem>>, vector<16xf32>,
      %get3A_1038 = arith.constant 79 : index
      %get3A_1039 = tpu.vector_load %arg9[%get3A_1038] {strides = array<i32>} : memref<288xf32, #tpu.memory_space<vmem>>, vector<16xf32>,
      %get3A_1040 = arith.constant 81 : index
      %get3A_1041 = tpu.vector_load %arg9[%get3A_1040] {strides = array<i32>} : memref<288xf32, #tpu.memory_space<vmem>>, vector<16xf32>,
      %mul3A_1042 = arith.mulf %mul3A_867, %get3A_1039 : vector<16xf32>
      %mul3A_1043 = arith.mulf %mul3A_870, %get3A_913 : vector<16xf32>
      %add3A_1044 = arith.addf %mul3A_1042, %mul3A_1043 : vector<16xf32>
      %mul3A_1045 = arith.mulf %mul3A_867, %get3A_1041 : vector<16xf32>
      %add3A_1046 = arith.addf %add3A_1044, %mul3A_1045 : vector<16xf32>
      %add3A_1047 = arith.addf %add3A_1046, %add3A_864 : vector<16xf32>
      %add3A_1048 = arith.constant 64 : i32
      %add3A_1049 = arith.addi %mul3A_885, %add3A_1048 : i32
      %swap3A_1050 = arith.index_cast %add3A_1049 : i32 to index
      %swap3A_1051 = tpu.vector_load %arg7[%swap3A_1050] {strides = array<i32>} : memref<65536xf32, #tpu.memory_space<vmem>>, vector<16xf32>,
      tpu.vector_store %arg7[%swap3A_1050], %add3A_1047 {strides = array<i32>} : memref<65536xf32, #tpu.memory_space<vmem>>, vector<16xf32>,
      %get3A_1052 = arith.constant 95 : index
      %get3A_1053 = tpu.vector_load %arg9[%get3A_1052] {strides = array<i32>} : memref<288xf32, #tpu.memory_space<vmem>>, vector<16xf32>,
      %get3A_1054 = arith.constant 97 : index
      %get3A_1055 = tpu.vector_load %arg9[%get3A_1054] {strides = array<i32>} : memref<288xf32, #tpu.memory_space<vmem>>, vector<16xf32>,
      %mul3A_1056 = arith.mulf %mul3A_867, %get3A_1053 : vector<16xf32>
      %mul3A_1057 = arith.mulf %mul3A_870, %get3A_919 : vector<16xf32>
      %add3A_1058 = arith.addf %mul3A_1056, %mul3A_1057 : vector<16xf32>
      %mul3A_1059 = arith.mulf %mul3A_867, %get3A_1055 : vector<16xf32>
      %add3A_1060 = arith.addf %add3A_1058, %mul3A_1059 : vector<16xf32>
      %add3A_1061 = arith.addf %add3A_1060, %add3A_864 : vector<16xf32>
      %add3A_1062 = arith.constant 80 : i32
      %add3A_1063 = arith.addi %mul3A_885, %add3A_1062 : i32
      %swap3A_1064 = arith.index_cast %add3A_1063 : i32 to index
      %swap3A_1065 = tpu.vector_load %arg7[%swap3A_1064] {strides = array<i32>} : memref<65536xf32, #tpu.memory_space<vmem>>, vector<16xf32>,
      tpu.vector_store %arg7[%swap3A_1064], %add3A_1061 {strides = array<i32>} : memref<65536xf32, #tpu.memory_space<vmem>>, vector<16xf32>,
      %get3A_1066 = arith.constant 111 : index
      %get3A_1067 = tpu.vector_load %arg9[%get3A_1066] {strides = array<i32>} : memref<288xf32, #tpu.memory_space<vmem>>, vector<16xf32>,
      %get3A_1068 = arith.constant 113 : index
      %get3A_1069 = tpu.vector_load %arg9[%get3A_1068] {strides = array<i32>} : memref<288xf32, #tpu.memory_space<vmem>>, vector<16xf32>,
      %mul3A_1070 = arith.mulf %mul3A_867, %get3A_1067 : vector<16xf32>
      %mul3A_1071 = arith.mulf %mul3A_870, %get3A_925 : vector<16xf32>
      %add3A_1072 = arith.addf %mul3A_1070, %mul3A_1071 : vector<16xf32>
      %mul3A_1073 = arith.mulf %mul3A_867, %get3A_1069 : vector<16xf32>
      %add3A_1074 = arith.addf %add3A_1072, %mul3A_1073 : vector<16xf32>
      %add3A_1075 = arith.addf %add3A_1074, %add3A_864 : vector<16xf32>
      %add3A_1076 = arith.constant 96 : i32
      %add3A_1077 = arith.addi %mul3A_885, %add3A_1076 : i32
      %swap3A_1078 = arith.index_cast %add3A_1077 : i32 to index
      %swap3A_1079 = tpu.vector_load %arg7[%swap3A_1078] {strides = array<i32>} : memref<65536xf32, #tpu.memory_space<vmem>>, vector<16xf32>,
      tpu.vector_store %arg7[%swap3A_1078], %add3A_1075 {strides = array<i32>} : memref<65536xf32, #tpu.memory_space<vmem>>, vector<16xf32>,
      %get3A_1080 = arith.constant 127 : index
      %get3A_1081 = tpu.vector_load %arg9[%get3A_1080] {strides = array<i32>} : memref<288xf32, #tpu.memory_space<vmem>>, vector<16xf32>,
      %get3A_1082 = arith.constant 129 : index
      %get3A_1083 = tpu.vector_load %arg9[%get3A_1082] {strides = array<i32>} : memref<288xf32, #tpu.memory_space<vmem>>, vector<16xf32>,
      %mul3A_1084 = arith.mulf %mul3A_867, %get3A_1081 : vector<16xf32>
      %mul3A_1085 = arith.mulf %mul3A_870, %get3A_931 : vector<16xf32>
      %add3A_1086 = arith.addf %mul3A_1084, %mul3A_1085 : vector<16xf32>
      %mul3A_1087 = arith.mulf %mul3A_867, %get3A_1083 : vector<16xf32>
      %add3A_1088 = arith.addf %add3A_1086, %mul3A_1087 : vector<16xf32>
      %add3A_1089 = arith.addf %add3A_1088, %add3A_864 : vector<16xf32>
      %add3A_1090 = arith.constant 112 : i32
      %add3A_1091 = arith.addi %mul3A_885, %add3A_1090 : i32
      %swap3A_1092 = arith.index_cast %add3A_1091 : i32 to index
      %swap3A_1093 = tpu.vector_load %arg7[%swap3A_1092] {strides = array<i32>} : memref<65536xf32, #tpu.memory_space<vmem>>, vector<16xf32>,
      tpu.vector_store %arg7[%swap3A_1092], %add3A_1089 {strides = array<i32>} : memref<65536xf32, #tpu.memory_space<vmem>>, vector<16xf32>,
      %get3A_1094 = arith.constant 143 : index
      %get3A_1095 = tpu.vector_load %arg9[%get3A_1094] {strides = array<i32>} : memref<288xf32, #tpu.memory_space<vmem>>, vector<16xf32>,
      %get3A_1096 = arith.constant 145 : index
      %get3A_1097 = tpu.vector_load %arg9[%get3A_1096] {strides = array<i32>} : memref<288xf32, #tpu.memory_space<vmem>>, vector<16xf32>,
      %mul3A_1098 = arith.mulf %mul3A_867, %get3A_1095 : vector<16xf32>
      %mul3A_1099 = arith.mulf %mul3A_870, %get3A_937 : vector<16xf32>
      %add3A_1100 = arith.addf %mul3A_1098, %mul3A_1099 : vector<16xf32>
      %mul3A_1101 = arith.mulf %mul3A_867, %get3A_1097 : vector<16xf32>
      %add3A_1102 = arith.addf %add3A_1100, %mul3A_1101 : vector<16xf32>
      %add3A_1103 = arith.addf %add3A_1102, %add3A_864 : vector<16xf32>
      %add3A_1104 = arith.constant 128 : i32
      %add3A_1105 = arith.addi %mul3A_885, %add3A_1104 : i32
      %swap3A_1106 = arith.index_cast %add3A_1105 : i32 to index
      %swap3A_1107 = tpu.vector_load %arg7[%swap3A_1106] {strides = array<i32>} : memref<65536xf32, #tpu.memory_space<vmem>>, vector<16xf32>,
      tpu.vector_store %arg7[%swap3A_1106], %add3A_1103 {strides = array<i32>} : memref<65536xf32, #tpu.memory_space<vmem>>, vector<16xf32>,
      %get3A_1108 = arith.constant 159 : index
      %get3A_1109 = tpu.vector_load %arg9[%get3A_1108] {strides = array<i32>} : memref<288xf32, #tpu.memory_space<vmem>>, vector<16xf32>,
      %get3A_1110 = arith.constant 161 : index
      %get3A_1111 = tpu.vector_load %arg9[%get3A_1110] {strides = array<i32>} : memref<288xf32, #tpu.memory_space<vmem>>, vector<16xf32>,
      %mul3A_1112 = arith.mulf %mul3A_867, %get3A_1109 : vector<16xf32>
      %mul3A_1113 = arith.mulf %mul3A_870, %get3A_943 : vector<16xf32>
      %add3A_1114 = arith.addf %mul3A_1112, %mul3A_1113 : vector<16xf32>
      %mul3A_1115 = arith.mulf %mul3A_867, %get3A_1111 : vector<16xf32>
      %add3A_1116 = arith.addf %add3A_1114, %mul3A_1115 : vector<16xf32>
      %add3A_1117 = arith.addf %add3A_1116, %add3A_864 : vector<16xf32>
      %add3A_1118 = arith.constant 144 : i32
      %add3A_1119 = arith.addi %mul3A_885, %add3A_1118 : i32
      %swap3A_1120 = arith.index_cast %add3A_1119 : i32 to index
      %swap3A_1121 = tpu.vector_load %arg7[%swap3A_1120] {strides = array<i32>} : memref<65536xf32, #tpu.memory_space<vmem>>, vector<16xf32>,
      tpu.vector_store %arg7[%swap3A_1120], %add3A_1117 {strides = array<i32>} : memref<65536xf32, #tpu.memory_space<vmem>>, vector<16xf32>,
      %get3A_1122 = arith.constant 175 : index
      %get3A_1123 = tpu.vector_load %arg9[%get3A_1122] {strides = array<i32>} : memref<288xf32, #tpu.memory_space<vmem>>, vector<16xf32>,
      %get3A_1124 = arith.constant 177 : index
      %get3A_1125 = tpu.vector_load %arg9[%get3A_1124] {strides = array<i32>} : memref<288xf32, #tpu.memory_space<vmem>>, vector<16xf32>,
      %mul3A_1126 = arith.mulf %mul3A_867, %get3A_1123 : vector<16xf32>
      %mul3A_1127 = arith.mulf %mul3A_870, %get3A_949 : vector<16xf32>
      %add3A_1128 = arith.addf %mul3A_1126, %mul3A_1127 : vector<16xf32>
      %mul3A_1129 = arith.mulf %mul3A_867, %get3A_1125 : vector<16xf32>
      %add3A_1130 = arith.addf %add3A_1128, %mul3A_1129 : vector<16xf32>
      %add3A_1131 = arith.addf %add3A_1130, %add3A_864 : vector<16xf32>
      %add3A_1132 = arith.constant 160 : i32
      %add3A_1133 = arith.addi %mul3A_885, %add3A_1132 : i32
      %swap3A_1134 = arith.index_cast %add3A_1133 : i32 to index
      %swap3A_1135 = tpu.vector_load %arg7[%swap3A_1134] {strides = array<i32>} : memref<65536xf32, #tpu.memory_space<vmem>>, vector<16xf32>,
      tpu.vector_store %arg7[%swap3A_1134], %add3A_1131 {strides = array<i32>} : memref<65536xf32, #tpu.memory_space<vmem>>, vector<16xf32>,
      %get3A_1136 = arith.constant 191 : index
      %get3A_1137 = tpu.vector_load %arg9[%get3A_1136] {strides = array<i32>} : memref<288xf32, #tpu.memory_space<vmem>>, vector<16xf32>,
      %get3A_1138 = arith.constant 193 : index
      %get3A_1139 = tpu.vector_load %arg9[%get3A_1138] {strides = array<i32>} : memref<288xf32, #tpu.memory_space<vmem>>, vector<16xf32>,
      %mul3A_1140 = arith.mulf %mul3A_867, %get3A_1137 : vector<16xf32>
      %mul3A_1141 = arith.mulf %mul3A_870, %get3A_955 : vector<16xf32>
      %add3A_1142 = arith.addf %mul3A_1140, %mul3A_1141 : vector<16xf32>
      %mul3A_1143 = arith.mulf %mul3A_867, %get3A_1139 : vector<16xf32>
      %add3A_1144 = arith.addf %add3A_1142, %mul3A_1143 : vector<16xf32>
      %add3A_1145 = arith.addf %add3A_1144, %add3A_864 : vector<16xf32>
      %add3A_1146 = arith.constant 176 : i32
      %add3A_1147 = arith.addi %mul3A_885, %add3A_1146 : i32
      %swap3A_1148 = arith.index_cast %add3A_1147 : i32 to index
      %swap3A_1149 = tpu.vector_load %arg7[%swap3A_1148] {strides = array<i32>} : memref<65536xf32, #tpu.memory_space<vmem>>, vector<16xf32>,
      tpu.vector_store %arg7[%swap3A_1148], %add3A_1145 {strides = array<i32>} : memref<65536xf32, #tpu.memory_space<vmem>>, vector<16xf32>,
      %get3A_1150 = arith.constant 207 : index
      %get3A_1151 = tpu.vector_load %arg9[%get3A_1150] {strides = array<i32>} : memref<288xf32, #tpu.memory_space<vmem>>, vector<16xf32>,
      %get3A_1152 = arith.constant 209 : index
      %get3A_1153 = tpu.vector_load %arg9[%get3A_1152] {strides = array<i32>} : memref<288xf32, #tpu.memory_space<vmem>>, vector<16xf32>,
      %mul3A_1154 = arith.mulf %mul3A_867, %get3A_1151 : vector<16xf32>
      %mul3A_1155 = arith.mulf %mul3A_870, %get3A_961 : vector<16xf32>
      %add3A_1156 = arith.addf %mul3A_1154, %mul3A_1155 : vector<16xf32>
      %mul3A_1157 = arith.mulf %mul3A_867, %get3A_1153 : vector<16xf32>
      %add3A_1158 = arith.addf %add3A_1156, %mul3A_1157 : vector<16xf32>
      %add3A_1159 = arith.addf %add3A_1158, %add3A_864 : vector<16xf32>
      %add3A_1160 = arith.constant 192 : i32
      %add3A_1161 = arith.addi %mul3A_885, %add3A_1160 : i32
      %swap3A_1162 = arith.index_cast %add3A_1161 : i32 to index
      %swap3A_1163 = tpu.vector_load %arg7[%swap3A_1162] {strides = array<i32>} : memref<65536xf32, #tpu.memory_space<vmem>>, vector<16xf32>,
      tpu.vector_store %arg7[%swap3A_1162], %add3A_1159 {strides = array<i32>} : memref<65536xf32, #tpu.memory_space<vmem>>, vector<16xf32>,
      %get3A_1164 = arith.constant 223 : index
      %get3A_1165 = tpu.vector_load %arg9[%get3A_1164] {strides = array<i32>} : memref<288xf32, #tpu.memory_space<vmem>>, vector<16xf32>,
      %get3A_1166 = arith.constant 225 : index
      %get3A_1167 = tpu.vector_load %arg9[%get3A_1166] {strides = array<i32>} : memref<288xf32, #tpu.memory_space<vmem>>, vector<16xf32>,
      %mul3A_1168 = arith.mulf %mul3A_867, %get3A_1165 : vector<16xf32>
      %mul3A_1169 = arith.mulf %mul3A_870, %get3A_967 : vector<16xf32>
      %add3A_1170 = arith.addf %mul3A_1168, %mul3A_1169 : vector<16xf32>
      %mul3A_1171 = arith.mulf %mul3A_867, %get3A_1167 : vector<16xf32>
      %add3A_1172 = arith.addf %add3A_1170, %mul3A_1171 : vector<16xf32>
      %add3A_1173 = arith.addf %add3A_1172, %add3A_864 : vector<16xf32>
      %add3A_1174 = arith.constant 208 : i32
      %add3A_1175 = arith.addi %mul3A_885, %add3A_1174 : i32
      %swap3A_1176 = arith.index_cast %add3A_1175 : i32 to index
      %swap3A_1177 = tpu.vector_load %arg7[%swap3A_1176] {strides = array<i32>} : memref<65536xf32, #tpu.memory_space<vmem>>, vector<16xf32>,
      tpu.vector_store %arg7[%swap3A_1176], %add3A_1173 {strides = array<i32>} : memref<65536xf32, #tpu.memory_space<vmem>>, vector<16xf32>,
      %get3A_1178 = arith.constant 239 : index
      %get3A_1179 = tpu.vector_load %arg9[%get3A_1178] {strides = array<i32>} : memref<288xf32, #tpu.memory_space<vmem>>, vector<16xf32>,
      %get3A_1180 = arith.constant 241 : index
      %get3A_1181 = tpu.vector_load %arg9[%get3A_1180] {strides = array<i32>} : memref<288xf32, #tpu.memory_space<vmem>>, vector<16xf32>,
      %mul3A_1182 = arith.mulf %mul3A_867, %get3A_1179 : vector<16xf32>
      %mul3A_1183 = arith.mulf %mul3A_870, %get3A_973 : vector<16xf32>
      %add3A_1184 = arith.addf %mul3A_1182, %mul3A_1183 : vector<16xf32>
      %mul3A_1185 = arith.mulf %mul3A_867, %get3A_1181 : vector<16xf32>
      %add3A_1186 = arith.addf %add3A_1184, %mul3A_1185 : vector<16xf32>
      %add3A_1187 = arith.addf %add3A_1186, %add3A_864 : vector<16xf32>
      %add3A_1188 = arith.constant 224 : i32
      %add3A_1189 = arith.addi %mul3A_885, %add3A_1188 : i32
      %swap3A_1190 = arith.index_cast %add3A_1189 : i32 to index
      %swap3A_1191 = tpu.vector_load %arg7[%swap3A_1190] {strides = array<i32>} : memref<65536xf32, #tpu.memory_space<vmem>>, vector<16xf32>,
      tpu.vector_store %arg7[%swap3A_1190], %add3A_1187 {strides = array<i32>} : memref<65536xf32, #tpu.memory_space<vmem>>, vector<16xf32>,
      %get3A_1192 = arith.constant 255 : index
      %get3A_1193 = tpu.vector_load %arg9[%get3A_1192] {strides = array<i32>} : memref<288xf32, #tpu.memory_space<vmem>>, vector<16xf32>,
      %get3A_1194 = arith.constant 257 : index
      %get3A_1195 = tpu.vector_load %arg9[%get3A_1194] {strides = array<i32>} : memref<288xf32, #tpu.memory_space<vmem>>, vector<16xf32>,
      %mul3A_1196 = arith.mulf %mul3A_867, %get3A_1193 : vector<16xf32>
      %mul3A_1197 = arith.mulf %mul3A_870, %get3A_979 : vector<16xf32>
      %add3A_1198 = arith.addf %mul3A_1196, %mul3A_1197 : vector<16xf32>
      %mul3A_1199 = arith.mulf %mul3A_867, %get3A_1195 : vector<16xf32>
      %add3A_1200 = arith.addf %add3A_1198, %mul3A_1199 : vector<16xf32>
      %add3A_1201 = arith.addf %add3A_1200, %add3A_864 : vector<16xf32>
      %add3A_1202 = arith.constant 240 : i32
      %add3A_1203 = arith.addi %mul3A_885, %add3A_1202 : i32
      %swap3A_1204 = arith.index_cast %add3A_1203 : i32 to index
      %swap3A_1205 = tpu.vector_load %arg7[%swap3A_1204] {strides = array<i32>} : memref<65536xf32, #tpu.memory_space<vmem>>, vector<16xf32>,
      tpu.vector_store %arg7[%swap3A_1204], %add3A_1201 {strides = array<i32>} : memref<65536xf32, #tpu.memory_space<vmem>>, vector<16xf32>,
    }
    %scan3A_880 = arith.constant 256 : i32
    %mul3A_881 = arith.constant 65536 : i32
    %mul3A_882 = arith.muli %add3A, %mul3A_881 : i32
    "tpu.region"() ({
      %run_scoped3A = tpu.sem_alloc : memref<!tpu.dma_semaphore, #tpu.memory_space<semaphore_mem>>
      %dma_start3A_883 = tpu.memref_slice %arg6[%mul3A_882] : memref<2097152xf32, #tpu.memory_space<hbm>> -> memref<65536xf32, #tpu.memory_space<hbm>>
      %dma_start3A_884 = tpu.memref_slice %arg6[%mul3A_882] : memref<2097152xf32, #tpu.memory_space<hbm>> -> memref<65536xf32, #tpu.memory_space<hbm>>
      tpu.enqueue_dma source(%arg7 : memref<65536xf32, #tpu.memory_space<vmem>>) target(%dma_start3A_884 : memref<65536xf32, #tpu.memory_space<hbm>>) target_semaphore(%run_scoped3A : memref<!tpu.dma_semaphore, #tpu.memory_space<semaphore_mem>>)
      %dma_wait3A = tpu.memref_slice %arg6[%mul3A_882] : memref<2097152xf32, #tpu.memory_space<hbm>> -> memref<65536xf32, #tpu.memory_space<hbm>>
      %dma_wait3A_885 = tpu.memref_slice %arg6[%mul3A_882] : memref<2097152xf32, #tpu.memory_space<hbm>> -> memref<65536xf32, #tpu.memory_space<hbm>>
      tpu.wait_dma2 semaphore(%run_scoped3A : memref<!tpu.dma_semaphore, #tpu.memory_space<semaphore_mem>>) src(%arg7 : memref<65536xf32, #tpu.memory_space<vmem>>) dst(%dma_wait3A_885 : memref<65536xf32, #tpu.memory_space<hbm>>)
      tpu.yield
    }) : () -> ()
    return
  }
}

</mosaic_0001>

<sc_bundles>
// kernel: kernel.3.cloned.1.call-start
scs
__scs_entry_jumppad:
0x0: {  	(pc) =	sbr.rel $0x88, $3  }
0x1: {  	(tag) =	ssettag $0x0;
	lr =	simm.s32 $0x1  }
0x2: {  	[smem:$0x3F97] =	sst lr;
	_ =	strace $0xD0000000  }
0x3: {  	_ = 	snop  }
0x4: {  	_ = 	snop  }
0x5: {  	_ = 	snop  }
0x6: {  	_ = 	snop  }
0x7: {  	_ = 	snop  }
__scs_overlays_trampoline_lowered:
0x8: {  	[smem:$0x3FA6] =	sst s0  }
0x9: {  	[smem:$0x3FA7] =	sst s1  }
0xa: {  	[smem:$0x3FA8] =	sst s2  }
0xb: {  	[smem:$0x3FA9] =	sst s3  }
0xc: {  	[smem:$0x3FAA] =	sst s4  }
0xd: {  	[smem:$0x3FAB] =	sst s5  }
0xe: {  	[smem:$0x3FAC] =	sst s6  }
0xf: {  	[smem:$0x3FAD] =	sst s7  }
0x10: {  	[smem:$0x3FAE] =	sst s8  }
0x11: {  	[smem:$0x3FAF] =	sst s9;
	s0 =	simm.s32 @!p0 $0x0  }
0x12: {  	s1 =	sld [smem:$0x3F95];
	s0 =	simm.s32 @p0 $0x1  }
0x13: {  	[smem:$0x3FB0] =	sst s0;
	s0 =	simm.s32 @!p1 $0x0  }
0x14: {  	s2 =	sld [smem:$0x3F94];
	s0 =	simm.s32 @p1 $0x1  }
0x15: {  	[smem:$0x3FB1] =	sst s0;
	s0 =	simm.s32 @!p2 $0x0  }
0x16: {  	s3 =	sld [smem:$0x3FDB];
	s0 =	simm.s32 @p2 $0x1  }
0x17: {  	s4 =	simm.s32 $0x1BF5;
	[smem:$0x3FB3] =	sst s0  }
0x18: {  	s0 =	sld [smem:$0x3F96];
	_ =	swait.ge [sflag:s4], $0x0  }
0x19: {  	s7 =	sld [smem:$0x3F97]  }
0x1a: {  	s8 =	sadd.s32 $0xFFFFE003, lr  }
0x1b: {  	s9 =	sadd.s32 $0xFFFFFEF7, lr;
	s5 =	simm.s32 $0xFFFFFFFF;
	p2 =	slt.u32 s8, $0xFFFFF086  }
0x1c: {  	p1 =	slt.u32 s9, $0xF7A;
	s5 =	simm.s32 @!p2 $0x0  }
0x1d: {  	s5 =	simm.s32 @p1 $0x1;
	p0 =	seq.s32 s7, s2  }
0x1e: {  	s7 =	smul.u32 @!p0 $0xF7A, s2;
	p2 =	seq.s32 @!p0 s5, $0x0  }
0x1f: {  	s9 =	smul.u32 $0xF7A, s1;
	s8 =	simm.s32 @!p0 $0x1BF5;
	p2 =	por !p2, p0  }
0x20: {  	[sflag:s8] =	ssyncset.s32 @!p0 $0xFFFFF086;
	s6 =	sadd.s32 @!p0 s3, s7;
	s7 =	simm.s32 @!p0 $0x108  }
0x21: {  	s3 =	sadd.s32 s3, s9;
	s6 =	sadd.s32 @!p0 $0x88, s6;
	s7 =	simm.s32 @p2 $0x1082  }
0x22: {  	[simem:s7], [sflag:s8] =	dma.local @!p0 [hbm:s6], $0xF7A  }
0x23: {  	s9 =	sor.u32 $0xD0000000, s2;
	s6 =	simm.s32 $0x108;
	_ =	swait.ge @!p0 [sflag:s8], $0x0  }
0x24: {  	s3 =	sadd.s32 $0x88, s3;
	s6 =	simm.s32 @!p1 $0x1082;
	[sflag:s4] =	ssyncset.s32 $0xFFFFF086  }
0x25: {  	[simem:s6], [sflag:s4] =	dma.local [hbm:s3], $0xF7A  }
0x26: {  	[smem:$0x3F97] =	sst s1;
	(tag) =	ssettag s2;
	_ =	strace s9  }
0x27: {  	s1 =	sld [smem:$0x3FA7]  }
0x28: {  	s2 =	sld [smem:$0x3FA8]  }
0x29: {  	s4 =	sld [smem:$0x3FAA]  }
0x2a: {  	p0 =	seq.s32 s5, $0x0;
	s5 =	sld [smem:$0x3FAB]  }
0x2b: {  	s6 =	sld [smem:$0x3FAC]  }
0x2c: {  	s7 =	sld [smem:$0x3FAD]  }
0x2d: {  	s3 =	simm.s32 $0x108;
	s8 =	sld [smem:$0x3FAE]  }
0x2e: {  	s3 =	simm.s32 @!p0 $0x1082;
	s9 =	sld [smem:$0x3FAF]  }
0x2f: {  	lr =	sadd.s32 s0, s3;
	s0 =	sld [smem:$0x3FA6]  }
0x30: {  	s3 =	sld [smem:$0x3FA9]  }
0x31: {  	[smem:$0x3FB2] =	sst s10  }
0x32: {  	s10 =	sld [smem:$0x3FB0];
	_ =	sdelay $0x3  }
0x33: {  	p0 =	seq.s32 s10, $0x1;
	s10 =	sld [smem:$0x3FB2];
	_ =	sdelay $0x3  }
0x34: {  	[smem:$0x3FB2] =	sst s10  }
0x35: {  	s10 =	sld [smem:$0x3FB1];
	_ =	sdelay $0x3  }
0x36: {  	p1 =	seq.s32 s10, $0x1;
	s10 =	sld [smem:$0x3FB2];
	_ =	sdelay $0x3  }
0x37: {  	[smem:$0x3FB2] =	sst s10  }
0x38: {  	s10 =	sld [smem:$0x3FB3]  }
0x39: {  	_ = 	snop;
	(pc) =	sbr.ind lr, $3  }
0x3a: {  	_ = 	snop  }
0x3b: {  	_ = 	snop  }
0x3c: {  	p2 =	seq.s32 s10, $0x1;
	s10 =	sld [smem:$0x3FB2]  }
0x3d: {  	_ =	shalt  }
0x3e: {  	_ =	shalt  }
0x3f: {  	_ =	shalt  }
0x40: {  	_ =	shalt  }
0x41: {  	_ =	shalt  }
0x42: {  	_ =	shalt  }
0x43: {  	_ =	shalt  }
0x44: {  	_ =	shalt  }
0x45: {  	_ =	shalt  }
0x46: {  	_ =	shalt  }
0x47: {  	_ =	shalt  }
0x48: {  	_ =	shalt  }
0x49: {  	_ =	shalt  }
0x4a: {  	_ =	shalt  }
0x4b: {  	_ =	shalt  }
0x4c: {  	_ =	shalt  }
0x4d: {  	_ =	shalt  }
0x4e: {  	_ =	shalt  }
0x4f: {  	_ =	shalt  }
0x50: {  	_ =	shalt  }
0x51: {  	_ =	shalt  }
0x52: {  	_ =	shalt  }
0x53: {  	_ =	shalt  }
0x54: {  	_ =	shalt  }
0x55: {  	_ =	shalt  }
0x56: {  	_ =	shalt  }
0x57: {  	_ =	shalt  }
0x58: {  	_ =	shalt  }
0x59: {  	_ =	shalt  }
0x5a: {  	_ =	shalt  }
0x5b: {  	_ =	shalt  }
0x5c: {  	_ =	shalt  }
0x5d: {  	_ =	shalt  }
0x5e: {  	_ =	shalt  }
0x5f: {  	_ =	shalt  }
0x60: {  	_ =	shalt  }
0x61: {  	_ =	shalt  }
0x62: {  	_ =	shalt  }
0x63: {  	_ =	shalt  }
0x64: {  	_ =	shalt  }
0x65: {  	_ =	shalt  }
0x66: {  	_ =	shalt  }
0x67: {  	_ =	shalt  }
0x68: {  	_ =	shalt  }
0x69: {  	_ =	shalt  }
0x6a: {  	_ =	shalt  }
0x6b: {  	_ =	shalt  }
0x6c: {  	_ =	shalt  }
0x6d: {  	_ =	shalt  }
0x6e: {  	_ =	shalt  }
0x6f: {  	_ =	shalt  }
0x70: {  	_ =	shalt  }
0x71: {  	_ =	shalt  }
0x72: {  	_ =	shalt  }
0x73: {  	_ =	shalt  }
0x74: {  	_ =	shalt  }
0x75: {  	_ =	shalt  }
0x76: {  	_ =	shalt  }
0x77: {  	_ =	shalt  }
0x78: {  	_ =	shalt  }
0x79: {  	_ =	shalt  }
0x7a: {  	_ =	shalt  }
0x7b: {  	_ =	shalt  }
0x7c: {  	_ =	shalt  }
0x7d: {  	_ =	shalt  }
0x7e: {  	_ =	shalt  }
0x7f: {  	_ =	shalt  }
0x80: {  	_ =	shalt  }
0x81: {  	_ =	shalt  }
0x82: {  	_ =	shalt  }
0x83: {  	_ =	shalt  }
0x84: {  	_ =	shalt  }
0x85: {  	_ =	shalt  }
0x86: {  	_ =	shalt  }
0x87: {  	_ =	shalt  }
.Lfunc_end0:
.L_simem_size_0:
called_computation_lowered:
.L_overlay_start_0:
0x88: {  	s2 =	sld [smem:$0x3FD9]  }
0x89: {  	s3 =	sld [smem:$0x3FFE];
	_ =	sdelay $0x1  }
0x8a: {  	s1 =	srdreg.scid  }
0x8b: {  	s0 =	sand.u32 $0x1, s1  }
0x8c: {  	s17 =	sshll.u32 s0, $0xA;
	s2 =	sadd.s32 s3, s2  }
0x8d: {  	s2 =	sadd.s32 s2, s17  }
0x8e: {  	[smem:$0x3FBE] =	sst s2  }
0x8f: {  	_ = 	snop  }
0x90: {  	s2 =	sld [smem:$0x3FD0];
	(tm) =	ssettm $0x1  }
0x91: {  	s18 =	sld [smem:$0x3FFB];
	_ =	sdelay $0x3  }
0x92: {  	_ =	strace s18  }
0x93: {  	s3 =	sld [smem:$0x3FFC];
	_ =	sdelay $0x3  }
0x94: {  	_ =	strace s3  }
0x95: {  	s3 =	sld [smem:$0x3FFD];
	_ =	sdelay $0x3  }
0x96: {  	_ =	strace s3  }
0x97: {  	_ =	strace $0x8FFFFFFF  }
0x98: {  	s19 =	sld [smem:$0x3FDB];
	_ =	sdelay $0x1  }
0x99: {  	s4 =	simm.s32 $_scs_section_size  }
0x9a: {  	s5 =	simm.s32 $_size__tile_overlayer_lowered;
	s6 =	simm.s32 $_tile_overlayer_lowered  }
0x9b: {  	s22 =	simm.s32 $0x1BFF;
	s21 =	sshll.u32 s6, $0x1;
	s3 =	sadd.s32 s4, s19  }
0x9c: {  	s7 =	simm.s32 $0x0;
	s20 =	sshll.u32 s5, $0x1;
	s5 =	sadd.s32 s21, s3  }
0x9d: {  	[timem:s7], [sflag:s22] =	dma.local [hbm:s5], s20  }
0x9e: {  	_ =	swait.ge [sflag:s22], s20  }
0x9f: {  	s4 =	ssub.s32 $0x0, s20;
	[sflag:s22] =	ssyncset.done $0x0  }
0xa0: {  	[sflag:s22] =	ssyncadd.s32 s4;
	_ =	sdelay $0x1  }
0xa1: {  	s23 =	simm.s32 $0x1B8B  }
0xa2: {  	_ =	swait.ge [sflag:s23], $0x1  }
0xa3: {  	[sflag:s23] =	ssyncset.done $0x0  }
0xa4: {  	s25 =	simm.s32 $0x1B8E;
	s24 =	sld [smem:$0x3FFE];
	[sflag:s23] =	ssyncadd.s32 $0xFFFFFFFF  }
0xa5: {  	s26 =	simm.s32 $execute0_lowered;
	[smem:$0x3FD2] =	sst s25  }
0xa6: {  	s5 =	sshll.u32 s26, $0x1;
	_ =	strace $0x80000046;
	[dreg:$0x1] =	wrdreg $0xFFFFFFFF  }
0xa7: {  	s28 =	simm.s32 $_size_execute0_lowered;
	s3 =	sadd.s32 s3, s5;
	[dreg:$0x0] =	wrdreg $0x0  }
0xa8: {  	s5 =	sshll.u32 s28, $0x1;
	[dreg:$0x2] =	wrdreg s3  }
0xa9: {  	[dreg:$0x3] =	wrdreg s5  }
0xaa: {  	[dreg:$0x4] =	wrdreg $0xC0  }
0xab: {  	_ =	task [dreg:s7], $0x5FFFF  }
0xac: {  	[dreg:$0x1] =	wrdreg $0xFFFFFFFF  }
0xad: {  	[dreg:$0x0] =	wrdreg $0x60  }
0xae: {  	[dreg:$0x2] =	wrdreg s2  }
0xaf: {  	[dreg:$0x3] =	wrdreg s24  }
0xb0: {  	[dreg:$0x4] =	wrdreg $0x9  }
0xb1: {  	_ =	task.clear_ibuf [dreg:s7], $0x5FFFF;
	_ =	strace $0x90000046  }
0xb2: {  	s29 =	simm.s32 $0x9;
	_ =	strace $0x80000048  }
0xb3: {  	_ =	swait.ge [sflag:s29], $0x1  }
0xb4: {  	[sflag:s29] =	ssyncadd.s32 $0xFFFFFFFF  }
0xb5: {  	_ =	strace $0x90000048  }
0xb6: {  	_ =	sfence  }
0xb7: {  	s30 =	sld [smem:$0x0];
	_ =	sdelay $0x2  }
0xb8: {  	s31 =	sshll.u32 s1, $0xD;
	s1 =	sshrl.u32 s1, $0x2  }
0xb9: {  	s3 =	sand.u32 $0x4000, s31;
	s1 =	sadd.s32 s1, s30  }
0xba: {  	s0 =	sor.u32 s3, s0;
	s1 =	sshll.u32 s1, $0x11  }
0xbb: {  	s0 =	sor.u32 s1, s0  }
0xbc: {  	s0 =	sadd.s32 $0x8F2B, s0  }
0xbd: {  	[sflag:s0] =	ssyncadd.remote.s32 $0x1  }
0xbe: {  	_ =	sfence.sel $0xFFFF  }
0xbf: {  	[dreg:$0x0] =	wrdreg $0xFFFFFFFF;
	(pc) =	sbr.abs _section_cstart, $3  }
0xc0: {  	[dreg:$0x1] =	wrdreg $0xFFFFFFFF  }
0xc1: {  	_ =	task.clear_ibuf [dreg:s7], $0x2FFFF;
	_ =	strace $0x9FFFFFFF  }
0xc2: {  	(tm) =	ssettm $0x7FFFFFFF  }
0xc3: {  	_ =	shalt  }
tec
execute0_lowered:
.L_overlay_start_1:
0x0: {  	(tag) =	ssettag $0x1  }
0x1: {  	v0 =	vimm.s32 $0x0  }
0x2: {  	v1 =	vimm.s32 $0x1;
	v2 =	vimm.s32 $0x2;
	v3 =	vimm.s32 $0x3  }
0x3: {  	v4 =	vimm.s32 $0x4;
	s0 =	rddreg [dreg:$0x0];
	v10 =	vimm.s32 $0xBA98FEDC;
	v11 =	vimm.s32 $0x76543210  }
0x4: {  	s6 =	rddreg [dreg:$0x1];
	v12 =	vimm.s32 $0xFEDCBA98;
	v15 =	vimm.s32 $0xDCFE98BA;
	v13 =	vunpack.c.l.s4.s8 v10  }
0x5: {  	s1 =	rddreg [dreg:$0x2];
	v16 =	vimm.s32 $0x54761032;
	v17 =	vimm.s32 $0xEFCDAB89;
	v14 =	vunpack.c.l.s4.s8 v11  }
0x6: {  	s4 =	srdreg.scid;
	s2 =	stileid.u32;
	s3 =	simm.s32 $0x0;
	v11 =	vunpack.c.l.s4.s8 v12;
	v12 =	vunpack.c.0.s8.s32 v13;
	v13 =	vimm.s32 $0x32107654  }
0x7: {  	v5 =	vimm.s32 $0x5;
	v18 =	vimm.s32 $0x67452301;
	s13 =	simm.s32 $0x17200;
	s14 =	simm.s32 $0x10000;
	s15 =	simm.s32 $0x12000;
	v13 =	vunpack.c.l.s4.s8 v13  }
0x8: {  	s16 =	simm.s32 $0x1;
	s17 =	simm.s32 $0x0;
	s5 =	sand.u32 $0x1, s4;
	v15 =	vunpack.c.l.s4.s8 v15;
	v16 =	vunpack.c.l.s4.s8 v16;
	v17 =	vunpack.c.l.s4.s8 v17  }
0x9: {  	s31 =	sshll.u32 s2, $0x1;
	[smem:$0x7FF] =	sst s3;
	s4 =	sadd.s32 $0x101600, s6;
	v18 =	vunpack.c.l.s4.s8 v18;
	v19 =	vunpack.c.0.s8.s32 v11;
	v13 =	vunpack.c.0.s8.s32 v13  }
0xa: {  	s7 =	sor.u32 s5, s31;
	_ =	strace $0x80000047;
	s9 =	ssub.s32 $0x2, s5;
	v15 =	vunpack.c.0.s8.s32 v15;
	v16 =	vunpack.c.0.s8.s32 v16;
	v14 =	vunpack.c.0.s8.s32 v14  }
0xb: {  	s5 =	sadd.s32 $0x1800, s6;
	s8 =	sshll.u32 s7, $0x2;
	s10 =	sshll.u32 s7, $0xD;
	v20 =	vcombine.low v13, v12;
	v13 =	vunpack.c.0.s8.s32 v17;
	v17 =	vunpack.c.0.s8.s32 v18  }
0xc: {  	v8 =	vimm.f32 $0.0e+00;
	s11 =	sshrl.u32 s9, $0x1;
	s12 =	smul.u32 $0x6000, s7;
	s8 =	sadd.s32 s8, s6;
	v16 =	vcombine.low v16, v15;
	v15 =	vand.u32 $0xF, v19  }
0xd: {  	v11 =	vimm.s32 $0xD;
	s10 =	sadd.s32 s10, s6;
	s11 =	ssub.s32 s9, s11;
	s6 =	sshll.u32 s7, $0x5;
	v14 =	vcombine.low v15, v14;
	v17 =	vcombine.low v17, v13  }
0xe: {  	s7 =	sadd.s32 $0x1600, s8;
	s8 =	sadd.s32 s4, s12;
	s9 =	sadd.s32 $0x1A00, s10;
	v16 =	vand.u32 $0xF, v16;
	v12 =	vimm.s32 $0xE;
	v18 =	vimm.s32 $0x6  }
0xf: {  	s10 =	smax.u32 s11, $0x1;
	s11 =	simm.s32 $0x17180;
	s12 =	simm.s32 $0x2;
	v13 =	vimm.s32 $0xF;
	v15 =	vand.u32 $0xF, v20;
	v17 =	vand.u32 $0xF, v17  }
.LBB2_1:
0x10: {  	[tilespmem:s11], [sflag:$0x2] =	stream.linear.gather [hbm4b:s7+s3], $0x20, $0x38;
	[tilespmem:$0x17580] =	vst v63  }
0x11: {  	_ =	swait.ge [sflag:s12], $0x20  }
0x12: {  	[sflag:s12] =	ssyncset.done $0x0  }
0x13: {  	[sflag:s12] =	ssyncadd.s32 $0xFFFFFFE0  }
0x14: {  	[tilespmem:s13], [sflag:$0x2] =	stream.linear.gather [hbm4b:s5+s3], $0x380, $0x38;
	[tilespmem:$0x17580] =	vst v63  }
0x15: {  	_ =	swait.ge [sflag:s12], $0x380  }
0x16: {  	[sflag:s12] =	ssyncset.done $0x0  }
0x17: {  	[sflag:s12] =	ssyncadd.s32 $0xFFFFFC80  }
0x18: {  	v26 =	vld [tilespmem:$0x17180];
	_ =	sdelay $0x4  }
0x19: {  	v24 =	vperm.xlane v26, v0;
	v21 =	vperm.xlane v26, v1  }
0x1a: {  	v6 =	vimm.s32 $0x9;
	v23 =	vperm.xlane v26, v2;
	v19 =	vperm.xlane v26, v3  }
0x1b: {  	v20 =	vperm.xlane v26, v4;
	v25 =	vperm.xlane v26, v6;
	v6 =	vimm.s32 $0xA  }
0x1c: {  	s19 =	simm.s32 $0x40;
	s18 =	simm.s32 $0x0;
	v22 =	vperm.xlane v26, v5;
	v26 =	vperm.xlane v26, v6  }
.LBB2_2:
0x1d: {  	p0 =	sne.s32 s19, $0x3FFC0;
	[tilespmem:s18+$0x0] =	vst v8;
	s18 =	smov.u32 s19;
	s19 =	sadd.s32 $0x40, s19  }
.Ltmp0:
0x1e: {  	(pc) =	sbr.rel @p0 .LBB2_2-.Ltmp0, $2  }
0x1f: {  	_ =	sdelay $0x2  }
0x20: {  	s18 =	sshra.s32 s18, $0x2  }
0x21: {  	v27 =	vshrl.u32 v24, $0x10;
	v28 =	vshrl.u32 v23, $0x10  }
0x22: {  	v29 =	vshrl.u32 v19, $0x10;
	v62 =	vshrl.u32 v20, $0x10;
	v27 =	vand.u32 $0x1, v27  }
0x23: {  	v28 =	vand.u32 $0x1, v28;
	v24 =	vadd.s32 v27, v24;
	v27 =	vshrl.u32 v21, $0x10  }
0x24: {  	v63 =	vshrl.u32 v22, $0x10;
	v23 =	vadd.s32 v28, v23;
	v27 =	vand.u32 $0x1, v27  }
0x25: {  	v24 =	vadd.s32 $0x7FFF, v24;
	v21 =	vadd.s32 v27, v21;
	v27 =	vand.u32 $0x1, v29  }
0x26: {  	v27 =	vadd.s32 v27, v19;
	v19 =	vand.u32 $0xFFFF0000, v24;
	v24 =	vand.u32 $0x1, v62  }
0x27: {  	v23 =	vadd.s32 $0x7FFF, v23;
	v21 =	vadd.s32 $0x7FFF, v21;
	v24 =	vadd.s32 v24, v20  }
0x28: {  	[tilespmem:s18+$0x0] =	vst v8;
	s18 =	simm.s32 $0x0;
	v20 =	vand.u32 $0xFFFF0000, v21;
	v21 =	vand.u32 $0xFFFF0000, v23;
	v23 =	vand.u32 $0x1, v63  }
0x29: {  	v25 =	vsub.f32 $1.280000000e+02, v25;
	[tilespmem:s14], [sflag:$0x1] =	stream.linear.gather [hbm4b:s0+s18], $0x2000, $0x38;
	v24 =	vadd.s32 $0x7FFF, v24;
	v28 =	vadd.s32 v23, v22;
	[tilespmem:$0x17580] =	vst v63  }
0x2a: {  	v27 =	vadd.s32 $0x7FFF, v27;
	v23 =	vand.u32 $0xFFFF0000, v24;
	v24 =	vadd.s32 $0x7FFF, v28  }
0x2b: {  	v26 =	vsub.f32 $1.280000000e+02, v26;
	[tilespmem:s15], [sflag:$0x1] =	stream.linear.gather [hbm4b:s8+s18], $0x1800, $0x38;
	v22 =	vand.u32 $0xFFFF0000, v27;
	v24 =	vand.u32 $0xFFFF0000, v24;
	[tilespmem:$0x17580] =	vst v63  }
.LBB2_5:
0x2c: {  	_ =	swait.ge [sflag:s16], $0x2000  }
0x2d: {  	s19 =	smov.u32 s18;
	s30 =	sand.u32 $0x1, s18;
	s20 =	simm.s32 $0x3800  }
0x2e: {  	[sflag:s16] =	ssyncset.done $0x0;
	p0 =	seq.s32 s30, $0x1;
	s18 =	sadd.s32 $0x1, s19  }
0x2f: {  	[sflag:s16] =	ssyncadd.s32 $0xFFFFE000;
	s20 =	simm.s32 @!p0 $0x0;
	p0 =	seq.s32 s19, $0x1F  }
0x30: {  	_ =	swait.ge [sflag:s16], $0x1800;
	s19 =	sadd.s32 @!p0 s6, s18;
	s21 =	ssub.s32 @!p0 $0x13800, s20  }
0x31: {  	s22 =	sshll.u32 @!p0 s18, $0xA;
	s23 =	simm.s32 @!p0 $0x0;
	[sflag:s16] =	ssyncset.done $0x0  }
0x32: {  	s22 =	sadd.s32 @!p0 s0, s22;
	s19 =	smul.u32 @!p0 $0x300, s19;
	[sflag:s16] =	ssyncadd.s32 $0xFFFFE800  }
0x33: {  	[tilespmem:s21], [sflag:$0x1] =	stream.linear.gather @!p0 [hbm4b:s22+s23], $0x2000, $0x38;
	[tilespmem:$0x17580] =	vst v63  }
0x34: {  	s31 =	sor.u32 $0x10000, s20;
	s21 =	ssub.s32 @!p0 $0x15800, s20;
	s19 =	sadd.s32 @!p0 s4, s19  }
0x35: {  	[tilespmem:s21], [sflag:$0x1] =	stream.linear.gather @!p0 [hbm4b:s19+s23], $0x1800, $0x38;
	[tilespmem:$0x17580] =	vst v63  }
0x36: {  	[dreg:$0x3] =	wrdreg s31;
	s19 =	simm.s32 $0x0  }
.LBB2_6:
0x37: {  	s20 =	rddreg [dreg:$0x3];
	s21 =	sand.u32 $0x780, s19  }
0x38: {  	s22 =	sand.u32 $0x40, s19;
	s20 =	sadd.s32 s21, s20  }
0x39: {  	s23 =	sadd.s32 s22, s20;
	s21 =	sadd.s32 $0x2000, s20  }
0x3a: {  	v27 =	vld [tilespmem:s23+$0x0];
	s24 =	sadd.s32 s22, s21;
	s23 =	sadd.s32 $0x800, s20  }
0x3b: {  	v28 =	vld [tilespmem:s24+$0x0];
	s25 =	sadd.s32 s22, s23;
	s24 =	sadd.s32 $0x2800, s20  }
0x3c: {  	v29 =	vld [tilespmem:s25+$0x0];
	s26 =	sadd.s32 s22, s24;
	s25 =	sadd.s32 $0x1000, s20  }
0x3d: {  	v30 =	vld [tilespmem:s26+$0x0];
	s28 =	sadd.s32 s22, s25;
	s26 =	sadd.s32 $0x3000, s20  }
0x3e: {  	v31 =	vld [tilespmem:s28+$0x0];
	s30 =	sadd.s32 s22, s26  }
0x3f: {  	v32 =	vld [tilespmem:s30+$0x0];
	_ =	sdelay $0x1  }
0x40: {  	v27 =	vadd.f32 v28, v27  }
0x41: {  	v58 =	vadd.f32 v30, v29  }
0x42: {  	v27 =	vadd.f32 $-1.280000000e+02, v27  }
0x43: {  	v59 =	vadd.f32 v32, v31;
	v28 =	vadd.f32 $-1.280000000e+02, v58;
	_ =	sdelay $0x1  }
0x44: {  	v60 =	vshrl.u32 v27, $0x10;
	v61 =	vshrl.u32 v28, $0x10;
	v29 =	vadd.f32 $-1.280000000e+02, v59  }
0x45: {  	v30 =	vand.u32 $0x1, v60;
	v31 =	vand.u32 $0x1, v61  }
0x46: {  	v27 =	vadd.s32 v30, v27;
	v28 =	vadd.s32 v31, v28;
	v62 =	vshrl.u32 v29, $0x10  }
0x47: {  	v27 =	vadd.s32 $0x7FFF, v27;
	v28 =	vadd.s32 $0x7FFF, v28;
	v30 =	vand.u32 $0x1, v62  }
0x48: {  	v27 =	vand.u32 $0xFFFF0000, v27;
	v28 =	vand.u32 $0xFFFF0000, v28;
	v29 =	vadd.s32 v30, v29  }
0x49: {  	v63 =	vmul.f32 v27, v22;
	v29 =	vadd.s32 $0x7FFF, v29;
	v33 =	vmul.f32 v28, v23  }
0x4a: {  	v27 =	vmul.f32 v27, v19;
	v28 =	vmul.f32 v28, v20;
	v29 =	vand.u32 $0xFFFF0000, v29  }
0x4b: {  	v30 =	vadd.f32 v33, v63;
	v34 =	vmul.f32 v29, v24  }
0x4c: {  	v27 =	vadd.f32 v28, v27;
	v35 =	vmul.f32 v29, v21  }
0x4d: {  	v30 =	vadd.f32 v34, v30  }
0x4e: {  	v27 =	vadd.f32 v35, v27  }
0x4f: {  	v36 =	vadd.f32 v30, v26  }
0x50: {  	v27 =	vadd.f32 v27, v25  }
0x51: {  	v37 =	vtrunc.f32 v36  }
0x52: {  	v38 =	vtrunc.f32 v27;
	v28 =	vcvt.f32.s32 v37  }
0x53: {  	v30 =	vcvt.f32.s32 v38  }
0x54: {  	v39 =	vcvt.s32.f32 v28  }
0x55: {  	v33 =	vcvt.s32.f32 v30  }
0x56: {  	v40 =	vadd.f32 $-1.000000000e+00, v39  }
0x57: {  	vm0 =	vlt.f32 v36, v39;
	v41 =	vadd.f32 $-1.000000000e+00, v33;
	vm1 =	vlt.f32 v27, v33  }
0x58: {  	s28 =	sadd.s32 $0x1800, s20;
	v42 =	vsel vm1, $0xFFFFFFFF, v0;
	v44 =	vsel vm0, $0xFFFFFFFF, v0  }
0x59: {  	s29 =	sadd.s32 s22, s28;
	v31 =	vsel vm0, v40, v39;
	v32 =	vsel vm1, v41, v33;
	v30 =	vadd.s32 v30, v42  }
0x5a: {  	v34 =	vld [tilespmem:s29+$0x0];
	v28 =	vadd.s32 v28, v44;
	v29 =	vsub.f32 v36, v31;
	v27 =	vsub.f32 v27, v32  }
0x5b: {  	v46 =	vadd.s32 $0x100, v28;
	v47 =	vadd.s32 $0x101, v28;
	v35 =	vadd.s32 $0x100, v30  }
0x5c: {  	v36 =	vadd.s32 $0x101, v30;
	v28 =	vshll.u32 v28, $0x8;
	v38 =	vand.u32 $0xFF, v30  }
0x5d: {  	v30 =	vand.u32 $0x7F, v30;
	v37 =	vshll.u32 v47, $0x8;
	v39 =	vand.u32 $0xFF, v36  }
0x5e: {  	v40 =	vor.u32 v35, v46;
	v35 =	vor.u32 v35, v47;
	v33 =	vor.u32 v36, v46  }
0x5f: {  	v48 =	vor.u32 v38, v28;
	v43 =	vsub.f32 $1.000000000e+00, v29;
	v29 =	vmul.f32 v29, v34  }
0x60: {  	v32 =	vsub.f32 $1.000000000e+00, v27;
	vm8 =	vlt.u32 v40, $0x200;
	vm9 =	vlt.u32 v35, $0x200  }
0x61: {  	v49 =	vor.u32 v38, v37;
	v45 =	vmul.f32 v43, v34;
	v34 =	vor.u32 v36, v47  }
0x62: {  	v50 =	vor.u32 v39, v37;
	vm2 =	vlt.u32 v34, $0x200;
	v34 =	vand.u32 $0xFF80, v48  }
0x63: {  	v28 =	vor.u32 v28, v39;
	v35 =	vand.u32 $0xFF80, v49;
	v34 =	vor.u32 v30, v34  }
0x64: {  	v36 =	vand.u32 $0x7F, v36;
	v30 =	vor.u32 v30, v35;
	v35 =	vand.u32 $0xFF80, v50  }
0x65: {  	vm3 =	vlt.u32 v33, $0x200;
	v28 =	vand.u32 $0xFF80, v28;
	v51 =	vor.u32 v36, v35  }
0x66: {  	v28 =	vor.u32 v36, v28;
	v52 =	vmul.f32 v45, v32  }
0x67: {  	v32 =	vmul.f32 v32, v29  }
0x68: {  	v29 =	vmul.f32 v29, v27;
	[tilespmem:v34+s3+$0x0] =	vst.idx.add.f32.msk vm8, v52  }
0x69: {  	v27 =	vmul.f32 v45, v27;
	[tilespmem:v30+s3+$0x0] =	vst.idx.add.f32.msk vm9, v32  }
0x6a: {  	s29 =	sor.u32 $0x10, s22;
	[tilespmem:v51+s3+$0x0] =	vst.idx.add.f32.msk vm2, v29  }
0x6b: {  	s30 =	sadd.s32 s29, s20;
	[tilespmem:v28+s3+$0x0] =	vst.idx.add.f32.msk vm3, v27  }
0x6c: {  	s31 =	sadd.s32 s29, s21;
	v27 =	vld [tilespmem:s30+$0x0]  }
0x6d: {  	v28 =	vld [tilespmem:s31+$0x0];
	s31 =	sadd.s32 s29, s23  }
0x6e: {  	v29 =	vld [tilespmem:s31+$0x0];
	s31 =	sadd.s32 s29, s24  }
0x6f: {  	v30 =	vld [tilespmem:s31+$0x0];
	s31 =	sadd.s32 s29, s25  }
0x70: {  	v53 =	vld [tilespmem:s31+$0x0];
	s31 =	sadd.s32 s29, s26  }
0x71: {  	v32 =	vld [tilespmem:s31+$0x0];
	_ =	sdelay $0x1  }
0x72: {  	v27 =	vadd.f32 v28, v27  }
0x73: {  	v54 =	vadd.f32 v30, v29  }
0x74: {  	v27 =	vadd.f32 $-1.280000000e+02, v27  }
0x75: {  	v55 =	vadd.f32 v32, v53;
	v28 =	vadd.f32 $-1.280000000e+02, v54;
	_ =	sdelay $0x1  }
0x76: {  	v56 =	vshrl.u32 v27, $0x10;
	v57 =	vshrl.u32 v28, $0x10;
	v29 =	vadd.f32 $-1.280000000e+02, v55  }
0x77: {  	v30 =	vand.u32 $0x1, v56;
	v31 =	vand.u32 $0x1, v57  }
0x78: {  	v27 =	vadd.s32 v30, v27;
	v28 =	vadd.s32 v31, v28;
	v58 =	vshrl.u32 v29, $0x10  }
0x79: {  	v27 =	vadd.s32 $0x7FFF, v27;
	v28 =	vadd.s32 $0x7FFF, v28;
	v30 =	vand.u32 $0x1, v58  }
0x7a: {  	v27 =	vand.u32 $0xFFFF0000, v27;
	v28 =	vand.u32 $0xFFFF0000, v28;
	v29 =	vadd.s32 v30, v29  }
0x7b: {  	v59 =	vmul.f32 v27, v22;
	v29 =	vadd.s32 $0x7FFF, v29;
	v60 =	vmul.f32 v28, v23  }
0x7c: {  	v27 =	vmul.f32 v27, v19;
	v28 =	vmul.f32 v28, v20;
	v29 =	vand.u32 $0xFFFF0000, v29  }
0x7d: {  	v30 =	vadd.f32 v60, v59;
	v61 =	vmul.f32 v29, v24  }
0x7e: {  	v27 =	vadd.f32 v28, v27;
	v62 =	vmul.f32 v29, v21  }
0x7f: {  	v30 =	vadd.f32 v61, v30  }
0x80: {  	v27 =	vadd.f32 v62, v27  }
0x81: {  	v63 =	vadd.f32 v30, v26  }
0x82: {  	v27 =	vadd.f32 v27, v25  }
0x83: {  	v35 =	vtrunc.f32 v63  }
0x84: {  	v36 =	vtrunc.f32 v27;
	v28 =	vcvt.f32.s32 v35  }
0x85: {  	v30 =	vcvt.f32.s32 v36  }
0x86: {  	v37 =	vcvt.s32.f32 v28  }
0x87: {  	v39 =	vcvt.s32.f32 v30  }
0x88: {  	v38 =	vadd.f32 $-1.000000000e+00, v37  }
0x89: {  	vm10 =	vlt.f32 v63, v37;
	v40 =	vadd.f32 $-1.000000000e+00, v39;
	vm11 =	vlt.f32 v27, v39  }
0x8a: {  	v41 =	vsel vm11, $0xFFFFFFFF, v0;
	v43 =	vsel vm10, $0xFFFFFFFF, v0  }
0x8b: {  	v31 =	vsel vm10, v38, v37;
	v32 =	vsel vm11, v40, v39;
	v30 =	vadd.s32 v30, v41  }
0x8c: {  	s29 =	sadd.s32 s29, s28;
	v28 =	vadd.s32 v28, v43;
	v29 =	vsub.f32 v63, v31;
	v27 =	vsub.f32 v27, v32  }
0x8d: {  	v34 =	vld [tilespmem:s29+$0x0];
	v45 =	vadd.s32 $0x100, v28;
	v46 =	vadd.s32 $0x101, v28;
	v47 =	vadd.s32 $0x100, v30  }
0x8e: {  	v48 =	vadd.s32 $0x101, v30;
	v28 =	vshll.u32 v28, $0x8;
	v50 =	vand.u32 $0xFF, v30  }
0x8f: {  	v30 =	vand.u32 $0x7F, v30;
	v49 =	vshll.u32 v46, $0x8;
	v51 =	vand.u32 $0xFF, v48  }
0x90: {  	v52 =	vor.u32 v47, v45;
	v35 =	vor.u32 v47, v46;
	v33 =	vor.u32 v48, v45  }
0x91: {  	v53 =	vor.u32 v50, v28;
	v36 =	vand.u32 $0x7F, v48;
	v42 =	vsub.f32 $1.000000000e+00, v29  }
0x92: {  	v29 =	vmul.f32 v29, v34;
	v32 =	vsub.f32 $1.000000000e+00, v27;
	vm12 =	vlt.u32 v52, $0x200  }
0x93: {  	vm13 =	vlt.u32 v35, $0x200;
	v44 =	vmul.f32 v42, v34;
	v34 =	vor.u32 v48, v46  }
0x94: {  	v54 =	vor.u32 v50, v49;
	vm14 =	vlt.u32 v34, $0x200;
	v34 =	vand.u32 $0xFF80, v53  }
0x95: {  	v55 =	vor.u32 v51, v49;
	v35 =	vand.u32 $0xFF80, v54;
	v34 =	vor.u32 v30, v34  }
0x96: {  	v28 =	vor.u32 v28, v51;
	v30 =	vor.u32 v30, v35;
	v35 =	vand.u32 $0xFF80, v55  }
0x97: {  	vm15 =	vlt.u32 v33, $0x200;
	v28 =	vand.u32 $0xFF80, v28;
	v56 =	vor.u32 v36, v35  }
0x98: {  	v28 =	vor.u32 v36, v28;
	v57 =	vmul.f32 v44, v32  }
0x99: {  	v32 =	vmul.f32 v32, v29  }
0x9a: {  	v29 =	vmul.f32 v29, v27;
	[tilespmem:v34+s3+$0x0] =	vst.idx.add.f32.msk vm12, v57  }
0x9b: {  	v27 =	vmul.f32 v44, v27;
	[tilespmem:v30+s3+$0x0] =	vst.idx.add.f32.msk vm13, v32  }
0x9c: {  	s29 =	sor.u32 $0x20, s22;
	[tilespmem:v56+s3+$0x0] =	vst.idx.add.f32.msk vm14, v29  }
0x9d: {  	s31 =	sadd.s32 s29, s20;
	[tilespmem:v28+s3+$0x0] =	vst.idx.add.f32.msk vm15, v27  }
0x9e: {  	v27 =	vld [tilespmem:s31+$0x0];
	s31 =	sadd.s32 s29, s21  }
0x9f: {  	v28 =	vld [tilespmem:s31+$0x0];
	s31 =	sadd.s32 s29, s23  }
0xa0: {  	v29 =	vld [tilespmem:s31+$0x0];
	s31 =	sadd.s32 s29, s24  }
0xa1: {  	v30 =	vld [tilespmem:s31+$0x0];
	s31 =	sadd.s32 s29, s25  }
0xa2: {  	v58 =	vld [tilespmem:s31+$0x0];
	s31 =	sadd.s32 s29, s26  }
0xa3: {  	v32 =	vld [tilespmem:s31+$0x0];
	_ =	sdelay $0x1  }
0xa4: {  	v27 =	vadd.f32 v28, v27  }
0xa5: {  	v59 =	vadd.f32 v30, v29  }
0xa6: {  	v27 =	vadd.f32 $-1.280000000e+02, v27  }
0xa7: {  	v60 =	vadd.f32 v32, v58;
	v28 =	vadd.f32 $-1.280000000e+02, v59;
	_ =	sdelay $0x1  }
0xa8: {  	v61 =	vshrl.u32 v27, $0x10;
	v62 =	vshrl.u32 v28, $0x10;
	v29 =	vadd.f32 $-1.280000000e+02, v60  }
0xa9: {  	v30 =	vand.u32 $0x1, v61;
	v31 =	vand.u32 $0x1, v62  }
0xaa: {  	v27 =	vadd.s32 v30, v27;
	v28 =	vadd.s32 v31, v28;
	v63 =	vshrl.u32 v29, $0x10  }
0xab: {  	v27 =	vadd.s32 $0x7FFF, v27;
	v28 =	vadd.s32 $0x7FFF, v28;
	v30 =	vand.u32 $0x1, v63  }
0xac: {  	v27 =	vand.u32 $0xFFFF0000, v27;
	v28 =	vand.u32 $0xFFFF0000, v28;
	v29 =	vadd.s32 v30, v29  }
0xad: {  	v33 =	vmul.f32 v27, v22;
	v29 =	vadd.s32 $0x7FFF, v29;
	v34 =	vmul.f32 v28, v23  }
0xae: {  	v27 =	vmul.f32 v27, v19;
	v28 =	vmul.f32 v28, v20;
	v29 =	vand.u32 $0xFFFF0000, v29  }
0xaf: {  	v30 =	vadd.f32 v34, v33;
	v35 =	vmul.f32 v29, v24  }
0xb0: {  	v27 =	vadd.f32 v28, v27;
	v36 =	vmul.f32 v29, v21  }
0xb1: {  	v30 =	vadd.f32 v35, v30  }
0xb2: {  	v27 =	vadd.f32 v36, v27  }
0xb3: {  	v37 =	vadd.f32 v30, v26  }
0xb4: {  	v27 =	vadd.f32 v27, v25  }
0xb5: {  	v38 =	vtrunc.f32 v37  }
0xb6: {  	v39 =	vtrunc.f32 v27;
	v28 =	vcvt.f32.s32 v38  }
0xb7: {  	v30 =	vcvt.f32.s32 v39  }
0xb8: {  	v40 =	vcvt.s32.f32 v28  }
0xb9: {  	v42 =	vcvt.s32.f32 v30  }
0xba: {  	v41 =	vadd.f32 $-1.000000000e+00, v40  }
0xbb: {  	vm4 =	vlt.f32 v37, v40;
	v43 =	vadd.f32 $-1.000000000e+00, v42;
	vm5 =	vlt.f32 v27, v42  }
0xbc: {  	v44 =	vsel vm5, $0xFFFFFFFF, v0;
	v46 =	vsel vm4, $0xFFFFFFFF, v0  }
0xbd: {  	v31 =	vsel vm4, v41, v40;
	v32 =	vsel vm5, v43, v42;
	v30 =	vadd.s32 v30, v44  }
0xbe: {  	s29 =	sadd.s32 s29, s28;
	v28 =	vadd.s32 v28, v46;
	v29 =	vsub.f32 v37, v31;
	v27 =	vsub.f32 v27, v32  }
0xbf: {  	v34 =	vld [tilespmem:s29+$0x0];
	v48 =	vadd.s32 $0x100, v28;
	v49 =	vadd.s32 $0x101, v28;
	v50 =	vadd.s32 $0x100, v30  }
0xc0: {  	v51 =	vadd.s32 $0x101, v30;
	v28 =	vshll.u32 v28, $0x8;
	v53 =	vand.u32 $0xFF, v30  }
0xc1: {  	v30 =	vand.u32 $0x7F, v30;
	v52 =	vshll.u32 v49, $0x8;
	v54 =	vand.u32 $0xFF, v51  }
0xc2: {  	v55 =	vor.u32 v50, v48;
	v35 =	vor.u32 v50, v49;
	v33 =	vor.u32 v51, v48  }
0xc3: {  	v56 =	vor.u32 v53, v28;
	v36 =	vand.u32 $0x7F, v51;
	v45 =	vsub.f32 $1.000000000e+00, v29  }
0xc4: {  	v29 =	vmul.f32 v29, v34;
	v32 =	vsub.f32 $1.000000000e+00, v27;
	vm6 =	vlt.u32 v55, $0x200  }
0xc5: {  	vm7 =	vlt.u32 v35, $0x200;
	v47 =	vmul.f32 v45, v34;
	v34 =	vor.u32 v51, v49  }
0xc6: {  	v57 =	vor.u32 v53, v52;
	vm8 =	vlt.u32 v34, $0x200;
	v34 =	vand.u32 $0xFF80, v56  }
0xc7: {  	v58 =	vor.u32 v54, v52;
	v35 =	vand.u32 $0xFF80, v57;
	v34 =	vor.u32 v30, v34  }
0xc8: {  	v28 =	vor.u32 v28, v54;
	v30 =	vor.u32 v30, v35;
	v35 =	vand.u32 $0xFF80, v58  }
0xc9: {  	vm9 =	vlt.u32 v33, $0x200;
	v28 =	vand.u32 $0xFF80, v28;
	v59 =	vor.u32 v36, v35  }
0xca: {  	v28 =	vor.u32 v36, v28;
	v60 =	vmul.f32 v47, v32  }
0xcb: {  	v32 =	vmul.f32 v32, v29  }
0xcc: {  	v29 =	vmul.f32 v29, v27;
	[tilespmem:v34+s3+$0x0] =	vst.idx.add.f32.msk vm6, v60  }
0xcd: {  	v27 =	vmul.f32 v47, v27;
	[tilespmem:v30+s3+$0x0] =	vst.idx.add.f32.msk vm7, v32  }
0xce: {  	s22 =	sor.u32 $0x30, s22;
	[tilespmem:v59+s3+$0x0] =	vst.idx.add.f32.msk vm8, v29  }
0xcf: {  	s20 =	sadd.s32 s22, s20;
	[tilespmem:v28+s3+$0x0] =	vst.idx.add.f32.msk vm9, v27  }
0xd0: {  	s21 =	sadd.s32 s22, s21;
	v27 =	vld [tilespmem:s20+$0x0]  }
0xd1: {  	s23 =	sadd.s32 s22, s23;
	v28 =	vld [tilespmem:s21+$0x0]  }
0xd2: {  	s24 =	sadd.s32 s22, s24;
	v29 =	vld [tilespmem:s23+$0x0]  }
0xd3: {  	s29 =	sadd.s32 s22, s25;
	v30 =	vld [tilespmem:s24+$0x0]  }
0xd4: {  	s30 =	sadd.s32 s22, s26;
	v61 =	vld [tilespmem:s29+$0x0]  }
0xd5: {  	v32 =	vld [tilespmem:s30+$0x0];
	_ =	sdelay $0x3  }
0xd6: {  	v27 =	vadd.f32 v28, v27;
	v62 =	vadd.f32 v30, v29  }
0xd7: {  	v63 =	vadd.f32 v32, v61  }
0xd8: {  	v27 =	vadd.f32 $-1.280000000e+02, v27;
	v28 =	vadd.f32 $-1.280000000e+02, v62;
	_ =	sdelay $0x1  }
0xd9: {  	v29 =	vadd.f32 $-1.280000000e+02, v63;
	v33 =	vshrl.u32 v27, $0x10;
	v34 =	vshrl.u32 v28, $0x10  }
0xda: {  	v30 =	vand.u32 $0x1, v33;
	v31 =	vand.u32 $0x1, v34  }
0xdb: {  	v35 =	vshrl.u32 v29, $0x10;
	v27 =	vadd.s32 v30, v27;
	v28 =	vadd.s32 v31, v28  }
0xdc: {  	v30 =	vand.u32 $0x1, v35;
	v27 =	vadd.s32 $0x7FFF, v27;
	v28 =	vadd.s32 $0x7FFF, v28  }
0xdd: {  	v29 =	vadd.s32 v30, v29;
	v27 =	vand.u32 $0xFFFF0000, v27;
	v28 =	vand.u32 $0xFFFF0000, v28  }
0xde: {  	v29 =	vadd.s32 $0x7FFF, v29;
	v36 =	vmul.f32 v27, v22;
	v37 =	vmul.f32 v28, v23  }
0xdf: {  	v29 =	vand.u32 $0xFFFF0000, v29;
	v27 =	vmul.f32 v27, v19;
	v28 =	vmul.f32 v28, v20  }
0xe0: {  	v38 =	vmul.f32 v29, v24;
	v30 =	vadd.f32 v37, v36  }
0xe1: {  	v39 =	vmul.f32 v29, v21;
	v27 =	vadd.f32 v28, v27  }
0xe2: {  	v30 =	vadd.f32 v38, v30  }
0xe3: {  	v27 =	vadd.f32 v39, v27  }
0xe4: {  	v40 =	vadd.f32 v30, v26  }
0xe5: {  	v27 =	vadd.f32 v27, v25  }
0xe6: {  	v41 =	vtrunc.f32 v40  }
0xe7: {  	v42 =	vtrunc.f32 v27;
	v28 =	vcvt.f32.s32 v41  }
0xe8: {  	v30 =	vcvt.f32.s32 v42  }
0xe9: {  	v43 =	vcvt.s32.f32 v28  }
0xea: {  	v45 =	vcvt.s32.f32 v30  }
0xeb: {  	v44 =	vadd.f32 $-1.000000000e+00, v43  }
0xec: {  	vm10 =	vlt.f32 v40, v43;
	v46 =	vadd.f32 $-1.000000000e+00, v45;
	vm11 =	vlt.f32 v27, v45  }
0xed: {  	v47 =	vsel vm11, $0xFFFFFFFF, v0;
	v49 =	vsel vm10, $0xFFFFFFFF, v0  }
0xee: {  	v31 =	vsel vm10, v44, v43;
	v32 =	vsel vm11, v46, v45;
	v30 =	vadd.s32 v30, v47  }
0xef: {  	s31 =	sadd.s32 s22, s28;
	v28 =	vadd.s32 v28, v49;
	v29 =	vsub.f32 v40, v31;
	v27 =	vsub.f32 v27, v32  }
0xf0: {  	v34 =	vld [tilespmem:s31+$0x0];
	v51 =	vadd.s32 $0x100, v28;
	v52 =	vadd.s32 $0x101, v28;
	v53 =	vadd.s32 $0x100, v30  }
0xf1: {  	v54 =	vadd.s32 $0x101, v30;
	v28 =	vshll.u32 v28, $0x8;
	v56 =	vand.u32 $0xFF, v30  }
0xf2: {  	v30 =	vand.u32 $0x7F, v30;
	v55 =	vshll.u32 v52, $0x8;
	v57 =	vand.u32 $0xFF, v54  }
0xf3: {  	v58 =	vor.u32 v53, v51;
	v35 =	vor.u32 v53, v52;
	v33 =	vor.u32 v54, v51  }
0xf4: {  	v59 =	vor.u32 v56, v28;
	v36 =	vand.u32 $0x7F, v54;
	v48 =	vsub.f32 $1.000000000e+00, v29  }
0xf5: {  	v29 =	vmul.f32 v29, v34;
	v32 =	vsub.f32 $1.000000000e+00, v27;
	vm12 =	vlt.u32 v58, $0x200  }
0xf6: {  	vm13 =	vlt.u32 v35, $0x200;
	v50 =	vmul.f32 v48, v34;
	v34 =	vor.u32 v54, v52  }
0xf7: {  	v60 =	vor.u32 v56, v55;
	vm14 =	vlt.u32 v34, $0x200;
	v34 =	vand.u32 $0xFF80, v59  }
0xf8: {  	v61 =	vor.u32 v57, v55;
	v35 =	vand.u32 $0xFF80, v60;
	v34 =	vor.u32 v30, v34  }
0xf9: {  	v28 =	vor.u32 v28, v57;
	v30 =	vor.u32 v30, v35;
	v35 =	vand.u32 $0xFF80, v61  }
0xfa: {  	vm15 =	vlt.u32 v33, $0x200;
	v28 =	vand.u32 $0xFF80, v28;
	v62 =	vor.u32 v36, v35  }
0xfb: {  	p0 =	seq.s32 s19, $0x7C0;
	v28 =	vor.u32 v36, v28;
	v63 =	vmul.f32 v50, v32  }
.Ltmp1:
0xfc: {  	v32 =	vmul.f32 v32, v29;
	(pc) =	sbr.rel @!p0 .LBB2_6-.Ltmp1, $4  }
0xfd: {  	v29 =	vmul.f32 v29, v27;
	[tilespmem:v34+s3+$0x0] =	vst.idx.add.f32.msk vm12, v63  }
0xfe: {  	v27 =	vmul.f32 v50, v27;
	[tilespmem:v30+s3+$0x0] =	vst.idx.add.f32.msk vm13, v32  }
0xff: {  	[tilespmem:v62+s3+$0x0] =	vst.idx.add.f32.msk vm14, v29  }
0x100: {  	s19 =	sadd.s32 $0x40, s19;
	[tilespmem:v28+s3+$0x0] =	vst.idx.add.f32.msk vm15, v27  }
0x101: {  	p0 =	seq.s32 s18, $0x20  }
.Ltmp2:
0x102: {  	_ = 	snop;
	(pc) =	sbr.rel @!p0 .LBB2_5-.Ltmp2, $1  }
0x103: {  	_ =	sdelay $0x3  }
0x104: {  	v43 =	vld [tilespmem:$0x0]  }
0x105: {  	v39 =	vld [tilespmem:$0x10]  }
0x106: {  	v41 =	vld [tilespmem:$0x20]  }
0x107: {  	v40 =	vld [tilespmem:$0x30]  }
0x108: {  	v38 =	vld [tilespmem:$0x40]  }
0x109: {  	v37 =	vld [tilespmem:$0x50]  }
0x10a: {  	v35 =	vld [tilespmem:$0x60]  }
0x10b: {  	v33 =	vld [tilespmem:$0x70]  }
0x10c: {  	v32 =	vld [tilespmem:$0x80]  }
0x10d: {  	v30 =	vld [tilespmem:$0x90]  }
0x10e: {  	v6 =	vld [tilespmem:$0xA0];
	v19 =	vimm.f32 $0.0e+00  }
0x10f: {  	v7 =	vld [tilespmem:$0xB0];
	v20 =	vimm.f32 $0.0e+00;
	v21 =	vimm.f32 $0.0e+00;
	v10 =	vimm.f32 $0.0e+00  }
0x110: {  	v24 =	vld [tilespmem:$0xC0];
	v25 =	vimm.f32 $0.0e+00;
	v29 =	vimm.f32 $0.0e+00;
	v34 =	vimm.f32 $0.0e+00  }
0x111: {  	v23 =	vld [tilespmem:$0xD0];
	v36 =	vimm.f32 $0.0e+00;
	v42 =	vimm.f32 $0.0e+00;
	v44 =	vimm.f32 $0.0e+00  }
0x112: {  	v28 =	vld [tilespmem:$0xE0];
	v45 =	vimm.f32 $0.0e+00;
	v46 =	vimm.f32 $0.0e+00;
	v47 =	vimm.f32 $0.0e+00  }
0x113: {  	s18 =	simm.s32 $0x0;
	v27 =	vld [tilespmem:$0xF0];
	v48 =	vimm.f32 $0.0e+00;
	v49 =	vimm.f32 $0.0e+00;
	v50 =	vimm.f32 $0.0e+00  }
.LBB2_8:
0x114: {  	v51 =	vmov v50;
	v50 =	vmov v43;
	s19 =	sshra.s32 s18, $0x2  }
0x115: {  	v52 =	vmovc v49;
	v49 =	vmov v39;
	v43 =	vld [tilespmem:s19+$0x100];
	v51 =	vmul.f32 $2.740686240e-01, v51;
	v55 =	vmul.f32 $4.518627520e-01, v50  }
0x116: {  	v53 =	vmovc v48;
	v54 =	vmov v47;
	v39 =	vld [tilespmem:s19+$0x110];
	v52 =	vmul.f32 $2.740686240e-01, v52;
	v59 =	vmul.f32 $4.518627520e-01, v49  }
0x117: {  	v48 =	vmovc v41;
	v62 =	vmovc v42;
	v31 =	vmov v29;
	v41 =	vld [tilespmem:s19+$0x120];
	v53 =	vmul.f32 $2.740686240e-01, v53;
	v54 =	vmul.f32 $2.740686240e-01, v54  }
0x118: {  	v47 =	vmovc v40;
	v26 =	vmov v25;
	v40 =	vld [tilespmem:s19+$0x130];
	v62 =	vmul.f32 $2.740686240e-01, v62;
	v31 =	vmul.f32 $2.740686240e-01, v31  }
0x119: {  	v22 =	vmovc v10;
	v26 =	vmul.f32 $2.740686240e-01, v26;
	v51 =	vadd.f32 v55, v51;
	v55 =	vmul.f32 $4.518627520e-01, v48  }
0x11a: {  	v56 =	vmovc v46;
	v46 =	vmovc v38;
	v38 =	vld [tilespmem:s19+$0x140];
	v22 =	vmul.f32 $2.740686240e-01, v22;
	v52 =	vadd.f32 v59, v52;
	v59 =	vmul.f32 $4.518627520e-01, v47  }
0x11b: {  	v58 =	vmovc v45;
	v45 =	vmovc v37;
	v37 =	vld [tilespmem:s19+$0x150];
	v53 =	vadd.f32 v55, v53;
	v55 =	vmul.f32 $2.740686240e-01, v56;
	v60 =	vmul.f32 $2.740686240e-01, v39  }
0x11c: {  	v54 =	vadd.f32 v59, v54;
	v56 =	vmul.f32 $4.518627520e-01, v46;
	v57 =	vmul.f32 $2.740686240e-01, v43  }
0x11d: {  	v63 =	vmul.f32 $2.740686240e-01, v41;
	v52 =	vadd.f32 v60, v52;
	v60 =	vmul.f32 $2.740686240e-01, v40  }
0x11e: {  	v61 =	vmovc v44;
	v44 =	vmovc v35;
	v35 =	vld [tilespmem:s19+$0x160];
	v51 =	vadd.f32 v57, v51;
	v57 =	vmul.f32 $2.740686240e-01, v58;
	v58 =	vmul.f32 $4.518627520e-01, v45  }
0x11f: {  	v59 =	vmovc v36;
	v55 =	vadd.f32 v56, v55;
	v56 =	vmul.f32 $2.740686240e-01, v38;
	v53 =	vadd.f32 v63, v53  }
0x120: {  	v36 =	vmovc v32;
	v32 =	vld [tilespmem:s19+$0x180];
	v63 =	vmul.f32 $2.740686240e-01, v37;
	v59 =	vmul.f32 $2.740686240e-01, v59;
	v57 =	vadd.f32 v58, v57  }
0x121: {  	v42 =	vmovc v33;
	v33 =	vld [tilespmem:s19+$0x170];
	v55 =	vadd.f32 v56, v55;
	v58 =	vmul.f32 $2.740686240e-01, v61;
	v61 =	vmul.f32 $4.518627520e-01, v44  }
0x122: {  	v54 =	vadd.f32 v60, v54;
	v60 =	vmovc v34;
	v34 =	vmovc v30;
	v30 =	vld [tilespmem:s19+$0x190];
	v57 =	vadd.f32 v63, v57;
	v63 =	vmul.f32 $4.518627520e-01, v42  }
0x123: {  	v10 =	vmovc v24;
	v24 =	vld [tilespmem:s19+$0x1C0];
	v56 =	vmul.f32 $2.740686240e-01, v35;
	v58 =	vadd.f32 v61, v58;
	v61 =	vmul.f32 $4.518627520e-01, v36  }
0x124: {  	v29 =	vmovc v6;
	v6 =	vld [tilespmem:s19+$0x1A0];
	[tilespmem:s19+$0x0] =	vst v51;
	v60 =	vmul.f32 $2.740686240e-01, v60;
	v62 =	vadd.f32 v63, v62;
	v63 =	vmul.f32 $4.518627520e-01, v34  }
0x125: {  	v25 =	vmovc v7;
	v7 =	vld [tilespmem:s19+$0x1B0];
	[tilespmem:s19+$0x10] =	vst v52;
	v51 =	vadd.f32 v56, v58;
	v58 =	vadd.f32 v61, v59;
	v59 =	vmul.f32 $2.740686240e-01, v32  }
0x126: {  	v9 =	vmul.f32 $2.740686240e-01, v33;
	[tilespmem:s19+$0x20] =	vst v53;
	v61 =	vmul.f32 $4.518627520e-01, v10;
	v52 =	vadd.f32 v63, v60  }
0x127: {  	[tilespmem:s19+$0x40] =	vst v55;
	v53 =	vadd.f32 v59, v58;
	v58 =	vmul.f32 $4.518627520e-01, v29;
	v60 =	vmul.f32 $2.740686240e-01, v30  }
0x128: {  	v56 =	vmovc v21;
	v21 =	vmovc v23;
	v23 =	vld [tilespmem:s19+$0x1D0];
	v59 =	vmul.f32 $4.518627520e-01, v25;
	[tilespmem:s19+$0x60] =	vst v51;
	v51 =	vmul.f32 $2.740686240e-01, v24;
	v22 =	vadd.f32 v61, v22  }
0x129: {  	[tilespmem:s19+$0x30] =	vst v54;
	v54 =	vmovc v20;
	v9 =	vadd.f32 v9, v62;
	v62 =	vmul.f32 $2.740686240e-01, v6;
	v31 =	vadd.f32 v58, v31  }
0x12a: {  	v20 =	vmovc v28;
	[tilespmem:s19+$0x50] =	vst v57;
	v28 =	vld [tilespmem:s19+$0x1E0];
	v63 =	vmul.f32 $2.740686240e-01, v7;
	v26 =	vadd.f32 v59, v26;
	v22 =	vadd.f32 v51, v22  }
0x12b: {  	v58 =	vmul.f32 $2.740686240e-01, v54;
	v52 =	vadd.f32 v60, v52;
	v31 =	vadd.f32 v62, v31;
	v60 =	vmovc v19;
	v19 =	vmovc v27;
	v27 =	vld [tilespmem:s19+$0x1F0]  }
0x12c: {  	[tilespmem:s19+$0x70] =	vst v9;
	v62 =	vmul.f32 $2.740686240e-01, v56;
	v9 =	vadd.f32 v63, v26;
	v26 =	vmul.f32 $4.518627520e-01, v21  }
0x12d: {  	[tilespmem:s19+$0x80] =	vst v53;
	v59 =	vmul.f32 $4.518627520e-01, v20;
	v63 =	vmul.f32 $2.740686240e-01, v23  }
0x12e: {  	[tilespmem:s19+$0xC0] =	vst v22;
	v26 =	vadd.f32 v26, v62;
	v60 =	vmul.f32 $2.740686240e-01, v60;
	v61 =	vmul.f32 $4.518627520e-01, v19  }
0x12f: {  	p0 =	sne.s32 s18, $0x3F800;
	[tilespmem:s19+$0xA0] =	vst v31;
	v31 =	vadd.f32 v59, v58;
	v62 =	vmul.f32 $2.740686240e-01, v28  }
.Ltmp3:
0x130: {  	[tilespmem:s19+$0xB0] =	vst v9;
	v9 =	vadd.f32 v63, v26;
	v26 =	vadd.f32 v61, v60;
	v63 =	vmul.f32 $2.740686240e-01, v27;
	(pc) =	sbr.rel @p0 .LBB2_8-.Ltmp3, $4  }
0x131: {  	[tilespmem:s19+$0x90] =	vst v52;
	v22 =	vadd.f32 v62, v31  }
0x132: {  	[tilespmem:s19+$0xD0] =	vst v9;
	v9 =	vadd.f32 v63, v26  }
0x133: {  	[tilespmem:s19+$0xE0] =	vst v22  }
0x134: {  	s18 =	sadd.s32 $0x400, s18;
	[tilespmem:s19+$0xF0] =	vst v9  }
0x135: {  	v9 =	vmul.f32 $2.740686240e-01, v50;
	v22 =	vmul.f32 $4.518627520e-01, v43  }
0x136: {  	v26 =	vmul.f32 $2.740686240e-01, v49;
	v31 =	vmul.f32 $4.518627520e-01, v39  }
0x137: {  	v62 =	vmul.f32 $4.518627520e-01, v41;
	[tilespmem:$0x17000] =	vst v8;
	v9 =	vadd.f32 v22, v9;
	v22 =	vmul.f32 $2.740686240e-01, v48  }
0x138: {  	v63 =	vmul.f32 $2.740686240e-01, v47;
	v40 =	vmul.f32 $4.518627520e-01, v40;
	[tilespmem:$0x17110] =	vst v8;
	v26 =	vadd.f32 v31, v26  }
0x139: {  	v38 =	vmul.f32 $4.518627520e-01, v38;
	[tilespmem:$0xFF00] =	vst v9;
	v9 =	vadd.f32 v62, v22;
	v22 =	vmul.f32 $2.740686240e-01, v46  }
0x13a: {  	v50 =	vmul.f32 $2.740686240e-01, v34;
	v30 =	vmul.f32 $4.518627520e-01, v30;
	v43 =	vadd.f32 v40, v63;
	[tilespmem:$0xFF10] =	vst v26  }
0x13b: {  	v35 =	vmul.f32 $4.518627520e-01, v35;
	[tilespmem:$0xFF20] =	vst v9;
	v9 =	vadd.f32 v38, v22;
	v22 =	vmul.f32 $2.740686240e-01, v44  }
0x13c: {  	v25 =	vmul.f32 $2.740686240e-01, v25;
	v7 =	vmul.f32 $4.518627520e-01, v7;
	v51 =	vadd.f32 v30, v50;
	[tilespmem:$0xFF30] =	vst v43  }
0x13d: {  	v32 =	vmul.f32 $4.518627520e-01, v32;
	[tilespmem:$0xFF40] =	vst v9;
	v9 =	vadd.f32 v35, v22;
	v22 =	vmul.f32 $2.740686240e-01, v36  }
0x13e: {  	v33 =	vmul.f32 $4.518627520e-01, v33;
	v48 =	vmul.f32 $2.740686240e-01, v42;
	v7 =	vadd.f32 v7, v25;
	[tilespmem:$0xFF90] =	vst v51  }
0x13f: {  	v6 =	vmul.f32 $4.518627520e-01, v6;
	[tilespmem:$0xFF60] =	vst v9;
	v9 =	vadd.f32 v32, v22;
	v22 =	vmul.f32 $2.740686240e-01, v29  }
0x140: {  	v37 =	vmul.f32 $4.518627520e-01, v37;
	v46 =	vmul.f32 $2.740686240e-01, v45;
	v49 =	vadd.f32 v33, v48;
	[tilespmem:$0xFFB0] =	vst v7  }
0x141: {  	[tilespmem:$0xFF80] =	vst v9;
	v6 =	vadd.f32 v6, v22;
	v9 =	vmul.f32 $2.740686240e-01, v10;
	v10 =	vmul.f32 $4.518627520e-01, v24  }
0x142: {  	v21 =	vmul.f32 $2.740686240e-01, v21;
	v47 =	vadd.f32 v37, v46;
	[tilespmem:$0xFF70] =	vst v49;
	v22 =	vmul.f32 $4.518627520e-01, v23  }
0x143: {  	[tilespmem:$0xFFA0] =	vst v6;
	v6 =	vadd.f32 v10, v9;
	v9 =	vmul.f32 $2.740686240e-01, v20;
	v10 =	vmul.f32 $4.518627520e-01, v28  }
0x144: {  	v19 =	vmul.f32 $2.740686240e-01, v19;
	[tilespmem:$0xFF50] =	vst v47;
	v7 =	vadd.f32 v22, v21;
	v20 =	vmul.f32 $4.518627520e-01, v27  }
0x145: {  	[tilespmem:$0xFFC0] =	vst v6;
	v6 =	vadd.f32 v10, v9  }
0x146: {  	[tilespmem:$0xFFD0] =	vst v7;
	v7 =	vadd.f32 v20, v19  }
0x147: {  	v52 =	vld [tilespmem:$0x172C0];
	[tilespmem:$0xFFE0] =	vst v6  }
0x148: {  	s18 =	simm.s32 $0x0;
	v53 =	vld [tilespmem:$0x17300];
	[tilespmem:$0xFFF0] =	vst v7  }
0x149: {  	v27 =	vld [tilespmem:s18+$0x0]  }
0x14a: {  	v54 =	vld [tilespmem:$0x17340]  }
0x14b: {  	v57 =	vld [tilespmem:$0x17490]  }
0x14c: {  	v58 =	vld [tilespmem:$0x17210]  }
0x14d: {  	v59 =	vld [tilespmem:$0x17250]  }
0x14e: {  	v60 =	vld [tilespmem:$0x17290];
	[tilespmem:$0x17010] =	vst v27  }
0x14f: {  	v25 =	vld [tilespmem:s18+$0x10]  }
0x150: {  	v61 =	vld [tilespmem:$0x172D0]  }
0x151: {  	v41 =	vld [tilespmem:$0x17350]  }
0x152: {  	v30 =	vld [tilespmem:$0x17380]  }
0x153: {  	v31 =	vld [tilespmem:$0x173C0]  }
0x154: {  	v42 =	vld [tilespmem:$0x17390];
	[tilespmem:$0x17020] =	vst v25  }
0x155: {  	v24 =	vld [tilespmem:s18+$0x20]  }
0x156: {  	v63 =	vld [tilespmem:$0x17220]  }
0x157: {  	v50 =	vld [tilespmem:$0x172A0]  }
0x158: {  	v33 =	vld [tilespmem:$0x17440]  }
0x159: {  	v62 =	vld [tilespmem:$0x17310]  }
0x15a: {  	v6 =	vld [tilespmem:$0x17180];
	[tilespmem:$0x17030] =	vst v24  }
0x15b: {  	v22 =	vld [tilespmem:s18+$0x30]  }
0x15c: {  	v48 =	vld [tilespmem:$0x17370]  }
0x15d: {  	v44 =	vld [tilespmem:$0x173D0]  }
0x15e: {  	v9 =	vld [tilespmem:$0x17200]  }
0x15f: {  	v23 =	vimm.s32 $0xB;
	v10 =	vld [tilespmem:$0x17240]  }
0x160: {  	v7 =	vld [tilespmem:$0x17480];
	v40 =	vperm.xlane v6, v23;
	v23 =	vimm.s32 $0xC;
	[tilespmem:$0x17040] =	vst v22  }
0x161: {  	v43 =	vperm.xlane v6, v23;
	v23 =	vld [tilespmem:s18+$0x40]  }
0x162: {  	v46 =	vld [tilespmem:$0x17450]  }
0x163: {  	v20 =	vld [tilespmem:$0x17280]  }
0x164: {  	v37 =	vld [tilespmem:$0x17320];
	v9 =	vmul.f32 v9, v40  }
0x165: {  	v36 =	vld [tilespmem:$0x17260]  }
0x166: {  	v21 =	vld [tilespmem:$0x17190];
	v45 =	vperm.xlane v6, v11;
	v7 =	vadd.f32 v9, v7;
	v9 =	vmul.f32 v10, v43;
	[tilespmem:$0x17050] =	vst v23  }
0x167: {  	v47 =	vperm.xlane v6, v12;
	v35 =	vmul.f32 v58, v40;
	v26 =	vld [tilespmem:s18+$0x50]  }
0x168: {  	v32 =	vld [tilespmem:$0x17400];
	v6 =	vperm.xlane v6, v13;
	v7 =	vadd.f32 v9, v7;
	v9 =	vmul.f32 v20, v45  }
0x169: {  	v19 =	vld [tilespmem:$0x174C0];
	v55 =	vmul.f32 v59, v43;
	v59 =	vmul.f32 v61, v47;
	v34 =	vadd.f32 v35, v57  }
0x16a: {  	v61 =	vmul.f32 v62, v6;
	v62 =	vld [tilespmem:$0x174B0];
	v7 =	vadd.f32 v9, v7;
	v9 =	vmul.f32 v52, v47  }
0x16b: {  	v51 =	vperm.xlane v21, v1;
	v57 =	vmul.f32 v60, v45;
	v60 =	vld [tilespmem:$0x17230];
	v56 =	vadd.f32 v55, v34  }
0x16c: {  	v49 =	vperm.xlane v21, v0;
	v20 =	vld [tilespmem:$0x174A0];
	v7 =	vadd.f32 v9, v7;
	v9 =	vmul.f32 v53, v6;
	[tilespmem:$0x17060] =	vst v26  }
0x16d: {  	v42 =	vmul.f32 v42, v51;
	v58 =	vadd.f32 v57, v56;
	v28 =	vld [tilespmem:s18+$0x60]  }
0x16e: {  	v63 =	vmul.f32 v63, v40;
	v35 =	vld [tilespmem:$0x172E0];
	v7 =	vadd.f32 v9, v7;
	v9 =	vmul.f32 v54, v49  }
0x16f: {  	v36 =	vmul.f32 v36, v43;
	v52 =	vperm.xlane v21, v2;
	v29 =	vadd.f32 v59, v58;
	v53 =	vld [tilespmem:$0x17270]  }
0x170: {  	v55 =	vld [tilespmem:$0x172B0];
	v38 =	vmul.f32 v60, v40;
	v7 =	vadd.f32 v9, v7;
	v9 =	vmul.f32 v30, v51  }
0x171: {  	v56 =	vld [tilespmem:$0x172F0];
	v20 =	vadd.f32 v63, v20;
	v29 =	vadd.f32 v61, v29;
	v54 =	vmul.f32 v41, v49  }
0x172: {  	v60 =	vld [tilespmem:$0x17330];
	v34 =	vadd.f32 v38, v62;
	v7 =	vadd.f32 v9, v7;
	v9 =	vmul.f32 v31, v52;
	[tilespmem:$0x17070] =	vst v28  }
0x173: {  	v57 =	vmul.f32 v50, v45;
	v20 =	vadd.f32 v36, v20;
	v31 =	vadd.f32 v54, v29;
	v29 =	vld [tilespmem:s18+$0x70]  }
0x174: {  	v30 =	vld [tilespmem:$0x17360];
	v58 =	vmul.f32 v53, v43;
	v7 =	vadd.f32 v9, v7;
	v9 =	vperm.xlane v21, v3  }
0x175: {  	v35 =	vmul.f32 v35, v47;
	v59 =	vld [tilespmem:$0x173A0];
	v62 =	vmul.f32 v55, v45;
	v20 =	vadd.f32 v57, v20  }
0x176: {  	v10 =	vld [tilespmem:$0x17410];
	v45 =	vmul.f32 v37, v6;
	v61 =	vadd.f32 v58, v34;
	v32 =	vmul.f32 v32, v9  }
0x177: {  	v63 =	vld [tilespmem:$0x173E0];
	v50 =	vmul.f32 v56, v47;
	v6 =	vmul.f32 v60, v6;
	v20 =	vadd.f32 v35, v20  }
0x178: {  	v60 =	vmul.f32 v48, v49;
	v53 =	vld [tilespmem:$0x173B0];
	v7 =	vadd.f32 v32, v7;
	v32 =	vadd.f32 v62, v61;
	[tilespmem:$0x17080] =	vst v29  }
0x179: {  	v34 =	vperm.xlane v21, v4;
	v55 =	vmul.f32 v30, v49;
	v30 =	vld [tilespmem:s18+$0x80]  }
0x17a: {  	v56 =	vld [tilespmem:$0x17420];
	v57 =	vmul.f32 v59, v51;
	v20 =	vadd.f32 v45, v20;
	v32 =	vadd.f32 v50, v32  }
0x17b: {  	v54 =	vmul.f32 v44, v52;
	v58 =	vld [tilespmem:$0x173F0];
	v31 =	vadd.f32 v42, v31;
	v33 =	vmul.f32 v33, v34  }
0x17c: {  	v59 =	vld [tilespmem:$0x17460];
	v43 =	vmul.f32 v46, v34;
	v20 =	vadd.f32 v55, v20;
	v6 =	vadd.f32 v6, v32  }
0x17d: {  	v31 =	vadd.f32 v54, v31;
	v10 =	vmul.f32 v10, v9;
	v61 =	vmul.f32 v63, v52;
	v62 =	vld [tilespmem:$0x17430]  }
0x17e: {  	v42 =	vld [tilespmem:$0x17470];
	v63 =	vmul.f32 v53, v51;
	v20 =	vadd.f32 v57, v20;
	v6 =	vadd.f32 v60, v6;
	[tilespmem:$0x17090] =	vst v30  }
0x17f: {  	v44 =	vmul.f32 v56, v9;
	v10 =	vadd.f32 v10, v31;
	v7 =	vadd.f32 v33, v7;
	v45 =	vld [tilespmem:s18+$0x90]  }
0x180: {  	v46 =	vld [tilespmem:$0x174D0];
	v47 =	vmul.f32 v58, v52;
	v20 =	vadd.f32 v61, v20;
	v6 =	vadd.f32 v63, v6  }
0x181: {  	v48 =	vmul.f32 v59, v34;
	v10 =	vadd.f32 v43, v10;
	v7 =	vmax.f32 v7, $0.0e+00  }
0x182: {  	v49 =	vld [tilespmem:$0x174E0];
	v20 =	vadd.f32 v44, v20;
	v9 =	vmul.f32 v62, v9;
	v6 =	vadd.f32 v47, v6  }
0x183: {  	v51 =	vld [tilespmem:$0x174F0];
	v10 =	vmax.f32 v10, $0.0e+00;
	v19 =	vmul.f32 v7, v19  }
0x184: {  	v50 =	vld [tilespmem:$0x17500];
	v20 =	vadd.f32 v48, v20;
	v6 =	vadd.f32 v9, v6;
	v9 =	vmul.f32 v42, v34;
	[tilespmem:$0x170A0] =	vst v45  }
0x185: {  	v52 =	vmul.f32 v10, v46;
	v19 =	vadd.f32 $0.0e+00, v19;
	v53 =	vld [tilespmem:s18+$0xA0]  }
0x186: {  	v20 =	vmax.f32 v20, $0.0e+00;
	v6 =	vadd.f32 v9, v6  }
0x187: {  	v54 =	vmul.f32 v20, v49;
	v9 =	vadd.f32 v52, v19;
	v19 =	vld [tilespmem:$0x17510]  }
0x188: {  	v6 =	vmax.f32 v6, $0.0e+00  }
0x189: {  	v55 =	vld [tilespmem:$0x17520];
	v9 =	vadd.f32 v54, v9;
	v33 =	vmul.f32 v6, v51  }
0x18a: {  	v56 =	vld [tilespmem:$0x17530];
	v7 =	vmul.f32 v7, v50;
	[tilespmem:$0x170B0] =	vst v53  }
0x18b: {  	v9 =	vadd.f32 v33, v9;
	v57 =	vld [tilespmem:s18+$0xB0]  }
0x18c: {  	v7 =	vadd.f32 $0.0e+00, v7;
	v10 =	vmul.f32 v10, v19  }
0x18d: {  	v19 =	vperm.xlane v9, v14  }
0x18e: {  	v7 =	vadd.f32 v10, v7;
	v10 =	vmul.f32 v20, v55  }
0x18f: {  	v9 =	vadd.f32 v9, v19  }
0x190: {  	v6 =	vmul.f32 v6, v56;
	v7 =	vadd.f32 v10, v7;
	[tilespmem:$0x170C0] =	vst v57  }
0x191: {  	v10 =	vperm.xlane v9, v15;
	v58 =	vld [tilespmem:s18+$0xC0]  }
0x192: {  	v6 =	vadd.f32 v6, v7  }
0x193: {  	v7 =	vadd.f32 v9, v10  }
0x194: {  	v9 =	vperm.xlane v6, v14  }
0x195: {  	v10 =	vperm.xlane v7, v16  }
0x196: {  	v6 =	vadd.f32 v6, v9;
	[tilespmem:$0x170D0] =	vst v58  }
0x197: {  	v7 =	vadd.f32 v10, v7;
	v59 =	vld [tilespmem:s18+$0xD0]  }
0x198: {  	v9 =	vperm.xlane v6, v15  }
0x199: {  	v10 =	vperm.xlane v7, v17  }
0x19a: {  	v6 =	vadd.f32 v9, v6  }
0x19b: {  	v9 =	vperm.xlane v21, v5;
	v7 =	vadd.f32 v10, v7  }
0x19c: {  	v60 =	vld [tilespmem:$0x1700F];
	v10 =	vperm.xlane v6, v16;
	[tilespmem:$0x170E0] =	vst v59  }
0x19d: {  	v7 =	vadd.f32 v9, v7;
	v61 =	vld [tilespmem:s18+$0xE0]  }
0x19e: {  	v6 =	vadd.f32 v10, v6;
	v9 =	vld [tilespmem:$0x17011]  }
0x19f: {  	v19 =	vmul.f32 $2.740686240e-01, v7;
	v20 =	vmul.f32 $4.518627520e-01, v7  }
0x1a0: {  	v7 =	vperm.xlane v6, v17  }
0x1a1: {  	v10 =	vmul.f32 v60, v19;
	v62 =	vmul.f32 v27, v20  }
0x1a2: {  	v6 =	vadd.f32 v7, v6;
	[tilespmem:$0x170F0] =	vst v61  }
0x1a3: {  	v7 =	vperm.xlane v21, v18;
	v9 =	vmul.f32 v9, v19;
	v10 =	vadd.f32 v10, v62;
	v63 =	vld [tilespmem:s18+$0xF0];
	_ =	sdelay $0x1  }
0x1a4: {  	v21 =	vadd.f32 v7, v6;
	v6 =	vadd.f32 v9, v10;
	_ =	sdelay $0x1  }
0x1a5: {  	v6 =	vadd.f32 v6, v21  }
0x1a6: {  	[tilespmem:$0x17100] =	vst v63  }
0x1a7: {  	[tilespmem:s18+$0x0] =	vst v6  }
0x1a8: {  	v6 =	vld [tilespmem:$0x1701F];
	_ =	sdelay $0x1  }
0x1a9: {  	v7 =	vld [tilespmem:$0x17021];
	_ =	sdelay $0x2  }
0x1aa: {  	v9 =	vmul.f32 v25, v20;
	v6 =	vmul.f32 v6, v19;
	_ =	sdelay $0x1  }
0x1ab: {  	v7 =	vmul.f32 v7, v19;
	v6 =	vadd.f32 v6, v9;
	_ =	sdelay $0x1  }
0x1ac: {  	v6 =	vadd.f32 v7, v6;
	_ =	sdelay $0x1  }
0x1ad: {  	v6 =	vadd.f32 v6, v21;
	_ =	sdelay $0x1  }
0x1ae: {  	[tilespmem:s18+$0x10] =	vst v6  }
0x1af: {  	v6 =	vld [tilespmem:$0x1702F];
	_ =	sdelay $0x1  }
0x1b0: {  	v7 =	vld [tilespmem:$0x17031];
	_ =	sdelay $0x2  }
0x1b1: {  	v9 =	vmul.f32 v24, v20;
	v6 =	vmul.f32 v6, v19;
	_ =	sdelay $0x1  }
0x1b2: {  	v7 =	vmul.f32 v7, v19;
	v6 =	vadd.f32 v6, v9;
	_ =	sdelay $0x1  }
0x1b3: {  	v6 =	vadd.f32 v7, v6;
	_ =	sdelay $0x1  }
0x1b4: {  	v6 =	vadd.f32 v6, v21;
	_ =	sdelay $0x1  }
0x1b5: {  	[tilespmem:s18+$0x20] =	vst v6  }
0x1b6: {  	v6 =	vld [tilespmem:$0x1703F];
	_ =	sdelay $0x1  }
0x1b7: {  	v7 =	vld [tilespmem:$0x17041];
	_ =	sdelay $0x2  }
0x1b8: {  	v9 =	vmul.f32 v22, v20;
	v6 =	vmul.f32 v6, v19;
	_ =	sdelay $0x1  }
0x1b9: {  	v7 =	vmul.f32 v7, v19;
	v6 =	vadd.f32 v6, v9;
	_ =	sdelay $0x1  }
0x1ba: {  	v6 =	vadd.f32 v7, v6;
	_ =	sdelay $0x1  }
0x1bb: {  	v6 =	vadd.f32 v6, v21;
	_ =	sdelay $0x1  }
0x1bc: {  	[tilespmem:s18+$0x30] =	vst v6  }
0x1bd: {  	v6 =	vld [tilespmem:$0x1704F];
	_ =	sdelay $0x1  }
0x1be: {  	v7 =	vld [tilespmem:$0x17051];
	_ =	sdelay $0x2  }
0x1bf: {  	v9 =	vmul.f32 v23, v20;
	v6 =	vmul.f32 v6, v19;
	_ =	sdelay $0x1  }
0x1c0: {  	v7 =	vmul.f32 v7, v19;
	v6 =	vadd.f32 v6, v9;
	_ =	sdelay $0x1  }
0x1c1: {  	v6 =	vadd.f32 v7, v6;
	_ =	sdelay $0x1  }
0x1c2: {  	v6 =	vadd.f32 v6, v21;
	_ =	sdelay $0x1  }
0x1c3: {  	[tilespmem:s18+$0x40] =	vst v6  }
0x1c4: {  	v6 =	vld [tilespmem:$0x1705F];
	_ =	sdelay $0x1  }
0x1c5: {  	v7 =	vld [tilespmem:$0x17061];
	_ =	sdelay $0x2  }
0x1c6: {  	v9 =	vmul.f32 v26, v20;
	v6 =	vmul.f32 v6, v19;
	_ =	sdelay $0x1  }
0x1c7: {  	v7 =	vmul.f32 v7, v19;
	v6 =	vadd.f32 v6, v9;
	_ =	sdelay $0x1  }
0x1c8: {  	v6 =	vadd.f32 v7, v6;
	_ =	sdelay $0x1  }
0x1c9: {  	v6 =	vadd.f32 v6, v21;
	_ =	sdelay $0x1  }
0x1ca: {  	[tilespmem:s18+$0x50] =	vst v6  }
0x1cb: {  	v6 =	vld [tilespmem:$0x1706F];
	_ =	sdelay $0x1  }
0x1cc: {  	v7 =	vld [tilespmem:$0x17071];
	_ =	sdelay $0x2  }
0x1cd: {  	v9 =	vmul.f32 v28, v20;
	v6 =	vmul.f32 v6, v19;
	_ =	sdelay $0x1  }
0x1ce: {  	v7 =	vmul.f32 v7, v19;
	v6 =	vadd.f32 v6, v9;
	_ =	sdelay $0x1  }
0x1cf: {  	v6 =	vadd.f32 v7, v6;
	_ =	sdelay $0x1  }
0x1d0: {  	v6 =	vadd.f32 v6, v21;
	_ =	sdelay $0x1  }
0x1d1: {  	[tilespmem:s18+$0x60] =	vst v6  }
0x1d2: {  	v6 =	vld [tilespmem:$0x1707F];
	_ =	sdelay $0x1  }
0x1d3: {  	v7 =	vld [tilespmem:$0x17081];
	_ =	sdelay $0x2  }
0x1d4: {  	v9 =	vmul.f32 v29, v20;
	v6 =	vmul.f32 v6, v19;
	_ =	sdelay $0x1  }
0x1d5: {  	v7 =	vmul.f32 v7, v19;
	v6 =	vadd.f32 v6, v9;
	_ =	sdelay $0x1  }
0x1d6: {  	v6 =	vadd.f32 v7, v6;
	_ =	sdelay $0x1  }
0x1d7: {  	v6 =	vadd.f32 v6, v21;
	_ =	sdelay $0x1  }
0x1d8: {  	[tilespmem:s18+$0x70] =	vst v6  }
0x1d9: {  	v6 =	vld [tilespmem:$0x1708F];
	_ =	sdelay $0x1  }
0x1da: {  	v7 =	vld [tilespmem:$0x17091];
	_ =	sdelay $0x2  }
0x1db: {  	v9 =	vmul.f32 v30, v20;
	v6 =	vmul.f32 v6, v19;
	_ =	sdelay $0x1  }
0x1dc: {  	v7 =	vmul.f32 v7, v19;
	v6 =	vadd.f32 v6, v9;
	_ =	sdelay $0x1  }
0x1dd: {  	v6 =	vadd.f32 v7, v6;
	_ =	sdelay $0x1  }
0x1de: {  	v6 =	vadd.f32 v6, v21;
	_ =	sdelay $0x1  }
0x1df: {  	[tilespmem:s18+$0x80] =	vst v6  }
0x1e0: {  	v6 =	vld [tilespmem:$0x1709F];
	_ =	sdelay $0x1  }
0x1e1: {  	v7 =	vld [tilespmem:$0x170A1];
	_ =	sdelay $0x2  }
0x1e2: {  	v9 =	vmul.f32 v45, v20;
	v6 =	vmul.f32 v6, v19;
	_ =	sdelay $0x1  }
0x1e3: {  	v7 =	vmul.f32 v7, v19;
	v6 =	vadd.f32 v6, v9;
	_ =	sdelay $0x1  }
0x1e4: {  	v6 =	vadd.f32 v7, v6;
	_ =	sdelay $0x1  }
0x1e5: {  	v6 =	vadd.f32 v6, v21;
	_ =	sdelay $0x1  }
0x1e6: {  	[tilespmem:s18+$0x90] =	vst v6  }
0x1e7: {  	v6 =	vld [tilespmem:$0x170AF];
	_ =	sdelay $0x1  }
0x1e8: {  	v7 =	vld [tilespmem:$0x170B1];
	_ =	sdelay $0x2  }
0x1e9: {  	v9 =	vmul.f32 v53, v20;
	v6 =	vmul.f32 v6, v19;
	_ =	sdelay $0x1  }
0x1ea: {  	v7 =	vmul.f32 v7, v19;
	v6 =	vadd.f32 v6, v9;
	_ =	sdelay $0x1  }
0x1eb: {  	v6 =	vadd.f32 v7, v6;
	_ =	sdelay $0x1  }
0x1ec: {  	v6 =	vadd.f32 v6, v21;
	_ =	sdelay $0x1  }
0x1ed: {  	[tilespmem:s18+$0xA0] =	vst v6  }
0x1ee: {  	v6 =	vld [tilespmem:$0x170BF];
	_ =	sdelay $0x1  }
0x1ef: {  	v7 =	vld [tilespmem:$0x170C1];
	_ =	sdelay $0x2  }
0x1f0: {  	v9 =	vmul.f32 v57, v20;
	v6 =	vmul.f32 v6, v19;
	_ =	sdelay $0x1  }
0x1f1: {  	v7 =	vmul.f32 v7, v19;
	v6 =	vadd.f32 v6, v9;
	_ =	sdelay $0x1  }
0x1f2: {  	v6 =	vadd.f32 v7, v6;
	_ =	sdelay $0x1  }
0x1f3: {  	v6 =	vadd.f32 v6, v21;
	_ =	sdelay $0x1  }
0x1f4: {  	[tilespmem:s18+$0xB0] =	vst v6  }
0x1f5: {  	v6 =	vld [tilespmem:$0x170CF];
	_ =	sdelay $0x1  }
0x1f6: {  	v7 =	vld [tilespmem:$0x170D1];
	_ =	sdelay $0x2  }
0x1f7: {  	v9 =	vmul.f32 v58, v20;
	v6 =	vmul.f32 v6, v19;
	_ =	sdelay $0x1  }
0x1f8: {  	v7 =	vmul.f32 v7, v19;
	v6 =	vadd.f32 v6, v9;
	_ =	sdelay $0x1  }
0x1f9: {  	v6 =	vadd.f32 v7, v6;
	_ =	sdelay $0x1  }
0x1fa: {  	v6 =	vadd.f32 v6, v21;
	_ =	sdelay $0x1  }
0x1fb: {  	[tilespmem:s18+$0xC0] =	vst v6  }
0x1fc: {  	v6 =	vld [tilespmem:$0x170DF];
	_ =	sdelay $0x1  }
0x1fd: {  	v7 =	vld [tilespmem:$0x170E1];
	_ =	sdelay $0x2  }
0x1fe: {  	v9 =	vmul.f32 v59, v20;
	v6 =	vmul.f32 v6, v19;
	_ =	sdelay $0x1  }
0x1ff: {  	v7 =	vmul.f32 v7, v19;
	v6 =	vadd.f32 v6, v9;
	_ =	sdelay $0x1  }
0x200: {  	v6 =	vadd.f32 v7, v6;
	_ =	sdelay $0x1  }
0x201: {  	v6 =	vadd.f32 v6, v21;
	_ =	sdelay $0x1  }
0x202: {  	[tilespmem:s18+$0xD0] =	vst v6  }
0x203: {  	v6 =	vld [tilespmem:$0x170EF];
	_ =	sdelay $0x1  }
0x204: {  	v7 =	vld [tilespmem:$0x170F1];
	_ =	sdelay $0x2  }
0x205: {  	v9 =	vmul.f32 v61, v20;
	v6 =	vmul.f32 v6, v19;
	_ =	sdelay $0x1  }
0x206: {  	v7 =	vmul.f32 v7, v19;
	v6 =	vadd.f32 v6, v9;
	_ =	sdelay $0x1  }
0x207: {  	v6 =	vadd.f32 v7, v6;
	_ =	sdelay $0x1  }
0x208: {  	v6 =	vadd.f32 v6, v21;
	_ =	sdelay $0x1  }
0x209: {  	[tilespmem:s18+$0xE0] =	vst v6  }
0x20a: {  	v6 =	vld [tilespmem:$0x170FF];
	_ =	sdelay $0x1  }
0x20b: {  	v7 =	vld [tilespmem:$0x17101];
	_ =	sdelay $0x2  }
0x20c: {  	v9 =	vmul.f32 v63, v20;
	v6 =	vmul.f32 v6, v19;
	_ =	sdelay $0x1  }
0x20d: {  	v7 =	vmul.f32 v7, v19;
	v6 =	vadd.f32 v6, v9  }
0x20e: {  	s21 =	simm.s32 $0x100  }
0x20f: {  	v22 =	vld [tilespmem:s21+$0x0];
	v6 =	vadd.f32 v7, v6;
	_ =	sdelay $0x1  }
0x210: {  	s19 =	simm.s32 $0x800;
	v23 =	vadd.f32 v6, v21  }
.LBB2_10:
0x211: {  	_ = 	snop  }
0x212: {  	p0 =	sne.s32 s19, $0x3FC00;
	s20 =	smov.u32 s19;
	s19 =	sadd.s32 $0x400, s19;
	[tilespmem:s18+$0xF0] =	vst v23  }
0x213: {  	s18 =	smov.u32 s21;
	[tilespmem:$0x17010] =	vst v22  }
0x214: {  	v36 =	vld [tilespmem:s18+$0x10];
	_ =	sdelay $0x4  }
0x215: {  	[tilespmem:$0x17020] =	vst v36  }
0x216: {  	v35 =	vld [tilespmem:s18+$0x20];
	_ =	sdelay $0x4  }
0x217: {  	[tilespmem:$0x17030] =	vst v35  }
0x218: {  	v34 =	vld [tilespmem:s18+$0x30];
	_ =	sdelay $0x4  }
0x219: {  	[tilespmem:$0x17040] =	vst v34  }
0x21a: {  	v33 =	vld [tilespmem:s18+$0x40];
	_ =	sdelay $0x4  }
0x21b: {  	[tilespmem:$0x17050] =	vst v33  }
0x21c: {  	v32 =	vld [tilespmem:s18+$0x50];
	_ =	sdelay $0x4  }
0x21d: {  	[tilespmem:$0x17060] =	vst v32  }
0x21e: {  	v31 =	vld [tilespmem:s18+$0x60];
	_ =	sdelay $0x4  }
0x21f: {  	[tilespmem:$0x17070] =	vst v31  }
0x220: {  	v30 =	vld [tilespmem:s18+$0x70];
	_ =	sdelay $0x4  }
0x221: {  	[tilespmem:$0x17080] =	vst v30  }
0x222: {  	v29 =	vld [tilespmem:s18+$0x80];
	_ =	sdelay $0x4  }
0x223: {  	[tilespmem:$0x17090] =	vst v29  }
0x224: {  	v28 =	vld [tilespmem:s18+$0x90];
	_ =	sdelay $0x4  }
0x225: {  	[tilespmem:$0x170A0] =	vst v28  }
0x226: {  	v27 =	vld [tilespmem:s18+$0xA0];
	_ =	sdelay $0x4  }
0x227: {  	[tilespmem:$0x170B0] =	vst v27  }
0x228: {  	v26 =	vld [tilespmem:s18+$0xB0];
	_ =	sdelay $0x4  }
0x229: {  	[tilespmem:$0x170C0] =	vst v26  }
0x22a: {  	v25 =	vld [tilespmem:s18+$0xC0];
	_ =	sdelay $0x4  }
0x22b: {  	[tilespmem:$0x170D0] =	vst v25  }
0x22c: {  	v24 =	vld [tilespmem:s18+$0xD0];
	_ =	sdelay $0x4  }
0x22d: {  	[tilespmem:$0x170E0] =	vst v24;
	v6 =	vld [tilespmem:$0x1700F]  }
0x22e: {  	v23 =	vld [tilespmem:s18+$0xE0]  }
0x22f: {  	v7 =	vld [tilespmem:$0x17011];
	_ =	sdelay $0x2  }
0x230: {  	v9 =	vmul.f32 v22, v20;
	v6 =	vmul.f32 v6, v19  }
0x231: {  	[tilespmem:$0x170F0] =	vst v23  }
0x232: {  	v22 =	vld [tilespmem:s18+$0xF0];
	v6 =	vadd.f32 v6, v9;
	v7 =	vmul.f32 v7, v19;
	_ =	sdelay $0x1  }
0x233: {  	v6 =	vadd.f32 v7, v6;
	_ =	sdelay $0x1  }
0x234: {  	v6 =	vadd.f32 v6, v21  }
0x235: {  	[tilespmem:$0x17100] =	vst v22  }
0x236: {  	[tilespmem:s18+$0x0] =	vst v6  }
0x237: {  	v6 =	vld [tilespmem:$0x1701F];
	_ =	sdelay $0x1  }
0x238: {  	v7 =	vld [tilespmem:$0x17021];
	_ =	sdelay $0x2  }
0x239: {  	v9 =	vmul.f32 v36, v20;
	v6 =	vmul.f32 v6, v19;
	_ =	sdelay $0x1  }
0x23a: {  	v6 =	vadd.f32 v6, v9;
	v7 =	vmul.f32 v7, v19;
	_ =	sdelay $0x1  }
0x23b: {  	v6 =	vadd.f32 v7, v6;
	_ =	sdelay $0x1  }
0x23c: {  	v6 =	vadd.f32 v6, v21;
	_ =	sdelay $0x1  }
0x23d: {  	[tilespmem:s18+$0x10] =	vst v6  }
0x23e: {  	v6 =	vld [tilespmem:$0x1702F];
	_ =	sdelay $0x1  }
0x23f: {  	v7 =	vld [tilespmem:$0x17031];
	_ =	sdelay $0x2  }
0x240: {  	v9 =	vmul.f32 v35, v20;
	v6 =	vmul.f32 v6, v19;
	_ =	sdelay $0x1  }
0x241: {  	v6 =	vadd.f32 v6, v9;
	v7 =	vmul.f32 v7, v19;
	_ =	sdelay $0x1  }
0x242: {  	v6 =	vadd.f32 v7, v6;
	_ =	sdelay $0x1  }
0x243: {  	v6 =	vadd.f32 v6, v21;
	_ =	sdelay $0x1  }
0x244: {  	[tilespmem:s18+$0x20] =	vst v6  }
0x245: {  	v6 =	vld [tilespmem:$0x1703F];
	_ =	sdelay $0x1  }
0x246: {  	v7 =	vld [tilespmem:$0x17041];
	_ =	sdelay $0x2  }
0x247: {  	v9 =	vmul.f32 v34, v20;
	v6 =	vmul.f32 v6, v19;
	_ =	sdelay $0x1  }
0x248: {  	v6 =	vadd.f32 v6, v9;
	v7 =	vmul.f32 v7, v19;
	_ =	sdelay $0x1  }
0x249: {  	v6 =	vadd.f32 v7, v6;
	_ =	sdelay $0x1  }
0x24a: {  	v6 =	vadd.f32 v6, v21;
	_ =	sdelay $0x1  }
0x24b: {  	[tilespmem:s18+$0x30] =	vst v6  }
0x24c: {  	v6 =	vld [tilespmem:$0x1704F];
	_ =	sdelay $0x1  }
0x24d: {  	v7 =	vld [tilespmem:$0x17051];
	_ =	sdelay $0x2  }
0x24e: {  	v9 =	vmul.f32 v33, v20;
	v6 =	vmul.f32 v6, v19;
	_ =	sdelay $0x1  }
0x24f: {  	v6 =	vadd.f32 v6, v9;
	v7 =	vmul.f32 v7, v19;
	_ =	sdelay $0x1  }
0x250: {  	v6 =	vadd.f32 v7, v6;
	_ =	sdelay $0x1  }
0x251: {  	v6 =	vadd.f32 v6, v21;
	_ =	sdelay $0x1  }
0x252: {  	[tilespmem:s18+$0x40] =	vst v6  }
0x253: {  	v6 =	vld [tilespmem:$0x1705F];
	_ =	sdelay $0x1  }
0x254: {  	v7 =	vld [tilespmem:$0x17061];
	_ =	sdelay $0x2  }
0x255: {  	v9 =	vmul.f32 v32, v20;
	v6 =	vmul.f32 v6, v19;
	_ =	sdelay $0x1  }
0x256: {  	v6 =	vadd.f32 v6, v9;
	v7 =	vmul.f32 v7, v19;
	_ =	sdelay $0x1  }
0x257: {  	v6 =	vadd.f32 v7, v6;
	_ =	sdelay $0x1  }
0x258: {  	v6 =	vadd.f32 v6, v21;
	_ =	sdelay $0x1  }
0x259: {  	[tilespmem:s18+$0x50] =	vst v6  }
0x25a: {  	v6 =	vld [tilespmem:$0x1706F];
	_ =	sdelay $0x1  }
0x25b: {  	v7 =	vld [tilespmem:$0x17071];
	_ =	sdelay $0x2  }
0x25c: {  	v9 =	vmul.f32 v31, v20;
	v6 =	vmul.f32 v6, v19;
	_ =	sdelay $0x1  }
0x25d: {  	v6 =	vadd.f32 v6, v9;
	v7 =	vmul.f32 v7, v19;
	_ =	sdelay $0x1  }
0x25e: {  	v6 =	vadd.f32 v7, v6;
	_ =	sdelay $0x1  }
0x25f: {  	v6 =	vadd.f32 v6, v21;
	_ =	sdelay $0x1  }
0x260: {  	[tilespmem:s18+$0x60] =	vst v6  }
0x261: {  	v6 =	vld [tilespmem:$0x1707F];
	_ =	sdelay $0x1  }
0x262: {  	v7 =	vld [tilespmem:$0x17081];
	_ =	sdelay $0x2  }
0x263: {  	v9 =	vmul.f32 v30, v20;
	v6 =	vmul.f32 v6, v19;
	_ =	sdelay $0x1  }
0x264: {  	v6 =	vadd.f32 v6, v9;
	v7 =	vmul.f32 v7, v19;
	_ =	sdelay $0x1  }
0x265: {  	v6 =	vadd.f32 v7, v6;
	_ =	sdelay $0x1  }
0x266: {  	v6 =	vadd.f32 v6, v21;
	_ =	sdelay $0x1  }
0x267: {  	[tilespmem:s18+$0x70] =	vst v6  }
0x268: {  	v6 =	vld [tilespmem:$0x1708F]  }
0x269: {  	v7 =	vld [tilespmem:$0x17091];
	_ =	sdelay $0x3  }
0x26a: {  	v9 =	vmul.f32 v29, v20;
	v6 =	vmul.f32 v6, v19;
	_ =	sdelay $0x1  }
0x26b: {  	v7 =	vmul.f32 v7, v19;
	v6 =	vadd.f32 v6, v9;
	_ =	sdelay $0x1  }
0x26c: {  	v6 =	vadd.f32 v7, v6;
	_ =	sdelay $0x1  }
0x26d: {  	v6 =	vadd.f32 v6, v21;
	_ =	sdelay $0x1  }
0x26e: {  	[tilespmem:s18+$0x80] =	vst v6  }
0x26f: {  	v6 =	vld [tilespmem:$0x1709F]  }
0x270: {  	v7 =	vld [tilespmem:$0x170A1];
	_ =	sdelay $0x3  }
0x271: {  	v9 =	vmul.f32 v28, v20;
	v6 =	vmul.f32 v6, v19;
	_ =	sdelay $0x1  }
0x272: {  	v7 =	vmul.f32 v7, v19;
	v6 =	vadd.f32 v6, v9;
	_ =	sdelay $0x1  }
0x273: {  	v6 =	vadd.f32 v7, v6;
	_ =	sdelay $0x1  }
0x274: {  	v6 =	vadd.f32 v6, v21;
	_ =	sdelay $0x1  }
0x275: {  	[tilespmem:s18+$0x90] =	vst v6  }
0x276: {  	v6 =	vld [tilespmem:$0x170AF]  }
0x277: {  	v7 =	vld [tilespmem:$0x170B1];
	_ =	sdelay $0x3  }
0x278: {  	v9 =	vmul.f32 v27, v20;
	v6 =	vmul.f32 v6, v19;
	_ =	sdelay $0x1  }
0x279: {  	v7 =	vmul.f32 v7, v19;
	v6 =	vadd.f32 v6, v9;
	_ =	sdelay $0x1  }
0x27a: {  	v6 =	vadd.f32 v7, v6;
	_ =	sdelay $0x1  }
0x27b: {  	v6 =	vadd.f32 v6, v21;
	_ =	sdelay $0x1  }
0x27c: {  	[tilespmem:s18+$0xA0] =	vst v6  }
0x27d: {  	v6 =	vld [tilespmem:$0x170BF]  }
0x27e: {  	v7 =	vld [tilespmem:$0x170C1];
	_ =	sdelay $0x3  }
0x27f: {  	v9 =	vmul.f32 v26, v20;
	v6 =	vmul.f32 v6, v19;
	_ =	sdelay $0x1  }
0x280: {  	v7 =	vmul.f32 v7, v19;
	v6 =	vadd.f32 v6, v9;
	_ =	sdelay $0x1  }
0x281: {  	v6 =	vadd.f32 v7, v6;
	_ =	sdelay $0x1  }
0x282: {  	v6 =	vadd.f32 v6, v21;
	_ =	sdelay $0x1  }
0x283: {  	[tilespmem:s18+$0xB0] =	vst v6  }
0x284: {  	v6 =	vld [tilespmem:$0x170CF]  }
0x285: {  	v7 =	vld [tilespmem:$0x170D1];
	_ =	sdelay $0x3  }
0x286: {  	v9 =	vmul.f32 v25, v20;
	v6 =	vmul.f32 v6, v19;
	_ =	sdelay $0x1  }
0x287: {  	v7 =	vmul.f32 v7, v19;
	v6 =	vadd.f32 v6, v9;
	_ =	sdelay $0x1  }
0x288: {  	v6 =	vadd.f32 v7, v6;
	_ =	sdelay $0x1  }
0x289: {  	v6 =	vadd.f32 v6, v21;
	_ =	sdelay $0x1  }
0x28a: {  	[tilespmem:s18+$0xC0] =	vst v6  }
0x28b: {  	v6 =	vld [tilespmem:$0x170DF]  }
0x28c: {  	v7 =	vld [tilespmem:$0x170E1];
	_ =	sdelay $0x3  }
0x28d: {  	v9 =	vmul.f32 v24, v20;
	v6 =	vmul.f32 v6, v19;
	_ =	sdelay $0x1  }
0x28e: {  	v7 =	vmul.f32 v7, v19;
	v6 =	vadd.f32 v6, v9;
	_ =	sdelay $0x1  }
0x28f: {  	v6 =	vadd.f32 v7, v6;
	_ =	sdelay $0x1  }
0x290: {  	v6 =	vadd.f32 v6, v21;
	_ =	sdelay $0x1  }
0x291: {  	[tilespmem:s18+$0xD0] =	vst v6  }
0x292: {  	v6 =	vld [tilespmem:$0x170EF]  }
0x293: {  	v7 =	vld [tilespmem:$0x170F1];
	_ =	sdelay $0x3  }
0x294: {  	v9 =	vmul.f32 v23, v20;
	v6 =	vmul.f32 v6, v19;
	_ =	sdelay $0x1  }
0x295: {  	v7 =	vmul.f32 v7, v19;
	v6 =	vadd.f32 v6, v9;
	_ =	sdelay $0x1  }
0x296: {  	v6 =	vadd.f32 v7, v6;
	_ =	sdelay $0x1  }
0x297: {  	v6 =	vadd.f32 v6, v21;
	_ =	sdelay $0x1  }
0x298: {  	[tilespmem:s18+$0xE0] =	vst v6  }
0x299: {  	v6 =	vld [tilespmem:$0x170FF]  }
0x29a: {  	v7 =	vld [tilespmem:$0x17101];
	_ =	sdelay $0x3  }
0x29b: {  	v9 =	vmul.f32 v22, v20;
	v6 =	vmul.f32 v6, v19;
	_ =	sdelay $0x1  }
.Ltmp4:
0x29c: {  	v7 =	vmul.f32 v7, v19;
	v6 =	vadd.f32 v6, v9;
	(pc) =	sbr.rel @p0 .LBB2_10-.Ltmp4, $3  }
0x29d: {  	s21 =	sshra.s32 s20, $0x2  }
0x29e: {  	v22 =	vld [tilespmem:s21+$0x0];
	v6 =	vadd.f32 v7, v6;
	_ =	sdelay $0x1  }
0x29f: {  	v23 =	vadd.f32 v6, v21  }
0x2a0: {  	_ = 	snop  }
0x2a1: {  	[tilespmem:s18+$0xF0] =	vst v23  }
0x2a2: {  	[tilespmem:$0x17010] =	vst v22  }
0x2a3: {  	v6 =	vld [tilespmem:s21+$0x10];
	_ =	sdelay $0x4  }
0x2a4: {  	[tilespmem:$0x17020] =	vst v6  }
0x2a5: {  	v7 =	vld [tilespmem:s21+$0x20];
	_ =	sdelay $0x4  }
0x2a6: {  	[tilespmem:$0x17030] =	vst v7  }
0x2a7: {  	v9 =	vld [tilespmem:s21+$0x30];
	_ =	sdelay $0x4  }
0x2a8: {  	[tilespmem:$0x17040] =	vst v9  }
0x2a9: {  	v10 =	vld [tilespmem:s21+$0x40];
	_ =	sdelay $0x4  }
0x2aa: {  	[tilespmem:$0x17050] =	vst v10  }
0x2ab: {  	v24 =	vld [tilespmem:s21+$0x50];
	_ =	sdelay $0x4  }
0x2ac: {  	[tilespmem:$0x17060] =	vst v24  }
0x2ad: {  	v25 =	vld [tilespmem:s21+$0x60];
	_ =	sdelay $0x4  }
0x2ae: {  	[tilespmem:$0x17070] =	vst v25  }
0x2af: {  	v26 =	vld [tilespmem:s21+$0x70];
	_ =	sdelay $0x4  }
0x2b0: {  	[tilespmem:$0x17080] =	vst v26  }
0x2b1: {  	v27 =	vld [tilespmem:s21+$0x80];
	_ =	sdelay $0x4  }
0x2b2: {  	[tilespmem:$0x17090] =	vst v27  }
0x2b3: {  	v28 =	vld [tilespmem:s21+$0x90];
	_ =	sdelay $0x4  }
0x2b4: {  	[tilespmem:$0x170A0] =	vst v28  }
0x2b5: {  	v29 =	vld [tilespmem:s21+$0xA0];
	_ =	sdelay $0x4  }
0x2b6: {  	[tilespmem:$0x170B0] =	vst v29  }
0x2b7: {  	v30 =	vld [tilespmem:s21+$0xB0];
	_ =	sdelay $0x4  }
0x2b8: {  	[tilespmem:$0x170C0] =	vst v30  }
0x2b9: {  	v31 =	vld [tilespmem:s21+$0xC0];
	_ =	sdelay $0x4  }
0x2ba: {  	[tilespmem:$0x170D0] =	vst v31  }
0x2bb: {  	v32 =	vld [tilespmem:s21+$0xD0];
	_ =	sdelay $0x4  }
0x2bc: {  	v33 =	vld [tilespmem:$0x1700F];
	[tilespmem:$0x170E0] =	vst v32  }
0x2bd: {  	v23 =	vld [tilespmem:s21+$0xE0]  }
0x2be: {  	v34 =	vld [tilespmem:$0x17011];
	_ =	sdelay $0x2  }
0x2bf: {  	v35 =	vmul.f32 v22, v20;
	v33 =	vmul.f32 v33, v19  }
0x2c0: {  	[tilespmem:$0x170F0] =	vst v23  }
0x2c1: {  	v33 =	vadd.f32 v33, v35;
	v34 =	vmul.f32 v34, v19;
	v60 =	vld [tilespmem:s21+$0xF0];
	_ =	sdelay $0x1  }
0x2c2: {  	v33 =	vadd.f32 v34, v33;
	_ =	sdelay $0x1  }
0x2c3: {  	v33 =	vadd.f32 v33, v21  }
0x2c4: {  	[tilespmem:$0x17100] =	vst v60  }
0x2c5: {  	[tilespmem:s21+$0x0] =	vst v33  }
0x2c6: {  	v33 =	vld [tilespmem:$0x1701F];
	_ =	sdelay $0x1  }
0x2c7: {  	v61 =	vld [tilespmem:$0x17021];
	_ =	sdelay $0x2  }
0x2c8: {  	v6 =	vmul.f32 v6, v20;
	v33 =	vmul.f32 v33, v19;
	_ =	sdelay $0x1  }
0x2c9: {  	v62 =	vmul.f32 v61, v19;
	v6 =	vadd.f32 v33, v6;
	_ =	sdelay $0x1  }
0x2ca: {  	v6 =	vadd.f32 v62, v6;
	_ =	sdelay $0x1  }
0x2cb: {  	v6 =	vadd.f32 v6, v21;
	_ =	sdelay $0x1  }
0x2cc: {  	[tilespmem:s21+$0x10] =	vst v6  }
0x2cd: {  	v6 =	vld [tilespmem:$0x1702F];
	_ =	sdelay $0x1  }
0x2ce: {  	v63 =	vld [tilespmem:$0x17031];
	_ =	sdelay $0x2  }
0x2cf: {  	v7 =	vmul.f32 v7, v20;
	v6 =	vmul.f32 v6, v19;
	_ =	sdelay $0x1  }
0x2d0: {  	v6 =	vadd.f32 v6, v7;
	v7 =	vmul.f32 v63, v19;
	_ =	sdelay $0x1  }
0x2d1: {  	v6 =	vadd.f32 v7, v6;
	_ =	sdelay $0x1  }
0x2d2: {  	v6 =	vadd.f32 v6, v21;
	_ =	sdelay $0x1  }
0x2d3: {  	[tilespmem:s21+$0x20] =	vst v6  }
0x2d4: {  	v6 =	vld [tilespmem:$0x1703F];
	_ =	sdelay $0x1  }
0x2d5: {  	v7 =	vld [tilespmem:$0x17041];
	_ =	sdelay $0x2  }
0x2d6: {  	v9 =	vmul.f32 v9, v20;
	v6 =	vmul.f32 v6, v19;
	_ =	sdelay $0x1  }
0x2d7: {  	v7 =	vmul.f32 v7, v19;
	v6 =	vadd.f32 v6, v9;
	_ =	sdelay $0x1  }
0x2d8: {  	v6 =	vadd.f32 v7, v6;
	_ =	sdelay $0x1  }
0x2d9: {  	v6 =	vadd.f32 v6, v21;
	_ =	sdelay $0x1  }
0x2da: {  	[tilespmem:s21+$0x30] =	vst v6  }
0x2db: {  	v6 =	vld [tilespmem:$0x1704F];
	_ =	sdelay $0x1  }
0x2dc: {  	v7 =	vld [tilespmem:$0x17051];
	_ =	sdelay $0x2  }
0x2dd: {  	v9 =	vmul.f32 v10, v20;
	v6 =	vmul.f32 v6, v19;
	_ =	sdelay $0x1  }
0x2de: {  	v7 =	vmul.f32 v7, v19;
	v6 =	vadd.f32 v6, v9;
	_ =	sdelay $0x1  }
0x2df: {  	v6 =	vadd.f32 v7, v6;
	_ =	sdelay $0x1  }
0x2e0: {  	v6 =	vadd.f32 v6, v21;
	_ =	sdelay $0x1  }
0x2e1: {  	[tilespmem:s21+$0x40] =	vst v6  }
0x2e2: {  	v6 =	vld [tilespmem:$0x1705F];
	_ =	sdelay $0x1  }
0x2e3: {  	v7 =	vld [tilespmem:$0x17061];
	_ =	sdelay $0x2  }
0x2e4: {  	v9 =	vmul.f32 v24, v20;
	v6 =	vmul.f32 v6, v19;
	_ =	sdelay $0x1  }
0x2e5: {  	v7 =	vmul.f32 v7, v19;
	v6 =	vadd.f32 v6, v9;
	_ =	sdelay $0x1  }
0x2e6: {  	v6 =	vadd.f32 v7, v6;
	_ =	sdelay $0x1  }
0x2e7: {  	v6 =	vadd.f32 v6, v21;
	_ =	sdelay $0x1  }
0x2e8: {  	[tilespmem:s21+$0x50] =	vst v6  }
0x2e9: {  	v6 =	vld [tilespmem:$0x1706F];
	_ =	sdelay $0x1  }
0x2ea: {  	v7 =	vld [tilespmem:$0x17071];
	_ =	sdelay $0x2  }
0x2eb: {  	v9 =	vmul.f32 v25, v20;
	v6 =	vmul.f32 v6, v19;
	_ =	sdelay $0x1  }
0x2ec: {  	v7 =	vmul.f32 v7, v19;
	v6 =	vadd.f32 v6, v9;
	_ =	sdelay $0x1  }
0x2ed: {  	v6 =	vadd.f32 v7, v6;
	_ =	sdelay $0x1  }
0x2ee: {  	v6 =	vadd.f32 v6, v21;
	_ =	sdelay $0x1  }
0x2ef: {  	[tilespmem:s21+$0x60] =	vst v6  }
0x2f0: {  	v6 =	vld [tilespmem:$0x1707F];
	_ =	sdelay $0x1  }
0x2f1: {  	v7 =	vld [tilespmem:$0x17081];
	_ =	sdelay $0x2  }
0x2f2: {  	v9 =	vmul.f32 v26, v20;
	v6 =	vmul.f32 v6, v19;
	_ =	sdelay $0x1  }
0x2f3: {  	v7 =	vmul.f32 v7, v19;
	v6 =	vadd.f32 v6, v9;
	_ =	sdelay $0x1  }
0x2f4: {  	v6 =	vadd.f32 v7, v6;
	_ =	sdelay $0x1  }
0x2f5: {  	v6 =	vadd.f32 v6, v21;
	_ =	sdelay $0x1  }
0x2f6: {  	[tilespmem:s21+$0x70] =	vst v6  }
0x2f7: {  	v6 =	vld [tilespmem:$0x1708F];
	_ =	sdelay $0x1  }
0x2f8: {  	v7 =	vld [tilespmem:$0x17091];
	_ =	sdelay $0x2  }
0x2f9: {  	v9 =	vmul.f32 v27, v20;
	v6 =	vmul.f32 v6, v19;
	_ =	sdelay $0x1  }
0x2fa: {  	v7 =	vmul.f32 v7, v19;
	v6 =	vadd.f32 v6, v9;
	_ =	sdelay $0x1  }
0x2fb: {  	v6 =	vadd.f32 v7, v6;
	_ =	sdelay $0x1  }
0x2fc: {  	v6 =	vadd.f32 v6, v21;
	_ =	sdelay $0x1  }
0x2fd: {  	[tilespmem:s21+$0x80] =	vst v6  }
0x2fe: {  	v6 =	vld [tilespmem:$0x1709F];
	_ =	sdelay $0x1  }
0x2ff: {  	v7 =	vld [tilespmem:$0x170A1];
	_ =	sdelay $0x2  }
0x300: {  	v9 =	vmul.f32 v28, v20;
	v6 =	vmul.f32 v6, v19;
	_ =	sdelay $0x1  }
0x301: {  	v7 =	vmul.f32 v7, v19;
	v6 =	vadd.f32 v6, v9;
	_ =	sdelay $0x1  }
0x302: {  	v6 =	vadd.f32 v7, v6;
	_ =	sdelay $0x1  }
0x303: {  	v6 =	vadd.f32 v6, v21;
	_ =	sdelay $0x1  }
0x304: {  	[tilespmem:s21+$0x90] =	vst v6  }
0x305: {  	v6 =	vld [tilespmem:$0x170AF];
	_ =	sdelay $0x1  }
0x306: {  	v7 =	vld [tilespmem:$0x170B1];
	_ =	sdelay $0x2  }
0x307: {  	v9 =	vmul.f32 v29, v20;
	v6 =	vmul.f32 v6, v19;
	_ =	sdelay $0x1  }
0x308: {  	v7 =	vmul.f32 v7, v19;
	v6 =	vadd.f32 v6, v9;
	_ =	sdelay $0x1  }
0x309: {  	v6 =	vadd.f32 v7, v6;
	_ =	sdelay $0x1  }
0x30a: {  	v6 =	vadd.f32 v6, v21;
	_ =	sdelay $0x1  }
0x30b: {  	[tilespmem:s21+$0xA0] =	vst v6  }
0x30c: {  	v6 =	vld [tilespmem:$0x170BF];
	_ =	sdelay $0x1  }
0x30d: {  	v7 =	vld [tilespmem:$0x170C1];
	_ =	sdelay $0x2  }
0x30e: {  	v9 =	vmul.f32 v30, v20;
	v6 =	vmul.f32 v6, v19;
	_ =	sdelay $0x1  }
0x30f: {  	v7 =	vmul.f32 v7, v19;
	v6 =	vadd.f32 v6, v9;
	_ =	sdelay $0x1  }
0x310: {  	v6 =	vadd.f32 v7, v6;
	_ =	sdelay $0x1  }
0x311: {  	v6 =	vadd.f32 v6, v21;
	_ =	sdelay $0x1  }
0x312: {  	[tilespmem:s21+$0xB0] =	vst v6  }
0x313: {  	v6 =	vld [tilespmem:$0x170CF];
	_ =	sdelay $0x1  }
0x314: {  	v7 =	vld [tilespmem:$0x170D1];
	_ =	sdelay $0x2  }
0x315: {  	v9 =	vmul.f32 v31, v20;
	v6 =	vmul.f32 v6, v19;
	_ =	sdelay $0x1  }
0x316: {  	v7 =	vmul.f32 v7, v19;
	v6 =	vadd.f32 v6, v9;
	_ =	sdelay $0x1  }
0x317: {  	v6 =	vadd.f32 v7, v6;
	_ =	sdelay $0x1  }
0x318: {  	v6 =	vadd.f32 v6, v21;
	_ =	sdelay $0x1  }
0x319: {  	[tilespmem:s21+$0xC0] =	vst v6  }
0x31a: {  	v6 =	vld [tilespmem:$0x170DF];
	_ =	sdelay $0x1  }
0x31b: {  	v7 =	vld [tilespmem:$0x170E1];
	_ =	sdelay $0x2  }
0x31c: {  	v9 =	vmul.f32 v32, v20;
	v6 =	vmul.f32 v6, v19;
	_ =	sdelay $0x1  }
0x31d: {  	v7 =	vmul.f32 v7, v19;
	v6 =	vadd.f32 v6, v9;
	_ =	sdelay $0x1  }
0x31e: {  	v6 =	vadd.f32 v7, v6;
	_ =	sdelay $0x1  }
0x31f: {  	v6 =	vadd.f32 v6, v21;
	_ =	sdelay $0x1  }
0x320: {  	[tilespmem:s21+$0xD0] =	vst v6  }
0x321: {  	v6 =	vld [tilespmem:$0x170EF];
	_ =	sdelay $0x1  }
0x322: {  	v7 =	vld [tilespmem:$0x170F1];
	_ =	sdelay $0x2  }
0x323: {  	v9 =	vmul.f32 v23, v20;
	v6 =	vmul.f32 v6, v19;
	_ =	sdelay $0x1  }
0x324: {  	v7 =	vmul.f32 v7, v19;
	v6 =	vadd.f32 v6, v9;
	_ =	sdelay $0x1  }
0x325: {  	v6 =	vadd.f32 v7, v6;
	_ =	sdelay $0x1  }
0x326: {  	v6 =	vadd.f32 v6, v21;
	_ =	sdelay $0x1  }
0x327: {  	[tilespmem:s21+$0xE0] =	vst v6  }
0x328: {  	v6 =	vld [tilespmem:$0x170FF];
	_ =	sdelay $0x1  }
0x329: {  	v7 =	vld [tilespmem:$0x17101];
	_ =	sdelay $0x2  }
0x32a: {  	v9 =	vmul.f32 v60, v20;
	v6 =	vmul.f32 v6, v19;
	_ =	sdelay $0x1  }
0x32b: {  	v7 =	vmul.f32 v7, v19;
	v6 =	vadd.f32 v6, v9;
	_ =	sdelay $0x1  }
0x32c: {  	v6 =	vadd.f32 v7, v6;
	_ =	sdelay $0x1  }
0x32d: {  	s17 =	sadd.s32 $0x1, s17;
	v6 =	vadd.f32 v6, v21  }
0x32e: {  	p0 =	sne.s32 s17, s10  }
.Ltmp5:
0x32f: {  	[tilespmem:s21+$0xF0] =	vst v6;
	(pc) =	sbr.rel @p0 .LBB2_1-.Ltmp5, $4  }
0x330: {  	[hbm4b:s9+s3] =	stream.linear.scatter [tilespmem:s3], [sflag:$0x2], $0x10000, $0x38;
	[tilespmem:$0x17580] =	vst v63  }
0x331: {  	_ =	swait.ge [sflag:s12], $0x10000  }
0x332: {  	[sflag:s12] =	ssyncset.done $0x0  }
0x333: {  	[sflag:s12] =	ssyncadd.s32 $0xFFFF0000  }
0x334: {  	_ =	sfence.sel $0x180000  }
0x335: {  	[bflag:$0x0] =	sbarrier.arrive $0xFFFF  }
0x336: {  	p0 =	sne.s32 s2, $0x0;
	_ =	strace $0x90000047  }
0x337: {  	s0 =	sadd.s32 @!p0 $0x100000, s1;
	[bflag:$0x2] =	sbarrier.arrive $0xFFFF  }
0x338: {  	[sflag:s0] =	ssyncadd.tile.s32 @!p0 $0x1;
	_ =	shalt  }
.Lfunc_end2:
_tile_overlayer_lowered:
.L_overlay_start_2:
0x339: {  	(tag) =	ssettag $0x2  }
0x33a: {  	s0 =	rddreg [dreg:$0x0];
	s2 =	stileid.u32  }
0x33b: {  	s1 =	rddreg [dreg:$0x1];
	p0 =	sne.s32 s2, $0x0  }
0x33c: {  	s3 =	rddreg [dreg:$0x2];
	[bflag:$0x3] =	sbarrier.arrive $0xFFFF;
	s2 =	simm.s32 @!p0 $0x1C02  }
0x33d: {  	[timem:s3], [sflag:s2] =	dma.local @!p0 [hbm:s0], s1  }
0x33e: {  	s0 =	simm.s32 @!p0 $0x2  }
0x33f: {  	_ =	swait.ge @!p0 [sflag:s0], s1  }
0x340: {  	s1 =	ssub.s32 @!p0 $0x0, s1;
	[sflag:s0] =	ssyncset.done @!p0 $0x0  }
0x341: {  	[sflag:s0] =	ssyncadd.s32 @!p0 s1  }
0x342: {  	[bflag:$0x3] =	sbarrier.arrive $0xFFFF  }
0x343: {  	_ =	shalt  }

</sc_bundles>
